<compile_context>
chip_gen: v7x
topology: tpu7x:2x2x1
jax: 0.10.2.dev20260603
libtpu: 0.0.44.dev20260713+nightly
codegen_flags: <defaults>
</compile_context>

<pallas_src>
import functools
import math

import jax
import jax.numpy as jnp
from jax.experimental import pallas as pl
from jax.experimental.pallas import tpu as pltpu
from jax.experimental.pallas import tpu_sc as plsc

F32 = jnp.float32
BF16 = jnp.bfloat16
I32 = jnp.int32
PREC = jax.lax.Precision.HIGHEST


def _ln_f32(x, g, b, eps=1e-5):
    m = jnp.mean(x, axis=-1, keepdims=True)
    v = jnp.mean((x - m) ** 2, axis=-1, keepdims=True)
    return (x - m) / jnp.sqrt(v + eps) * g + b


def _pre_kernel(x_ref, g_ref, b_ref, qw_ref, qb_ref, w1_ref, b1_ref,
                w2_ref, b2_ref, h_ref, q_ref, imp_ref):
    xt = x_ref[...]
    hn = _ln_f32(xt, g_ref[...], b_ref[...])
    hb = hn.astype(BF16)
    h_ref[...] = hb
    q = jnp.dot(hb, qw_ref[...].astype(BF16),
                preferred_element_type=F32) + qb_ref[...]
    q_ref[...] = q.astype(BF16)
    t1 = jnp.maximum(
        jnp.dot(hb, w1_ref[...].astype(BF16),
                preferred_element_type=F32) + b1_ref[...],
        0.0)
    w2b = w2_ref[...].astype(BF16).astype(F32)
    imp_ref[...] = (jnp.sum(t1.astype(BF16).astype(F32) * w2b,
                            axis=1, keepdims=True) + b2_ref[...])


def _kv_kernel(idx_ref, h_ref, kw_ref, kb_ref, vw_ref, vb_ref,
               kg_ref, vg_ref, *, S):
    iv = idx_ref[0, 0, :]
    oh = (iv[:, None] == jax.lax.broadcasted_iota(
        jnp.int32, (iv.shape[0], S), 1)).astype(BF16)
    hg = jnp.dot(oh, h_ref[0], preferred_element_type=F32)
    hgb = hg.astype(BF16)
    kg_ref[0] = (jnp.dot(hgb, kw_ref[...].astype(BF16),
                         preferred_element_type=F32)
                 + kb_ref[...]).astype(BF16)
    vg_ref[0] = (jnp.dot(hgb, vw_ref[...].astype(BF16),
                         preferred_element_type=F32)
                 + vb_ref[...]).astype(BF16)


def _attn_kernel(q_ref, kg_ref, vg_ref, ow_ref, ob_ref, x_ref,
                 g2_ref, b2_ref, gw_ref, gb_ref,
                 x1_ref, h2_ref, wm_ref, im_ref, *, H, HD, KK, E):
    qt = q_ref[0]
    kg = kg_ref[0]
    vg = vg_ref[0]
    KP = kg.shape[0]
    scale = 1.0 / math.sqrt(HD)
    col = jax.lax.broadcasted_iota(jnp.int32, (1, KP), 1)
    neg = jnp.float32(-1e30)
    pieces = []
    for h in range(H):
        sl = slice(h * HD, (h + 1) * HD)
        qh = qt[:, sl]
        kh = kg[:, sl]
        vh = vg[:, sl]
        sc = jax.lax.dot_general(qh, kh, (((1,), (1,)), ((), ())),
                                 preferred_element_type=F32) * scale
        sc = jnp.where(col < KK, sc, neg)
        m = jnp.max(sc, axis=1, keepdims=True)
        p = jnp.exp(sc - m)
        p = p / jnp.sum(p, axis=1, keepdims=True)
        pieces.append(jnp.dot(p.astype(BF16), vh,
                              preferred_element_type=F32))
    ao = jnp.concatenate(pieces, axis=1).astype(BF16)
    x1 = (jnp.dot(ao, ow_ref[...].astype(BF16),
                  preferred_element_type=F32) + ob_ref[...] + x_ref[0])
    x1_ref[0] = x1
    h2 = _ln_f32(x1, g2_ref[...], b2_ref[...])
    h2_ref[0] = h2.astype(BF16)
    logits = jax.lax.dot_general(h2.astype(BF16),
                                 gw_ref[...].astype(BF16),
                                 (((1,), (0,)), ((), ())),
                                 preferred_element_type=F32)
    logits = logits + gb_ref[...]
    lm = jnp.max(logits, axis=1, keepdims=True)
    pe = jnp.exp(logits - lm)
    probs = pe / jnp.sum(pe, axis=1, keepdims=True)
    ie = jax.lax.broadcasted_iota(jnp.int32, probs.shape, 1)
    v1 = jnp.max(probs, axis=1, keepdims=True)
    i1 = jnp.min(jnp.where(probs == v1, ie, E), axis=1, keepdims=True)
    sel1 = ie == i1
    p2 = jnp.where(sel1, -jnp.inf, probs)
    v2 = jnp.max(p2, axis=1, keepdims=True)
    i2 = jnp.min(jnp.where(p2 == v2, ie, E), axis=1, keepdims=True)
    sel2 = ie == i2
    s = v1 + v2
    wm_ref[0] = (jnp.where(sel1, v1, 0.0) + jnp.where(sel2, v2, 0.0)) / s
    im_ref[0] = (sel1 | sel2).astype(F32)


def _cnt_kernel(im_ref, cnt_ref):
    t = pl.program_id(0)

    @pl.when(t == 0)
    def _():
        cnt_ref[...] = jnp.zeros_like(cnt_ref)

    cnt_ref[...] += jnp.sum(im_ref[...], axis=0, keepdims=True)


def _slots_kernel(im_ref, wm_ref, cnt_ref, sa_ref, sb_ref, wa_ref, wb_ref,
                  be_ref, carry_ref, *, BT, E, G):
    t = pl.program_id(0)
    TT = im_ref.shape[0]
    im = im_ref[...]
    cnt = cnt_ref[...]
    pad_cnt = jnp.ceil(cnt / BT) * BT
    eE = jax.lax.broadcasted_iota(jnp.int32, (E, E), 0)
    eE2 = jax.lax.broadcasted_iota(jnp.int32, (E, E), 1)
    lowE = (eE < eE2).astype(F32)
    seg_off = jnp.dot(pad_cnt, lowE, preferred_element_type=F32,
                      precision=PREC)
    seg_end = seg_off + pad_cnt

    @pl.when(t == 0)
    def _():
        carry_ref[...] = jnp.zeros_like(carry_ref)

    carry = carry_ref[...]
    rT = jax.lax.broadcasted_iota(jnp.int32, (TT, TT), 0)
    cT = jax.lax.broadcasted_iota(jnp.int32, (TT, TT), 1)
    lowT = (cT < rT).astype(F32)
    rank = jnp.dot(lowT, im, preferred_element_type=F32,
                   precision=PREC) + carry
    carry_ref[...] = carry + jnp.sum(im, axis=0, keepdims=True)
    slot = seg_off + rank
    sel = im > 0.0
    sa = jnp.min(jnp.where(sel, slot, 1e9), axis=1, keepdims=True)
    sb = jnp.max(jnp.where(sel, slot, -1.0), axis=1, keepdims=True)
    sa_ref[...] = sa.astype(I32)
    sb_ref[...] = sb.astype(I32)
    wm = wm_ref[...]
    wa_ref[...] = jnp.sum(jnp.where(slot == sa, wm, 0.0), axis=1,
                          keepdims=True)
    wb_ref[...] = jnp.sum(jnp.where(slot == sb, wm, 0.0), axis=1,
                          keepdims=True)
    gs = (jax.lax.broadcasted_iota(jnp.int32, (1, G), 1) * BT).astype(F32)
    be = jnp.zeros((1, G), F32)
    for e in range(E):
        be = jnp.where(gs >= seg_end[0, e], be + 1.0, be)
    be_ref[...] = jnp.where(be >= E, 0.0, be).astype(I32)


def _moe_block_kernel(be_ref, hg_ref, ew1_ref, eb1_ref, ew2_ref,
                      eb2_ref, out_ref):
    out_ref[...] = hg_ref[...].astype(F32)


def _combine_kernel(x1_ref, wa_ref, wb_ref, p1_ref, p2_ref, out_ref):
    out_ref[...] = x1_ref[...] + (wa_ref[...] * p1_ref[...]
                                  + wb_ref[...] * p2_ref[...])


def _sc_dispatch(h2i, sa, sb, nslot):
    N, W = h2i.shape
    info = plsc.get_sparse_core_info()
    NW = info.num_cores * info.num_subcores
    TPW = N // NW
    CH = 64 if TPW % 64 == 0 else TPW
    NCH = TPW // CH
    mesh = plsc.VectorSubcoreMesh(core_axis_name="c", subcore_axis_name="s")

    @functools.partial(
        pl.kernel, mesh=mesh,
        out_type=jax.ShapeDtypeStruct((nslot, W), I32),
        scratch_types=[
            pltpu.VMEM((CH,), I32),
            pltpu.VMEM((CH,), I32),
            pltpu.VMEM((CH, W), I32),
            pltpu.SemaphoreType.DMA,
        ],
    )
    def k(h2_hbm, sa_hbm, sb_hbm, out_hbm, ia_v, ib_v, rows_v, sem):
        c = jax.lax.axis_index("c")
        s = jax.lax.axis_index("s")
        wid = s * info.num_cores + c
        base = wid * TPW
        for ch in range(NCH):
            off = base + ch * CH
            pltpu.sync_copy(sa_hbm.at[pl.ds(off, CH)], ia_v)
            pltpu.sync_copy(sb_hbm.at[pl.ds(off, CH)], ib_v)
            pltpu.sync_copy(h2_hbm.at[pl.ds(off, CH)], rows_v)
            pltpu.async_copy(rows_v, out_hbm.at[ia_v], sem).wait()
            pltpu.async_copy(rows_v, out_hbm.at[ib_v], sem).wait()

    return k(h2i, sa, sb)


def _sc_gather_rows(table, idx, nrows, D):
    info = plsc.get_sparse_core_info()
    NW = info.num_cores * info.num_subcores
    RPW = nrows // NW
    CH = 64 if RPW % 64 == 0 else RPW
    NCH = RPW // CH
    mesh = plsc.VectorSubcoreMesh(core_axis_name="c", subcore_axis_name="s")

    @functools.partial(
        pl.kernel, mesh=mesh,
        out_type=jax.ShapeDtypeStruct((nrows, D), F32),
        scratch_types=[
            pltpu.VMEM((CH,), I32),
            pltpu.VMEM((CH, D), F32),
            pltpu.SemaphoreType.DMA,
        ],
    )
    def k(table_hbm, idx_hbm, out_hbm, idx_v, rows_v, sem):
        c = jax.lax.axis_index("c")
        s = jax.lax.axis_index("s")
        wid = s * info.num_cores + c
        base = wid * RPW
        for ch in range(NCH):
            off = base + ch * CH
            pltpu.sync_copy(idx_hbm.at[pl.ds(off, CH)], idx_v)
            pltpu.async_copy(table_hbm.at[idx_v], rows_v, sem).wait()
            pltpu.sync_copy(rows_v, out_hbm.at[pl.ds(off, CH)])

    return k(table, idx)


def kernel(x, norm1_g, norm1_b, norm2_g, norm2_b, q_w, q_b, k_w, k_b,
           v_w, v_b, o_w, o_b, idx_w1, idx_b1, idx_w2, idx_b2,
           gate_w, gate_b, ew1, eb1, ew2, eb2):
    B, S, D = x.shape
    H = 12
    HD = D // H
    E = gate_w.shape[1]
    DFF = ew1.shape[2]
    DH = idx_w1.shape[1]
    KK = max(1, int(S * 0.3))
    KP = ((KK + 127) // 128) * 128
    TS = 512
    N = B * S
    NT = N // TS
    NTB = S // TS

    xf = x.reshape(N, D)
    r2 = lambda a: a.reshape(1, -1)

    h_f, q_f, imp_f = pl.pallas_call(
        _pre_kernel,
        grid=(NT,),
        in_specs=[
            pl.BlockSpec((TS, D), lambda t: (t, 0)),
            pl.BlockSpec((1, D), lambda t: (0, 0)),
            pl.BlockSpec((1, D), lambda t: (0, 0)),
            pl.BlockSpec((D, D), lambda t: (0, 0)),
            pl.BlockSpec((1, D), lambda t: (0, 0)),
            pl.BlockSpec((D, DH), lambda t: (0, 0)),
            pl.BlockSpec((1, DH), lambda t: (0, 0)),
            pl.BlockSpec((1, DH), lambda t: (0, 0)),
            pl.BlockSpec((1, 1), lambda t: (0, 0)),
        ],
        out_specs=[
            pl.BlockSpec((TS, D), lambda t: (t, 0)),
            pl.BlockSpec((TS, D), lambda t: (t, 0)),
            pl.BlockSpec((TS, 1), lambda t: (t, 0)),
        ],
        out_shape=[
            jax.ShapeDtypeStruct((N, D), BF16),
            jax.ShapeDtypeStruct((N, D), BF16),
            jax.ShapeDtypeStruct((N, 1), F32),
        ],
    )(xf, r2(norm1_g), r2(norm1_b), q_w, r2(q_b),
      idx_w1, r2(idx_b1), idx_w2.reshape(1, DH), idx_b2.reshape(1, 1))

    imp = imp_f.reshape(B, S)
    _, top_idx = jax.lax.top_k(imp, KK)
    idx_p = jnp.concatenate(
        [top_idx, jnp.zeros((B, KP - KK), jnp.int32)], axis=1)
    idx_p = idx_p.reshape(B, 1, KP)

    h3 = h_f.reshape(B, S, D)
    q3 = q_f.reshape(B, S, D)

    kg, vg = pl.pallas_call(
        functools.partial(_kv_kernel, S=S),
        grid=(B,),
        in_specs=[
            pl.BlockSpec((1, 1, KP), lambda b: (b, 0, 0)),
            pl.BlockSpec((1, S, D), lambda b: (b, 0, 0)),
            pl.BlockSpec((D, D), lambda b: (0, 0)),
            pl.BlockSpec((1, D), lambda b: (0, 0)),
            pl.BlockSpec((D, D), lambda b: (0, 0)),
            pl.BlockSpec((1, D), lambda b: (0, 0)),
        ],
        out_specs=[
            pl.BlockSpec((1, KP, D), lambda b: (b, 0, 0)),
            pl.BlockSpec((1, KP, D), lambda b: (b, 0, 0)),
        ],
        out_shape=[
            jax.ShapeDtypeStruct((B, KP, D), BF16),
            jax.ShapeDtypeStruct((B, KP, D), BF16),
        ],
    )(idx_p, h3, k_w, r2(k_b), v_w, r2(v_b))

    x1, h2, wm, im = pl.pallas_call(
        functools.partial(_attn_kernel, H=H, HD=HD, KK=KK, E=E),
        grid=(B, NTB),
        in_specs=[
            pl.BlockSpec((1, TS, D), lambda b, t: (b, t, 0)),
            pl.BlockSpec((1, KP, D), lambda b, t: (b, 0, 0)),
            pl.BlockSpec((1, KP, D), lambda b, t: (b, 0, 0)),
            pl.BlockSpec((D, D), lambda b, t: (0, 0)),
            pl.BlockSpec((1, D), lambda b, t: (0, 0)),
            pl.BlockSpec((1, TS, D), lambda b, t: (b, t, 0)),
            pl.BlockSpec((1, D), lambda b, t: (0, 0)),
            pl.BlockSpec((1, D), lambda b, t: (0, 0)),
            pl.BlockSpec((D, E), lambda b, t: (0, 0)),
            pl.BlockSpec((1, E), lambda b, t: (0, 0)),
        ],
        out_specs=[
            pl.BlockSpec((1, TS, D), lambda b, t: (b, t, 0)),
            pl.BlockSpec((1, TS, D), lambda b, t: (b, t, 0)),
            pl.BlockSpec((1, TS, E), lambda b, t: (b, t, 0)),
            pl.BlockSpec((1, TS, E), lambda b, t: (b, t, 0)),
        ],
        out_shape=[
            jax.ShapeDtypeStruct((B, S, D), F32),
            jax.ShapeDtypeStruct((B, S, D), BF16),
            jax.ShapeDtypeStruct((B, S, E), F32),
            jax.ShapeDtypeStruct((B, S, E), F32),
        ],
    )(q3, kg, vg, o_w, r2(o_b), x, r2(norm2_g), r2(norm2_b),
      gate_w, r2(gate_b))

    BT = 256
    G = 2 * N // BT + E
    NSLOT = G * BT
    imf = im.reshape(N, E)
    wmf = wm.reshape(N, E)

    cnt = pl.pallas_call(
        _cnt_kernel,
        grid=(NT,),
        in_specs=[pl.BlockSpec((TS, E), lambda t: (t, 0))],
        out_specs=pl.BlockSpec((1, E), lambda t: (0, 0)),
        out_shape=jax.ShapeDtypeStruct((1, E), F32),
    )(imf)

    sa, sb, wa, wb, be = pl.pallas_call(
        functools.partial(_slots_kernel, BT=BT, E=E, G=G),
        grid=(NT,),
        in_specs=[
            pl.BlockSpec((TS, E), lambda t: (t, 0)),
            pl.BlockSpec((TS, E), lambda t: (t, 0)),
            pl.BlockSpec((1, E), lambda t: (0, 0)),
        ],
        out_specs=[
            pl.BlockSpec((TS, 1), lambda t: (t, 0)),
            pl.BlockSpec((TS, 1), lambda t: (t, 0)),
            pl.BlockSpec((TS, 1), lambda t: (t, 0)),
            pl.BlockSpec((TS, 1), lambda t: (t, 0)),
            pl.BlockSpec((1, G), lambda t: (0, 0)),
        ],
        out_shape=[
            jax.ShapeDtypeStruct((N, 1), I32),
            jax.ShapeDtypeStruct((N, 1), I32),
            jax.ShapeDtypeStruct((N, 1), F32),
            jax.ShapeDtypeStruct((N, 1), F32),
            jax.ShapeDtypeStruct((1, G), I32),
        ],
        scratch_shapes=[pltpu.VMEM((1, E), F32)],
    )(imf, wmf, cnt)

    h2i = jax.lax.bitcast_convert_type(
        h2.reshape(N, D // 2, 2), I32)
    hg2i = _sc_dispatch(h2i, sa.reshape(N), sb.reshape(N), NSLOT)
    hg2 = jax.lax.bitcast_convert_type(
        hg2i, BF16).reshape(NSLOT, D)

    mlp = pl.pallas_call(
        _moe_block_kernel,
        grid_spec=pltpu.PrefetchScalarGridSpec(
            num_scalar_prefetch=1,
            grid=(G,),
            in_specs=[
                pl.BlockSpec((BT, D), lambda g, be: (g, 0)),
                pl.BlockSpec((1, D, DFF), lambda g, be: (be[g], 0, 0)),
                pl.BlockSpec((1, 1, DFF), lambda g, be: (be[g], 0, 0)),
                pl.BlockSpec((1, DFF, D), lambda g, be: (be[g], 0, 0)),
                pl.BlockSpec((1, 1, D), lambda g, be: (be[g], 0, 0)),
            ],
            out_specs=pl.BlockSpec((BT, D), lambda g, be: (g, 0)),
        ),
        out_shape=jax.ShapeDtypeStruct((NSLOT, D), F32),
    )(be.reshape(G), hg2, ew1.astype(BF16), eb1.reshape(E, 1, DFF),
      ew2.astype(BF16), eb2.reshape(E, 1, D))

    comb_idx = jnp.concatenate([sa.reshape(N), sb.reshape(N)])
    pcomb = _sc_gather_rows(mlp, comb_idx, 2 * N, D)

    out = pl.pallas_call(
        _combine_kernel,
        grid=(NT,),
        in_specs=[
            pl.BlockSpec((TS, D), lambda t: (t, 0)),
            pl.BlockSpec((TS, 1), lambda t: (t, 0)),
            pl.BlockSpec((TS, 1), lambda t: (t, 0)),
            pl.BlockSpec((TS, D), lambda t: (t, 0)),
            pl.BlockSpec((TS, D), lambda t: (t + NT, 0)),
        ],
        out_specs=pl.BlockSpec((TS, D), lambda t: (t, 0)),
        out_shape=jax.ShapeDtypeStruct((N, D), F32),
    )(x1.reshape(N, D), wa, wb, pcomb, pcomb)

    return out.reshape(B, S, D)

# --- scband reference (transcript-rebuilt; emitter-appended) ---
"""Pipeline reference for scband-transformer-block-29171417875245 (READ-ONLY COPY).

The authoritative reference and input builder live on the scoring server;
editing this copy changes nothing except your own understanding.
"""

import jax, jax.numpy as jnp
import numpy as np
import math

D = 768
H = 12
DFF = 2048
E = 8
TOPK = 2
SPARSITY = 0.3
B = 2
S = 2048

def _ln(x, g, b):
    m = jnp.mean(x, axis=-1, keepdims=True)
    v = jnp.mean((x - m) ** 2, axis=-1, keepdims=True)
    return (x - m) / jnp.sqrt(v + 1e-5) * g + b

def setup_inputs(seed: int = 0):
    key = jax.random.key(seed)
    ks = jax.random.split(key, 20)
    def w(k, shape, scale=0.02):
        return jax.random.normal(k, shape, dtype=jnp.float32) * scale
    inp = {}
    inp['x'] = jax.random.normal(ks[0], (B, S, D), dtype=jnp.float32)
    inp['norm1_g'] = jnp.ones((D,), jnp.float32)
    inp['norm1_b'] = jnp.zeros((D,), jnp.float32)
    inp['norm2_g'] = jnp.ones((D,), jnp.float32)
    inp['norm2_b'] = jnp.zeros((D,), jnp.float32)
    inp['q_w'] = w(ks[1], (D, D)); inp['q_b'] = jnp.zeros((D,), jnp.float32)
    inp['k_w'] = w(ks[2], (D, D)); inp['k_b'] = jnp.zeros((D,), jnp.float32)
    inp['v_w'] = w(ks[3], (D, D)); inp['v_b'] = jnp.zeros((D,), jnp.float32)
    inp['o_w'] = w(ks[4], (D, D)); inp['o_b'] = jnp.zeros((D,), jnp.float32)
    inp['idx_w1'] = w(ks[5], (D, D // 2)); inp['idx_b1'] = jnp.zeros((D // 2,), jnp.float32)
    inp['idx_w2'] = w(ks[6], (D // 2, 1)); inp['idx_b2'] = jnp.zeros((1,), jnp.float32)
    inp['gate_w'] = w(ks[7], (D, E)); inp['gate_b'] = jnp.zeros((E,), jnp.float32)
    inp['ew1'] = w(ks[8], (E, D, DFF)); inp['eb1'] = jnp.zeros((E, DFF), jnp.float32)
    inp['ew2'] = w(ks[9], (E, DFF, D)); inp['eb2'] = jnp.zeros((E, D), jnp.float32)
    return inp

def _forward(x, norm1_g, norm1_b, norm2_g, norm2_b, q_w, q_b, k_w, k_b, v_w, v_b, o_w, o_b, idx_w1, idx_b1, idx_w2, idx_b2, gate_w, gate_b, ew1, eb1, ew2, eb2):
    Bs, Ss, _ = x.shape
    hd = D // H
    h = _ln(x, norm1_g, norm1_b)
    Q = (h @ q_w + q_b).reshape(Bs, Ss, H, hd).transpose(0, 2, 1, 3)
    K = (h @ k_w + k_b).reshape(Bs, Ss, H, hd).transpose(0, 2, 1, 3)
    V = (h @ v_w + v_b).reshape(Bs, Ss, H, hd).transpose(0, 2, 1, 3)
    imp = (jax.nn.relu(h @ idx_w1 + idx_b1) @ idx_w2 + idx_b2)[..., 0]
    kk = max(1, int(Ss * SPARSITY))
    _, top_idx = jax.lax.top_k(imp, kk)
    sm = jnp.zeros((Bs, Ss), jnp.float32).at[jnp.arange(Bs)[:, None], top_idx].set(1.0)
    scores = Q @ K.transpose(0, 1, 3, 2) / math.sqrt(hd)
    scores = jnp.where(sm[:, None, None, :] == 0, -jnp.inf, scores)
    attn = jax.nn.softmax(scores, axis=-1)
    ao = (attn @ V).transpose(0, 2, 1, 3).reshape(Bs, Ss, D)
    ao = ao @ o_w + o_b
    x = x + ao
    h2 = _ln(x, norm2_g, norm2_b)
    gs = jax.nn.softmax(h2 @ gate_w + gate_b, axis=-1)
    ts, ti = jax.lax.top_k(gs, TOPK)
    ts = ts / jnp.sum(ts, axis=-1, keepdims=True)
    moe = jnp.zeros_like(h2)
    for e in range(E):
        w_e = jnp.sum(ts * (ti == e).astype(ts.dtype), axis=-1)
        eo = jax.nn.gelu(h2 @ ew1[e] + eb1[e], approximate=False) @ ew2[e] + eb2[e]
        moe = moe + w_e[..., None] * eo
    return x + moe

def reference(x, norm1_g, norm1_b, norm2_g, norm2_b, q_w, q_b, k_w, k_b, v_w, v_b, o_w, o_b, idx_w1, idx_b1, idx_w2, idx_b2, gate_w, gate_b, ew1, eb1, ew2, eb2):
    return _forward(x, norm1_g, norm1_b, norm2_g, norm2_b, q_w, q_b, k_w, k_b, v_w, v_b, o_w, o_b, idx_w1, idx_b1, idx_w2, idx_b2, gate_w, gate_b, ew1, eb1, ew2, eb2)

if __name__ == "__main__":
    import jax
    _d = setup_inputs()
    print(jax.jit(kernel)(*tuple(_d.values())))

</pallas_src>

<mosaic_0001>
#map = affine_map<(d0, d1) -> (0, 0)>
#map1 = affine_map<(d0, d1) -> (0)>
module attributes {stable_mosaic.version = 14 : i64} {
  func.func @k(%arg0: i32, %arg1: i32, %arg2: memref<4096x384xi32, #tpu.memory_space<hbm>>, %arg3: memref<4096xi32, #tpu.memory_space<hbm>>, %arg4: memref<4096xi32, #tpu.memory_space<hbm>>, %arg5: memref<10240x384xi32, #tpu.memory_space<hbm>>, %arg6: memref<64xi32, #tpu.memory_space<vmem>>, %arg7: memref<64xi32, #tpu.memory_space<vmem>>, %arg8: memref<64x384xi32, #tpu.memory_space<vmem>>, %arg9: memref<!tpu.dma_semaphore, #tpu.memory_space<semaphore_mem>>) attributes {dimension_semantics = [#tpu.dimension_semantics<core_parallel>, #tpu.dimension_semantics<subcore_parallel>], iteration_bounds = array<i64: 2, 16>, scalar_prefetch = 0 : i64, scratch_operands = 4 : i64, tpu.core_type = #tpu.core_type<sc_vector_subcore>, window_params = [{transform_indices = #map}, {transform_indices = #map1}, {transform_indices = #map1}, {transform_indices = #map}]} {
    %mul3A = arith.constant 2 : i32
    %mul3A_0 = arith.muli %arg1, %mul3A : i32
    %add3A = arith.addi %mul3A_0, %arg0 : i32
    %mul3A_1 = arith.constant 128 : i32
    %mul3A_2 = arith.muli %add3A, %mul3A_1 : i32
    %add3A_3 = arith.constant 0 : i32
    %add3A_4 = arith.addi %mul3A_2, %add3A_3 : i32
    "tpu.region"() ({
      %run_scoped3A = tpu.sem_alloc : memref<!tpu.dma_semaphore, #tpu.memory_space<semaphore_mem>>
      %dma_start3A_29 = tpu.memref_slice %arg3[%add3A_4] : memref<4096xi32, #tpu.memory_space<hbm>> -> memref<64xi32, #tpu.memory_space<hbm>>
      %dma_start3A_30 = tpu.memref_slice %arg3[%add3A_4] : memref<4096xi32, #tpu.memory_space<hbm>> -> memref<64xi32, #tpu.memory_space<hbm>>
      tpu.enqueue_dma source(%dma_start3A_30 : memref<64xi32, #tpu.memory_space<hbm>>) target(%arg6 : memref<64xi32, #tpu.memory_space<vmem>>) target_semaphore(%run_scoped3A : memref<!tpu.dma_semaphore, #tpu.memory_space<semaphore_mem>>)
      %dma_wait3A_31 = tpu.memref_slice %arg3[%add3A_4] : memref<4096xi32, #tpu.memory_space<hbm>> -> memref<64xi32, #tpu.memory_space<hbm>>
      %dma_wait3A_32 = tpu.memref_slice %arg3[%add3A_4] : memref<4096xi32, #tpu.memory_space<hbm>> -> memref<64xi32, #tpu.memory_space<hbm>>
      tpu.wait_dma2 semaphore(%run_scoped3A : memref<!tpu.dma_semaphore, #tpu.memory_space<semaphore_mem>>) src(%dma_wait3A_32 : memref<64xi32, #tpu.memory_space<hbm>>) dst(%arg6 : memref<64xi32, #tpu.memory_space<vmem>>)
      tpu.yield
    }) : () -> ()
    "tpu.region"() ({
      %run_scoped3A = tpu.sem_alloc : memref<!tpu.dma_semaphore, #tpu.memory_space<semaphore_mem>>
      %dma_start3A_29 = tpu.memref_slice %arg4[%add3A_4] : memref<4096xi32, #tpu.memory_space<hbm>> -> memref<64xi32, #tpu.memory_space<hbm>>
      %dma_start3A_30 = tpu.memref_slice %arg4[%add3A_4] : memref<4096xi32, #tpu.memory_space<hbm>> -> memref<64xi32, #tpu.memory_space<hbm>>
      tpu.enqueue_dma source(%dma_start3A_30 : memref<64xi32, #tpu.memory_space<hbm>>) target(%arg7 : memref<64xi32, #tpu.memory_space<vmem>>) target_semaphore(%run_scoped3A : memref<!tpu.dma_semaphore, #tpu.memory_space<semaphore_mem>>)
      %dma_wait3A_31 = tpu.memref_slice %arg4[%add3A_4] : memref<4096xi32, #tpu.memory_space<hbm>> -> memref<64xi32, #tpu.memory_space<hbm>>
      %dma_wait3A_32 = tpu.memref_slice %arg4[%add3A_4] : memref<4096xi32, #tpu.memory_space<hbm>> -> memref<64xi32, #tpu.memory_space<hbm>>
      tpu.wait_dma2 semaphore(%run_scoped3A : memref<!tpu.dma_semaphore, #tpu.memory_space<semaphore_mem>>) src(%dma_wait3A_32 : memref<64xi32, #tpu.memory_space<hbm>>) dst(%arg7 : memref<64xi32, #tpu.memory_space<vmem>>)
      tpu.yield
    }) : () -> ()
    "tpu.region"() ({
      %run_scoped3A = tpu.sem_alloc : memref<!tpu.dma_semaphore, #tpu.memory_space<semaphore_mem>>
      %dma_start3A_29 = arith.constant 0 : i32
      %dma_start3A_30 = tpu.memref_slice %arg2[%add3A_4, %dma_start3A_29] : memref<4096x384xi32, #tpu.memory_space<hbm>> -> memref<64x384xi32, #tpu.memory_space<hbm>>
      %dma_start3A_31 = arith.constant 0 : i32
      %dma_start3A_32 = tpu.memref_slice %arg2[%add3A_4, %dma_start3A_31] : memref<4096x384xi32, #tpu.memory_space<hbm>> -> memref<64x384xi32, #tpu.memory_space<hbm>>
      tpu.enqueue_dma source(%dma_start3A_32 : memref<64x384xi32, #tpu.memory_space<hbm>>) target(%arg8 : memref<64x384xi32, #tpu.memory_space<vmem>>) target_semaphore(%run_scoped3A : memref<!tpu.dma_semaphore, #tpu.memory_space<semaphore_mem>>)
      %dma_wait3A_33 = arith.constant 0 : i32
      %dma_wait3A_34 = tpu.memref_slice %arg2[%add3A_4, %dma_wait3A_33] : memref<4096x384xi32, #tpu.memory_space<hbm>> -> memref<64x384xi32, #tpu.memory_space<hbm>>
      %dma_wait3A_35 = arith.constant 0 : i32
      %dma_wait3A_36 = tpu.memref_slice %arg2[%add3A_4, %dma_wait3A_35] : memref<4096x384xi32, #tpu.memory_space<hbm>> -> memref<64x384xi32, #tpu.memory_space<hbm>>
      tpu.wait_dma2 semaphore(%run_scoped3A : memref<!tpu.dma_semaphore, #tpu.memory_space<semaphore_mem>>) src(%dma_wait3A_36 : memref<64x384xi32, #tpu.memory_space<hbm>>) dst(%arg8 : memref<64x384xi32, #tpu.memory_space<vmem>>)
      tpu.yield
    }) : () -> ()
    %dma_start3A = arith.constant 0 : i32
    %dma_start3A_5 = arith.constant 0 : i32
    %dma_start3A_6 = tpu.memref_slice %arg5[%dma_start3A, %dma_start3A_5] : memref<10240x384xi32, #tpu.memory_space<hbm>> -> memref<10240x384xi32, #tpu.memory_space<hbm>>
    tpu.enqueue_indirect_dma source(%arg8 : memref<64x384xi32, #tpu.memory_space<vmem>>) target(%dma_start3A_6 : memref<10240x384xi32, #tpu.memory_space<hbm>>) offsets(%arg6 : memref<64xi32, #tpu.memory_space<vmem>>) semaphore(%arg9 : memref<!tpu.dma_semaphore, #tpu.memory_space<semaphore_mem>>)
    %dma_wait3A = arith.constant 0 : i32
    %dma_wait3A_7 = arith.constant 0 : i32
    %dma_wait3A_8 = tpu.memref_slice %arg5[%dma_wait3A, %dma_wait3A_7] : memref<10240x384xi32, #tpu.memory_space<hbm>> -> memref<10240x384xi32, #tpu.memory_space<hbm>>
    tpu.wait_indirect_dma semaphore(%arg9 : memref<!tpu.dma_semaphore, #tpu.memory_space<semaphore_mem>>) src(%arg8 : memref<64x384xi32, #tpu.memory_space<vmem>>) dst(%dma_wait3A_8 : memref<10240x384xi32, #tpu.memory_space<hbm>>)
    %dma_start3A_9 = arith.constant 0 : i32
    %dma_start3A_10 = arith.constant 0 : i32
    %dma_start3A_11 = tpu.memref_slice %arg5[%dma_start3A_9, %dma_start3A_10] : memref<10240x384xi32, #tpu.memory_space<hbm>> -> memref<10240x384xi32, #tpu.memory_space<hbm>>
    tpu.enqueue_indirect_dma source(%arg8 : memref<64x384xi32, #tpu.memory_space<vmem>>) target(%dma_start3A_11 : memref<10240x384xi32, #tpu.memory_space<hbm>>) offsets(%arg7 : memref<64xi32, #tpu.memory_space<vmem>>) semaphore(%arg9 : memref<!tpu.dma_semaphore, #tpu.memory_space<semaphore_mem>>)
    %dma_wait3A_12 = arith.constant 0 : i32
    %dma_wait3A_13 = arith.constant 0 : i32
    %dma_wait3A_14 = tpu.memref_slice %arg5[%dma_wait3A_12, %dma_wait3A_13] : memref<10240x384xi32, #tpu.memory_space<hbm>> -> memref<10240x384xi32, #tpu.memory_space<hbm>>
    tpu.wait_indirect_dma semaphore(%arg9 : memref<!tpu.dma_semaphore, #tpu.memory_space<semaphore_mem>>) src(%arg8 : memref<64x384xi32, #tpu.memory_space<vmem>>) dst(%dma_wait3A_14 : memref<10240x384xi32, #tpu.memory_space<hbm>>)
    %add3A_15 = arith.constant 64 : i32
    %add3A_16 = arith.addi %mul3A_2, %add3A_15 : i32
    "tpu.region"() ({
      %run_scoped3A = tpu.sem_alloc : memref<!tpu.dma_semaphore, #tpu.memory_space<semaphore_mem>>
      %dma_start3A_29 = tpu.memref_slice %arg3[%add3A_16] : memref<4096xi32, #tpu.memory_space<hbm>> -> memref<64xi32, #tpu.memory_space<hbm>>
      %dma_start3A_30 = tpu.memref_slice %arg3[%add3A_16] : memref<4096xi32, #tpu.memory_space<hbm>> -> memref<64xi32, #tpu.memory_space<hbm>>
      tpu.enqueue_dma source(%dma_start3A_30 : memref<64xi32, #tpu.memory_space<hbm>>) target(%arg6 : memref<64xi32, #tpu.memory_space<vmem>>) target_semaphore(%run_scoped3A : memref<!tpu.dma_semaphore, #tpu.memory_space<semaphore_mem>>)
      %dma_wait3A_31 = tpu.memref_slice %arg3[%add3A_16] : memref<4096xi32, #tpu.memory_space<hbm>> -> memref<64xi32, #tpu.memory_space<hbm>>
      %dma_wait3A_32 = tpu.memref_slice %arg3[%add3A_16] : memref<4096xi32, #tpu.memory_space<hbm>> -> memref<64xi32, #tpu.memory_space<hbm>>
      tpu.wait_dma2 semaphore(%run_scoped3A : memref<!tpu.dma_semaphore, #tpu.memory_space<semaphore_mem>>) src(%dma_wait3A_32 : memref<64xi32, #tpu.memory_space<hbm>>) dst(%arg6 : memref<64xi32, #tpu.memory_space<vmem>>)
      tpu.yield
    }) : () -> ()
    "tpu.region"() ({
      %run_scoped3A = tpu.sem_alloc : memref<!tpu.dma_semaphore, #tpu.memory_space<semaphore_mem>>
      %dma_start3A_29 = tpu.memref_slice %arg4[%add3A_16] : memref<4096xi32, #tpu.memory_space<hbm>> -> memref<64xi32, #tpu.memory_space<hbm>>
      %dma_start3A_30 = tpu.memref_slice %arg4[%add3A_16] : memref<4096xi32, #tpu.memory_space<hbm>> -> memref<64xi32, #tpu.memory_space<hbm>>
      tpu.enqueue_dma source(%dma_start3A_30 : memref<64xi32, #tpu.memory_space<hbm>>) target(%arg7 : memref<64xi32, #tpu.memory_space<vmem>>) target_semaphore(%run_scoped3A : memref<!tpu.dma_semaphore, #tpu.memory_space<semaphore_mem>>)
      %dma_wait3A_31 = tpu.memref_slice %arg4[%add3A_16] : memref<4096xi32, #tpu.memory_space<hbm>> -> memref<64xi32, #tpu.memory_space<hbm>>
      %dma_wait3A_32 = tpu.memref_slice %arg4[%add3A_16] : memref<4096xi32, #tpu.memory_space<hbm>> -> memref<64xi32, #tpu.memory_space<hbm>>
      tpu.wait_dma2 semaphore(%run_scoped3A : memref<!tpu.dma_semaphore, #tpu.memory_space<semaphore_mem>>) src(%dma_wait3A_32 : memref<64xi32, #tpu.memory_space<hbm>>) dst(%arg7 : memref<64xi32, #tpu.memory_space<vmem>>)
      tpu.yield
    }) : () -> ()
    "tpu.region"() ({
      %run_scoped3A = tpu.sem_alloc : memref<!tpu.dma_semaphore, #tpu.memory_space<semaphore_mem>>
      %dma_start3A_29 = arith.constant 0 : i32
      %dma_start3A_30 = tpu.memref_slice %arg2[%add3A_16, %dma_start3A_29] : memref<4096x384xi32, #tpu.memory_space<hbm>> -> memref<64x384xi32, #tpu.memory_space<hbm>>
      %dma_start3A_31 = arith.constant 0 : i32
      %dma_start3A_32 = tpu.memref_slice %arg2[%add3A_16, %dma_start3A_31] : memref<4096x384xi32, #tpu.memory_space<hbm>> -> memref<64x384xi32, #tpu.memory_space<hbm>>
      tpu.enqueue_dma source(%dma_start3A_32 : memref<64x384xi32, #tpu.memory_space<hbm>>) target(%arg8 : memref<64x384xi32, #tpu.memory_space<vmem>>) target_semaphore(%run_scoped3A : memref<!tpu.dma_semaphore, #tpu.memory_space<semaphore_mem>>)
      %dma_wait3A_33 = arith.constant 0 : i32
      %dma_wait3A_34 = tpu.memref_slice %arg2[%add3A_16, %dma_wait3A_33] : memref<4096x384xi32, #tpu.memory_space<hbm>> -> memref<64x384xi32, #tpu.memory_space<hbm>>
      %dma_wait3A_35 = arith.constant 0 : i32
      %dma_wait3A_36 = tpu.memref_slice %arg2[%add3A_16, %dma_wait3A_35] : memref<4096x384xi32, #tpu.memory_space<hbm>> -> memref<64x384xi32, #tpu.memory_space<hbm>>
      tpu.wait_dma2 semaphore(%run_scoped3A : memref<!tpu.dma_semaphore, #tpu.memory_space<semaphore_mem>>) src(%dma_wait3A_36 : memref<64x384xi32, #tpu.memory_space<hbm>>) dst(%arg8 : memref<64x384xi32, #tpu.memory_space<vmem>>)
      tpu.yield
    }) : () -> ()
    %dma_start3A_17 = arith.constant 0 : i32
    %dma_start3A_18 = arith.constant 0 : i32
    %dma_start3A_19 = tpu.memref_slice %arg5[%dma_start3A_17, %dma_start3A_18] : memref<10240x384xi32, #tpu.memory_space<hbm>> -> memref<10240x384xi32, #tpu.memory_space<hbm>>
    tpu.enqueue_indirect_dma source(%arg8 : memref<64x384xi32, #tpu.memory_space<vmem>>) target(%dma_start3A_19 : memref<10240x384xi32, #tpu.memory_space<hbm>>) offsets(%arg6 : memref<64xi32, #tpu.memory_space<vmem>>) semaphore(%arg9 : memref<!tpu.dma_semaphore, #tpu.memory_space<semaphore_mem>>)
    %dma_wait3A_20 = arith.constant 0 : i32
    %dma_wait3A_21 = arith.constant 0 : i32
    %dma_wait3A_22 = tpu.memref_slice %arg5[%dma_wait3A_20, %dma_wait3A_21] : memref<10240x384xi32, #tpu.memory_space<hbm>> -> memref<10240x384xi32, #tpu.memory_space<hbm>>
    tpu.wait_indirect_dma semaphore(%arg9 : memref<!tpu.dma_semaphore, #tpu.memory_space<semaphore_mem>>) src(%arg8 : memref<64x384xi32, #tpu.memory_space<vmem>>) dst(%dma_wait3A_22 : memref<10240x384xi32, #tpu.memory_space<hbm>>)
    %dma_start3A_23 = arith.constant 0 : i32
    %dma_start3A_24 = arith.constant 0 : i32
    %dma_start3A_25 = tpu.memref_slice %arg5[%dma_start3A_23, %dma_start3A_24] : memref<10240x384xi32, #tpu.memory_space<hbm>> -> memref<10240x384xi32, #tpu.memory_space<hbm>>
    tpu.enqueue_indirect_dma source(%arg8 : memref<64x384xi32, #tpu.memory_space<vmem>>) target(%dma_start3A_25 : memref<10240x384xi32, #tpu.memory_space<hbm>>) offsets(%arg7 : memref<64xi32, #tpu.memory_space<vmem>>) semaphore(%arg9 : memref<!tpu.dma_semaphore, #tpu.memory_space<semaphore_mem>>)
    %dma_wait3A_26 = arith.constant 0 : i32
    %dma_wait3A_27 = arith.constant 0 : i32
    %dma_wait3A_28 = tpu.memref_slice %arg5[%dma_wait3A_26, %dma_wait3A_27] : memref<10240x384xi32, #tpu.memory_space<hbm>> -> memref<10240x384xi32, #tpu.memory_space<hbm>>
    tpu.wait_indirect_dma semaphore(%arg9 : memref<!tpu.dma_semaphore, #tpu.memory_space<semaphore_mem>>) src(%arg8 : memref<64x384xi32, #tpu.memory_space<vmem>>) dst(%dma_wait3A_28 : memref<10240x384xi32, #tpu.memory_space<hbm>>)
    return
  }
}

#map = affine_map<(d0, d1) -> (0, 0)>
#map1 = affine_map<(d0, d1) -> (0)>
module attributes {stable_mosaic.version = 14 : i64} {
  func.func @k(%arg0: i32, %arg1: i32, %arg2: memref<10240x768xf32, #tpu.memory_space<hbm>>, %arg3: memref<8192xi32, #tpu.memory_space<hbm>>, %arg4: memref<8192x768xf32, #tpu.memory_space<hbm>>, %arg5: memref<64xi32, #tpu.memory_space<vmem>>, %arg6: memref<64x768xf32, #tpu.memory_space<vmem>>, %arg7: memref<!tpu.dma_semaphore, #tpu.memory_space<semaphore_mem>>) attributes {dimension_semantics = [#tpu.dimension_semantics<core_parallel>, #tpu.dimension_semantics<subcore_parallel>], iteration_bounds = array<i64: 2, 16>, scalar_prefetch = 0 : i64, scratch_operands = 3 : i64, tpu.core_type = #tpu.core_type<sc_vector_subcore>, window_params = [{transform_indices = #map}, {transform_indices = #map1}, {transform_indices = #map}]} {
    %mul3A = arith.constant 2 : i32
    %mul3A_0 = arith.muli %arg1, %mul3A : i32
    %add3A = arith.addi %mul3A_0, %arg0 : i32
    %mul3A_1 = arith.constant 256 : i32
    %mul3A_2 = arith.muli %add3A, %mul3A_1 : i32
    %add3A_3 = arith.constant 0 : i32
    %add3A_4 = arith.addi %mul3A_2, %add3A_3 : i32
    "tpu.region"() ({
      %run_scoped3A = tpu.sem_alloc : memref<!tpu.dma_semaphore, #tpu.memory_space<semaphore_mem>>
      %dma_start3A_33 = tpu.memref_slice %arg3[%add3A_4] : memref<8192xi32, #tpu.memory_space<hbm>> -> memref<64xi32, #tpu.memory_space<hbm>>
      %dma_start3A_34 = tpu.memref_slice %arg3[%add3A_4] : memref<8192xi32, #tpu.memory_space<hbm>> -> memref<64xi32, #tpu.memory_space<hbm>>
      tpu.enqueue_dma source(%dma_start3A_34 : memref<64xi32, #tpu.memory_space<hbm>>) target(%arg5 : memref<64xi32, #tpu.memory_space<vmem>>) target_semaphore(%run_scoped3A : memref<!tpu.dma_semaphore, #tpu.memory_space<semaphore_mem>>)
      %dma_wait3A_35 = tpu.memref_slice %arg3[%add3A_4] : memref<8192xi32, #tpu.memory_space<hbm>> -> memref<64xi32, #tpu.memory_space<hbm>>
      %dma_wait3A_36 = tpu.memref_slice %arg3[%add3A_4] : memref<8192xi32, #tpu.memory_space<hbm>> -> memref<64xi32, #tpu.memory_space<hbm>>
      tpu.wait_dma2 semaphore(%run_scoped3A : memref<!tpu.dma_semaphore, #tpu.memory_space<semaphore_mem>>) src(%dma_wait3A_36 : memref<64xi32, #tpu.memory_space<hbm>>) dst(%arg5 : memref<64xi32, #tpu.memory_space<vmem>>)
      tpu.yield
    }) : () -> ()
    %dma_start3A = arith.constant 0 : i32
    %dma_start3A_5 = arith.constant 0 : i32
    %dma_start3A_6 = tpu.memref_slice %arg2[%dma_start3A, %dma_start3A_5] : memref<10240x768xf32, #tpu.memory_space<hbm>> -> memref<10240x768xf32, #tpu.memory_space<hbm>>
    tpu.enqueue_indirect_dma source(%dma_start3A_6 : memref<10240x768xf32, #tpu.memory_space<hbm>>) target(%arg6 : memref<64x768xf32, #tpu.memory_space<vmem>>) offsets(%arg5 : memref<64xi32, #tpu.memory_space<vmem>>) semaphore(%arg7 : memref<!tpu.dma_semaphore, #tpu.memory_space<semaphore_mem>>)
    %dma_wait3A = arith.constant 0 : i32
    %dma_wait3A_7 = arith.constant 0 : i32
    %dma_wait3A_8 = tpu.memref_slice %arg2[%dma_wait3A, %dma_wait3A_7] : memref<10240x768xf32, #tpu.memory_space<hbm>> -> memref<10240x768xf32, #tpu.memory_space<hbm>>
    tpu.wait_indirect_dma semaphore(%arg7 : memref<!tpu.dma_semaphore, #tpu.memory_space<semaphore_mem>>) src(%dma_wait3A_8 : memref<10240x768xf32, #tpu.memory_space<hbm>>) dst(%arg6 : memref<64x768xf32, #tpu.memory_space<vmem>>)
    "tpu.region"() ({
      %run_scoped3A = tpu.sem_alloc : memref<!tpu.dma_semaphore, #tpu.memory_space<semaphore_mem>>
      %dma_start3A_33 = arith.constant 0 : i32
      %dma_start3A_34 = tpu.memref_slice %arg4[%add3A_4, %dma_start3A_33] : memref<8192x768xf32, #tpu.memory_space<hbm>> -> memref<64x768xf32, #tpu.memory_space<hbm>>
      %dma_start3A_35 = arith.constant 0 : i32
      %dma_start3A_36 = tpu.memref_slice %arg4[%add3A_4, %dma_start3A_35] : memref<8192x768xf32, #tpu.memory_space<hbm>> -> memref<64x768xf32, #tpu.memory_space<hbm>>
      tpu.enqueue_dma source(%arg6 : memref<64x768xf32, #tpu.memory_space<vmem>>) target(%dma_start3A_36 : memref<64x768xf32, #tpu.memory_space<hbm>>) target_semaphore(%run_scoped3A : memref<!tpu.dma_semaphore, #tpu.memory_space<semaphore_mem>>)
      %dma_wait3A_37 = arith.constant 0 : i32
      %dma_wait3A_38 = tpu.memref_slice %arg4[%add3A_4, %dma_wait3A_37] : memref<8192x768xf32, #tpu.memory_space<hbm>> -> memref<64x768xf32, #tpu.memory_space<hbm>>
      %dma_wait3A_39 = arith.constant 0 : i32
      %dma_wait3A_40 = tpu.memref_slice %arg4[%add3A_4, %dma_wait3A_39] : memref<8192x768xf32, #tpu.memory_space<hbm>> -> memref<64x768xf32, #tpu.memory_space<hbm>>
      tpu.wait_dma2 semaphore(%run_scoped3A : memref<!tpu.dma_semaphore, #tpu.memory_space<semaphore_mem>>) src(%arg6 : memref<64x768xf32, #tpu.memory_space<vmem>>) dst(%dma_wait3A_40 : memref<64x768xf32, #tpu.memory_space<hbm>>)
      tpu.yield
    }) : () -> ()
    %add3A_9 = arith.constant 64 : i32
    %add3A_10 = arith.addi %mul3A_2, %add3A_9 : i32
    "tpu.region"() ({
      %run_scoped3A = tpu.sem_alloc : memref<!tpu.dma_semaphore, #tpu.memory_space<semaphore_mem>>
      %dma_start3A_33 = tpu.memref_slice %arg3[%add3A_10] : memref<8192xi32, #tpu.memory_space<hbm>> -> memref<64xi32, #tpu.memory_space<hbm>>
      %dma_start3A_34 = tpu.memref_slice %arg3[%add3A_10] : memref<8192xi32, #tpu.memory_space<hbm>> -> memref<64xi32, #tpu.memory_space<hbm>>
      tpu.enqueue_dma source(%dma_start3A_34 : memref<64xi32, #tpu.memory_space<hbm>>) target(%arg5 : memref<64xi32, #tpu.memory_space<vmem>>) target_semaphore(%run_scoped3A : memref<!tpu.dma_semaphore, #tpu.memory_space<semaphore_mem>>)
      %dma_wait3A_35 = tpu.memref_slice %arg3[%add3A_10] : memref<8192xi32, #tpu.memory_space<hbm>> -> memref<64xi32, #tpu.memory_space<hbm>>
      %dma_wait3A_36 = tpu.memref_slice %arg3[%add3A_10] : memref<8192xi32, #tpu.memory_space<hbm>> -> memref<64xi32, #tpu.memory_space<hbm>>
      tpu.wait_dma2 semaphore(%run_scoped3A : memref<!tpu.dma_semaphore, #tpu.memory_space<semaphore_mem>>) src(%dma_wait3A_36 : memref<64xi32, #tpu.memory_space<hbm>>) dst(%arg5 : memref<64xi32, #tpu.memory_space<vmem>>)
      tpu.yield
    }) : () -> ()
    %dma_start3A_11 = arith.constant 0 : i32
    %dma_start3A_12 = arith.constant 0 : i32
    %dma_start3A_13 = tpu.memref_slice %arg2[%dma_start3A_11, %dma_start3A_12] : memref<10240x768xf32, #tpu.memory_space<hbm>> -> memref<10240x768xf32, #tpu.memory_space<hbm>>
    tpu.enqueue_indirect_dma source(%dma_start3A_13 : memref<10240x768xf32, #tpu.memory_space<hbm>>) target(%arg6 : memref<64x768xf32, #tpu.memory_space<vmem>>) offsets(%arg5 : memref<64xi32, #tpu.memory_space<vmem>>) semaphore(%arg7 : memref<!tpu.dma_semaphore, #tpu.memory_space<semaphore_mem>>)
    %dma_wait3A_14 = arith.constant 0 : i32
    %dma_wait3A_15 = arith.constant 0 : i32
    %dma_wait3A_16 = tpu.memref_slice %arg2[%dma_wait3A_14, %dma_wait3A_15] : memref<10240x768xf32, #tpu.memory_space<hbm>> -> memref<10240x768xf32, #tpu.memory_space<hbm>>
    tpu.wait_indirect_dma semaphore(%arg7 : memref<!tpu.dma_semaphore, #tpu.memory_space<semaphore_mem>>) src(%dma_wait3A_16 : memref<10240x768xf32, #tpu.memory_space<hbm>>) dst(%arg6 : memref<64x768xf32, #tpu.memory_space<vmem>>)
    "tpu.region"() ({
      %run_scoped3A = tpu.sem_alloc : memref<!tpu.dma_semaphore, #tpu.memory_space<semaphore_mem>>
      %dma_start3A_33 = arith.constant 0 : i32
      %dma_start3A_34 = tpu.memref_slice %arg4[%add3A_10, %dma_start3A_33] : memref<8192x768xf32, #tpu.memory_space<hbm>> -> memref<64x768xf32, #tpu.memory_space<hbm>>
      %dma_start3A_35 = arith.constant 0 : i32
      %dma_start3A_36 = tpu.memref_slice %arg4[%add3A_10, %dma_start3A_35] : memref<8192x768xf32, #tpu.memory_space<hbm>> -> memref<64x768xf32, #tpu.memory_space<hbm>>
      tpu.enqueue_dma source(%arg6 : memref<64x768xf32, #tpu.memory_space<vmem>>) target(%dma_start3A_36 : memref<64x768xf32, #tpu.memory_space<hbm>>) target_semaphore(%run_scoped3A : memref<!tpu.dma_semaphore, #tpu.memory_space<semaphore_mem>>)
      %dma_wait3A_37 = arith.constant 0 : i32
      %dma_wait3A_38 = tpu.memref_slice %arg4[%add3A_10, %dma_wait3A_37] : memref<8192x768xf32, #tpu.memory_space<hbm>> -> memref<64x768xf32, #tpu.memory_space<hbm>>
      %dma_wait3A_39 = arith.constant 0 : i32
      %dma_wait3A_40 = tpu.memref_slice %arg4[%add3A_10, %dma_wait3A_39] : memref<8192x768xf32, #tpu.memory_space<hbm>> -> memref<64x768xf32, #tpu.memory_space<hbm>>
      tpu.wait_dma2 semaphore(%run_scoped3A : memref<!tpu.dma_semaphore, #tpu.memory_space<semaphore_mem>>) src(%arg6 : memref<64x768xf32, #tpu.memory_space<vmem>>) dst(%dma_wait3A_40 : memref<64x768xf32, #tpu.memory_space<hbm>>)
      tpu.yield
    }) : () -> ()
    %add3A_17 = arith.constant 128 : i32
    %add3A_18 = arith.addi %mul3A_2, %add3A_17 : i32
    "tpu.region"() ({
      %run_scoped3A = tpu.sem_alloc : memref<!tpu.dma_semaphore, #tpu.memory_space<semaphore_mem>>
      %dma_start3A_33 = tpu.memref_slice %arg3[%add3A_18] : memref<8192xi32, #tpu.memory_space<hbm>> -> memref<64xi32, #tpu.memory_space<hbm>>
      %dma_start3A_34 = tpu.memref_slice %arg3[%add3A_18] : memref<8192xi32, #tpu.memory_space<hbm>> -> memref<64xi32, #tpu.memory_space<hbm>>
      tpu.enqueue_dma source(%dma_start3A_34 : memref<64xi32, #tpu.memory_space<hbm>>) target(%arg5 : memref<64xi32, #tpu.memory_space<vmem>>) target_semaphore(%run_scoped3A : memref<!tpu.dma_semaphore, #tpu.memory_space<semaphore_mem>>)
      %dma_wait3A_35 = tpu.memref_slice %arg3[%add3A_18] : memref<8192xi32, #tpu.memory_space<hbm>> -> memref<64xi32, #tpu.memory_space<hbm>>
      %dma_wait3A_36 = tpu.memref_slice %arg3[%add3A_18] : memref<8192xi32, #tpu.memory_space<hbm>> -> memref<64xi32, #tpu.memory_space<hbm>>
      tpu.wait_dma2 semaphore(%run_scoped3A : memref<!tpu.dma_semaphore, #tpu.memory_space<semaphore_mem>>) src(%dma_wait3A_36 : memref<64xi32, #tpu.memory_space<hbm>>) dst(%arg5 : memref<64xi32, #tpu.memory_space<vmem>>)
      tpu.yield
    }) : () -> ()
    %dma_start3A_19 = arith.constant 0 : i32
    %dma_start3A_20 = arith.constant 0 : i32
    %dma_start3A_21 = tpu.memref_slice %arg2[%dma_start3A_19, %dma_start3A_20] : memref<10240x768xf32, #tpu.memory_space<hbm>> -> memref<10240x768xf32, #tpu.memory_space<hbm>>
    tpu.enqueue_indirect_dma source(%dma_start3A_21 : memref<10240x768xf32, #tpu.memory_space<hbm>>) target(%arg6 : memref<64x768xf32, #tpu.memory_space<vmem>>) offsets(%arg5 : memref<64xi32, #tpu.memory_space<vmem>>) semaphore(%arg7 : memref<!tpu.dma_semaphore, #tpu.memory_space<semaphore_mem>>)
    %dma_wait3A_22 = arith.constant 0 : i32
    %dma_wait3A_23 = arith.constant 0 : i32
    %dma_wait3A_24 = tpu.memref_slice %arg2[%dma_wait3A_22, %dma_wait3A_23] : memref<10240x768xf32, #tpu.memory_space<hbm>> -> memref<10240x768xf32, #tpu.memory_space<hbm>>
    tpu.wait_indirect_dma semaphore(%arg7 : memref<!tpu.dma_semaphore, #tpu.memory_space<semaphore_mem>>) src(%dma_wait3A_24 : memref<10240x768xf32, #tpu.memory_space<hbm>>) dst(%arg6 : memref<64x768xf32, #tpu.memory_space<vmem>>)
    "tpu.region"() ({
      %run_scoped3A = tpu.sem_alloc : memref<!tpu.dma_semaphore, #tpu.memory_space<semaphore_mem>>
      %dma_start3A_33 = arith.constant 0 : i32
      %dma_start3A_34 = tpu.memref_slice %arg4[%add3A_18, %dma_start3A_33] : memref<8192x768xf32, #tpu.memory_space<hbm>> -> memref<64x768xf32, #tpu.memory_space<hbm>>
      %dma_start3A_35 = arith.constant 0 : i32
      %dma_start3A_36 = tpu.memref_slice %arg4[%add3A_18, %dma_start3A_35] : memref<8192x768xf32, #tpu.memory_space<hbm>> -> memref<64x768xf32, #tpu.memory_space<hbm>>
      tpu.enqueue_dma source(%arg6 : memref<64x768xf32, #tpu.memory_space<vmem>>) target(%dma_start3A_36 : memref<64x768xf32, #tpu.memory_space<hbm>>) target_semaphore(%run_scoped3A : memref<!tpu.dma_semaphore, #tpu.memory_space<semaphore_mem>>)
      %dma_wait3A_37 = arith.constant 0 : i32
      %dma_wait3A_38 = tpu.memref_slice %arg4[%add3A_18, %dma_wait3A_37] : memref<8192x768xf32, #tpu.memory_space<hbm>> -> memref<64x768xf32, #tpu.memory_space<hbm>>
      %dma_wait3A_39 = arith.constant 0 : i32
      %dma_wait3A_40 = tpu.memref_slice %arg4[%add3A_18, %dma_wait3A_39] : memref<8192x768xf32, #tpu.memory_space<hbm>> -> memref<64x768xf32, #tpu.memory_space<hbm>>
      tpu.wait_dma2 semaphore(%run_scoped3A : memref<!tpu.dma_semaphore, #tpu.memory_space<semaphore_mem>>) src(%arg6 : memref<64x768xf32, #tpu.memory_space<vmem>>) dst(%dma_wait3A_40 : memref<64x768xf32, #tpu.memory_space<hbm>>)
      tpu.yield
    }) : () -> ()
    %add3A_25 = arith.constant 192 : i32
    %add3A_26 = arith.addi %mul3A_2, %add3A_25 : i32
    "tpu.region"() ({
      %run_scoped3A = tpu.sem_alloc : memref<!tpu.dma_semaphore, #tpu.memory_space<semaphore_mem>>
      %dma_start3A_33 = tpu.memref_slice %arg3[%add3A_26] : memref<8192xi32, #tpu.memory_space<hbm>> -> memref<64xi32, #tpu.memory_space<hbm>>
      %dma_start3A_34 = tpu.memref_slice %arg3[%add3A_26] : memref<8192xi32, #tpu.memory_space<hbm>> -> memref<64xi32, #tpu.memory_space<hbm>>
      tpu.enqueue_dma source(%dma_start3A_34 : memref<64xi32, #tpu.memory_space<hbm>>) target(%arg5 : memref<64xi32, #tpu.memory_space<vmem>>) target_semaphore(%run_scoped3A : memref<!tpu.dma_semaphore, #tpu.memory_space<semaphore_mem>>)
      %dma_wait3A_35 = tpu.memref_slice %arg3[%add3A_26] : memref<8192xi32, #tpu.memory_space<hbm>> -> memref<64xi32, #tpu.memory_space<hbm>>
      %dma_wait3A_36 = tpu.memref_slice %arg3[%add3A_26] : memref<8192xi32, #tpu.memory_space<hbm>> -> memref<64xi32, #tpu.memory_space<hbm>>
      tpu.wait_dma2 semaphore(%run_scoped3A : memref<!tpu.dma_semaphore, #tpu.memory_space<semaphore_mem>>) src(%dma_wait3A_36 : memref<64xi32, #tpu.memory_space<hbm>>) dst(%arg5 : memref<64xi32, #tpu.memory_space<vmem>>)
      tpu.yield
    }) : () -> ()
    %dma_start3A_27 = arith.constant 0 : i32
    %dma_start3A_28 = arith.constant 0 : i32
    %dma_start3A_29 = tpu.memref_slice %arg2[%dma_start3A_27, %dma_start3A_28] : memref<10240x768xf32, #tpu.memory_space<hbm>> -> memref<10240x768xf32, #tpu.memory_space<hbm>>
    tpu.enqueue_indirect_dma source(%dma_start3A_29 : memref<10240x768xf32, #tpu.memory_space<hbm>>) target(%arg6 : memref<64x768xf32, #tpu.memory_space<vmem>>) offsets(%arg5 : memref<64xi32, #tpu.memory_space<vmem>>) semaphore(%arg7 : memref<!tpu.dma_semaphore, #tpu.memory_space<semaphore_mem>>)
    %dma_wait3A_30 = arith.constant 0 : i32
    %dma_wait3A_31 = arith.constant 0 : i32
    %dma_wait3A_32 = tpu.memref_slice %arg2[%dma_wait3A_30, %dma_wait3A_31] : memref<10240x768xf32, #tpu.memory_space<hbm>> -> memref<10240x768xf32, #tpu.memory_space<hbm>>
    tpu.wait_indirect_dma semaphore(%arg7 : memref<!tpu.dma_semaphore, #tpu.memory_space<semaphore_mem>>) src(%dma_wait3A_32 : memref<10240x768xf32, #tpu.memory_space<hbm>>) dst(%arg6 : memref<64x768xf32, #tpu.memory_space<vmem>>)
    "tpu.region"() ({
      %run_scoped3A = tpu.sem_alloc : memref<!tpu.dma_semaphore, #tpu.memory_space<semaphore_mem>>
      %dma_start3A_33 = arith.constant 0 : i32
      %dma_start3A_34 = tpu.memref_slice %arg4[%add3A_26, %dma_start3A_33] : memref<8192x768xf32, #tpu.memory_space<hbm>> -> memref<64x768xf32, #tpu.memory_space<hbm>>
      %dma_start3A_35 = arith.constant 0 : i32
      %dma_start3A_36 = tpu.memref_slice %arg4[%add3A_26, %dma_start3A_35] : memref<8192x768xf32, #tpu.memory_space<hbm>> -> memref<64x768xf32, #tpu.memory_space<hbm>>
      tpu.enqueue_dma source(%arg6 : memref<64x768xf32, #tpu.memory_space<vmem>>) target(%dma_start3A_36 : memref<64x768xf32, #tpu.memory_space<hbm>>) target_semaphore(%run_scoped3A : memref<!tpu.dma_semaphore, #tpu.memory_space<semaphore_mem>>)
      %dma_wait3A_37 = arith.constant 0 : i32
      %dma_wait3A_38 = tpu.memref_slice %arg4[%add3A_26, %dma_wait3A_37] : memref<8192x768xf32, #tpu.memory_space<hbm>> -> memref<64x768xf32, #tpu.memory_space<hbm>>
      %dma_wait3A_39 = arith.constant 0 : i32
      %dma_wait3A_40 = tpu.memref_slice %arg4[%add3A_26, %dma_wait3A_39] : memref<8192x768xf32, #tpu.memory_space<hbm>> -> memref<64x768xf32, #tpu.memory_space<hbm>>
      tpu.wait_dma2 semaphore(%run_scoped3A : memref<!tpu.dma_semaphore, #tpu.memory_space<semaphore_mem>>) src(%arg6 : memref<64x768xf32, #tpu.memory_space<vmem>>) dst(%dma_wait3A_40 : memref<64x768xf32, #tpu.memory_space<hbm>>)
      tpu.yield
    }) : () -> ()
    return
  }
}

module attributes {stable_mosaic.version = 14 : i64} {
  func.func @_pre_kernel(%arg0: i32, %arg1: memref<512x768xf32, #tpu.memory_space<vmem>>, %arg2: memref<1x768xf32, #tpu.memory_space<vmem>>, %arg3: memref<1x768xf32, #tpu.memory_space<vmem>>, %arg4: memref<768x768xf32, #tpu.memory_space<vmem>>, %arg5: memref<1x768xf32, #tpu.memory_space<vmem>>, %arg6: memref<768x384xf32, #tpu.memory_space<vmem>>, %arg7: memref<1x384xf32, #tpu.memory_space<vmem>>, %arg8: memref<1x384xf32, #tpu.memory_space<vmem>>, %arg9: memref<1x1xf32, #tpu.memory_space<vmem>>, %arg10: memref<512x768xbf16, #tpu.memory_space<vmem>>, %arg11: memref<512x768xbf16, #tpu.memory_space<vmem>>, %arg12: memref<512x1xf32, #tpu.memory_space<vmem>>) attributes {dimension_semantics = [#tpu.dimension_semantics<arbitrary>], iteration_bounds = array<i64: 8>, scalar_prefetch = 0 : i64, scratch_operands = 0 : i64, tpu.core_type = #tpu.core_type<tc>, window_params = [{transform_indices = @transform_0, window_bounds = array<i64: 512, 768>}, {pipeline_mode = #tpu.pipeline_mode<synchronous>, transform_indices = @transform_1, window_bounds = array<i64: 1, 768>}, {pipeline_mode = #tpu.pipeline_mode<synchronous>, transform_indices = @transform_2, window_bounds = array<i64: 1, 768>}, {pipeline_mode = #tpu.pipeline_mode<synchronous>, transform_indices = @transform_3, window_bounds = array<i64: 768, 768>}, {pipeline_mode = #tpu.pipeline_mode<synchronous>, transform_indices = @transform_4, window_bounds = array<i64: 1, 768>}, {pipeline_mode = #tpu.pipeline_mode<synchronous>, transform_indices = @transform_5, window_bounds = array<i64: 768, 384>}, {pipeline_mode = #tpu.pipeline_mode<synchronous>, transform_indices = @transform_6, window_bounds = array<i64: 1, 384>}, {pipeline_mode = #tpu.pipeline_mode<synchronous>, transform_indices = @transform_7, window_bounds = array<i64: 1, 384>}, {pipeline_mode = #tpu.pipeline_mode<synchronous>, transform_indices = @transform_8, window_bounds = array<i64: 1, 1>}, {transform_indices = @transform_9, window_bounds = array<i64: 512, 768>}, {transform_indices = @transform_10, window_bounds = array<i64: 512, 768>}, {transform_indices = @transform_11, window_bounds = array<i64: 512, 1>}]} {
    %get3A = arith.constant 0 : index
    %get3A_0 = arith.constant 0 : index
    %get3A_1 = vector.load %arg1[%get3A, %get3A_0] : memref<512x768xf32, #tpu.memory_space<vmem>>, vector<512x768xf32>
    %get3A_2 = arith.constant 0 : index
    %get3A_3 = arith.constant 0 : index
    %get3A_4 = vector.load %arg2[%get3A_2, %get3A_3] : memref<1x768xf32, #tpu.memory_space<vmem>>, vector<1x768xf32>
    %get3A_5 = arith.constant 0 : index
    %get3A_6 = arith.constant 0 : index
    %get3A_7 = vector.load %arg3[%get3A_5, %get3A_6] : memref<1x768xf32, #tpu.memory_space<vmem>>, vector<1x768xf32>
    %reduce_sum3A = arith.constant dense<0.000000e+00> : vector<512xf32>
    %reduce_sum3A_8 = vector.multi_reduction <add>, %get3A_1, %reduce_sum3A [1] : vector<512x768xf32> to vector<512xf32>
    %broadcast_in_dim3A = vector.shape_cast %reduce_sum3A_8 : vector<512xf32> to vector<512x1xf32>
    %div3A = arith.constant 7.680000e+02 : f32
    %div3A_9 = vector.broadcast %div3A : f32 to vector<512x1xf32>
    %div3A_10 = arith.divf %broadcast_in_dim3A, %div3A_9 : vector<512x1xf32>
    %sub3A = vector.broadcast %div3A_10 : vector<512x1xf32> to vector<512x768xf32>
    %sub3A_11 = arith.subf %get3A_1, %sub3A : vector<512x768xf32>
    %integer_pow3A = arith.mulf %sub3A_11, %sub3A_11 : vector<512x768xf32>
    %reduce_sum3A_12 = arith.constant dense<0.000000e+00> : vector<512xf32>
    %reduce_sum3A_13 = vector.multi_reduction <add>, %integer_pow3A, %reduce_sum3A_12 [1] : vector<512x768xf32> to vector<512xf32>
    %broadcast_in_dim3A_14 = vector.shape_cast %reduce_sum3A_13 : vector<512xf32> to vector<512x1xf32>
    %div3A_15 = arith.constant 7.680000e+02 : f32
    %div3A_16 = vector.broadcast %div3A_15 : f32 to vector<512x1xf32>
    %div3A_17 = arith.divf %broadcast_in_dim3A_14, %div3A_16 : vector<512x1xf32>
    %sub3A_18 = vector.broadcast %div3A_10 : vector<512x1xf32> to vector<512x768xf32>
    %sub3A_19 = arith.subf %get3A_1, %sub3A_18 : vector<512x768xf32>
    %add3A = arith.constant 9.99999974E-6 : f32
    %add3A_20 = vector.broadcast %add3A : f32 to vector<512x1xf32>
    %add3A_21 = arith.addf %div3A_17, %add3A_20 : vector<512x1xf32>
    %sqrt3A = math.sqrt %add3A_21 : vector<512x1xf32>
    %div3A_22 = vector.broadcast %sqrt3A : vector<512x1xf32> to vector<512x768xf32>
    %div3A_23 = arith.divf %sub3A_19, %div3A_22 : vector<512x768xf32>
    %mul3A = vector.broadcast %get3A_4 : vector<1x768xf32> to vector<512x768xf32>
    %mul3A_24 = arith.mulf %div3A_23, %mul3A : vector<512x768xf32>
    %add3A_25 = vector.broadcast %get3A_7 : vector<1x768xf32> to vector<512x768xf32>
    %add3A_26 = arith.addf %mul3A_24, %add3A_25 : vector<512x768xf32>
    %convert_element_type3A = arith.truncf %add3A_26 : vector<512x768xf32> to vector<512x768xbf16>
    %swap3A = arith.constant 0 : index
    %swap3A_27 = arith.constant 0 : index
    %swap3A_28 = vector.load %arg10[%swap3A, %swap3A_27] : memref<512x768xbf16, #tpu.memory_space<vmem>>, vector<512x768xbf16>
    tpu.vector_store %arg10[%swap3A, %swap3A_27], %convert_element_type3A {strides = array<i32>} : memref<512x768xbf16, #tpu.memory_space<vmem>>, vector<512x768xbf16>,
    %get3A_29 = arith.constant 0 : index
    %get3A_30 = arith.constant 0 : index
    %get3A_31 = vector.load %arg4[%get3A_29, %get3A_30] : memref<768x768xf32, #tpu.memory_space<vmem>>, vector<768x768xf32>
    %convert_element_type3A_32 = arith.truncf %get3A_31 : vector<768x768xf32> to vector<768x768xbf16>
    %dot_general3A = arith.constant dense<0.000000e+00> : vector<512x768xf32>
    %dot_general3A_33 = tpu.matmul %convert_element_type3A, %convert_element_type3A_32, %dot_general3A {dimension_numbers = #tpu.dot_dimension_numbers<[1], [0], [0], [1], [0, 0, 1, 1], [], []>, transpose_lhs_hint = false} : vector<512x768xbf16>, vector<768x768xbf16>, vector<512x768xf32> -> vector<512x768xf32>
    %get3A_34 = arith.constant 0 : index
    %get3A_35 = arith.constant 0 : index
    %get3A_36 = vector.load %arg5[%get3A_34, %get3A_35] : memref<1x768xf32, #tpu.memory_space<vmem>>, vector<1x768xf32>
    %add3A_37 = vector.broadcast %get3A_36 : vector<1x768xf32> to vector<512x768xf32>
    %add3A_38 = arith.addf %dot_general3A_33, %add3A_37 : vector<512x768xf32>
    %convert_element_type3A_39 = arith.truncf %add3A_38 : vector<512x768xf32> to vector<512x768xbf16>
    %swap3A_40 = arith.constant 0 : index
    %swap3A_41 = arith.constant 0 : index
    %swap3A_42 = vector.load %arg11[%swap3A_40, %swap3A_41] : memref<512x768xbf16, #tpu.memory_space<vmem>>, vector<512x768xbf16>
    tpu.vector_store %arg11[%swap3A_40, %swap3A_41], %convert_element_type3A_39 {strides = array<i32>} : memref<512x768xbf16, #tpu.memory_space<vmem>>, vector<512x768xbf16>,
    %get3A_43 = arith.constant 0 : index
    %get3A_44 = arith.constant 0 : index
    %get3A_45 = vector.load %arg6[%get3A_43, %get3A_44] : memref<768x384xf32, #tpu.memory_space<vmem>>, vector<768x384xf32>
    %convert_element_type3A_46 = arith.truncf %get3A_45 : vector<768x384xf32> to vector<768x384xbf16>
    %dot_general3A_47 = arith.constant dense<0.000000e+00> : vector<512x384xf32>
    %dot_general3A_48 = tpu.matmul %convert_element_type3A, %convert_element_type3A_46, %dot_general3A_47 {dimension_numbers = #tpu.dot_dimension_numbers<[1], [0], [0], [1], [0, 0, 1, 1], [], []>, transpose_lhs_hint = false} : vector<512x768xbf16>, vector<768x384xbf16>, vector<512x384xf32> -> vector<512x384xf32>
    %get3A_49 = arith.constant 0 : index
    %get3A_50 = arith.constant 0 : index
    %get3A_51 = vector.load %arg7[%get3A_49, %get3A_50] : memref<1x384xf32, #tpu.memory_space<vmem>>, vector<1x384xf32>
    %add3A_52 = vector.broadcast %get3A_51 : vector<1x384xf32> to vector<512x384xf32>
    %add3A_53 = arith.addf %dot_general3A_48, %add3A_52 : vector<512x384xf32>
    %max3A = arith.constant 0.000000e+00 : f32
    %max3A_54 = vector.broadcast %max3A : f32 to vector<512x384xf32>
    %max3A_55 = arith.maximumf %add3A_53, %max3A_54 : vector<512x384xf32>
    %get3A_56 = arith.constant 0 : index
    %get3A_57 = arith.constant 0 : index
    %get3A_58 = vector.load %arg8[%get3A_56, %get3A_57] : memref<1x384xf32, #tpu.memory_space<vmem>>, vector<1x384xf32>
    %convert_element_type3A_59 = arith.truncf %get3A_58 : vector<1x384xf32> to vector<1x384xbf16>
    %convert_element_type3A_60 = arith.extf %convert_element_type3A_59 : vector<1x384xbf16> to vector<1x384xf32>
    %convert_element_type3A_61 = arith.truncf %max3A_55 : vector<512x384xf32> to vector<512x384xbf16>
    %convert_element_type3A_62 = arith.extf %convert_element_type3A_61 : vector<512x384xbf16> to vector<512x384xf32>
    %mul3A_63 = vector.broadcast %convert_element_type3A_60 : vector<1x384xf32> to vector<512x384xf32>
    %mul3A_64 = arith.mulf %convert_element_type3A_62, %mul3A_63 : vector<512x384xf32>
    %reduce_sum3A_65 = arith.constant dense<0.000000e+00> : vector<512xf32>
    %reduce_sum3A_66 = vector.multi_reduction <add>, %mul3A_64, %reduce_sum3A_65 [1] : vector<512x384xf32> to vector<512xf32>
    %broadcast_in_dim3A_67 = vector.shape_cast %reduce_sum3A_66 : vector<512xf32> to vector<512x1xf32>
    %get3A_68 = arith.constant 0 : index
    %get3A_69 = arith.constant 0 : index
    %get3A_70 = vector.load %arg9[%get3A_68, %get3A_69] : memref<1x1xf32, #tpu.memory_space<vmem>>, vector<1x1xf32>
    %add3A_71 = vector.broadcast %get3A_70 : vector<1x1xf32> to vector<512x1xf32>
    %add3A_72 = arith.addf %broadcast_in_dim3A_67, %add3A_71 : vector<512x1xf32>
    %swap3A_73 = arith.constant 0 : index
    %swap3A_74 = arith.constant 0 : index
    %swap3A_75 = vector.load %arg12[%swap3A_73, %swap3A_74] : memref<512x1xf32, #tpu.memory_space<vmem>>, vector<512x1xf32>
    tpu.vector_store %arg12[%swap3A_73, %swap3A_74], %add3A_72 {strides = array<i32>} : memref<512x1xf32, #tpu.memory_space<vmem>>, vector<512x1xf32>,
    return
  }
  func.func @transform_0(%arg0: i32) -> (i32, i32) {
    %c0_i32 = arith.constant 0 : i32
    %c0_i32_0 = arith.constant 0 : i32
    return %arg0, %c0_i32 : i32, i32
  }
  func.func @transform_1(%arg0: i32) -> (i32, i32) {
    %c0_i32 = arith.constant 0 : i32
    %c0_i32_0 = arith.constant 0 : i32
    %c0_i32_1 = arith.constant 0 : i32
    return %c0_i32, %c0_i32_0 : i32, i32
  }
  func.func @transform_2(%arg0: i32) -> (i32, i32) {
    %c0_i32 = arith.constant 0 : i32
    %c0_i32_0 = arith.constant 0 : i32
    %c0_i32_1 = arith.constant 0 : i32
    return %c0_i32, %c0_i32_0 : i32, i32
  }
  func.func @transform_3(%arg0: i32) -> (i32, i32) {
    %c0_i32 = arith.constant 0 : i32
    %c0_i32_0 = arith.constant 0 : i32
    %c0_i32_1 = arith.constant 0 : i32
    return %c0_i32, %c0_i32_0 : i32, i32
  }
  func.func @transform_4(%arg0: i32) -> (i32, i32) {
    %c0_i32 = arith.constant 0 : i32
    %c0_i32_0 = arith.constant 0 : i32
    %c0_i32_1 = arith.constant 0 : i32
    return %c0_i32, %c0_i32_0 : i32, i32
  }
  func.func @transform_5(%arg0: i32) -> (i32, i32) {
    %c0_i32 = arith.constant 0 : i32
    %c0_i32_0 = arith.constant 0 : i32
    %c0_i32_1 = arith.constant 0 : i32
    return %c0_i32, %c0_i32_0 : i32, i32
  }
  func.func @transform_6(%arg0: i32) -> (i32, i32) {
    %c0_i32 = arith.constant 0 : i32
    %c0_i32_0 = arith.constant 0 : i32
    %c0_i32_1 = arith.constant 0 : i32
    return %c0_i32, %c0_i32_0 : i32, i32
  }
  func.func @transform_7(%arg0: i32) -> (i32, i32) {
    %c0_i32 = arith.constant 0 : i32
    %c0_i32_0 = arith.constant 0 : i32
    %c0_i32_1 = arith.constant 0 : i32
    return %c0_i32, %c0_i32_0 : i32, i32
  }
  func.func @transform_8(%arg0: i32) -> (i32, i32) {
    %c0_i32 = arith.constant 0 : i32
    %c0_i32_0 = arith.constant 0 : i32
    %c0_i32_1 = arith.constant 0 : i32
    return %c0_i32, %c0_i32_0 : i32, i32
  }
  func.func @transform_9(%arg0: i32) -> (i32, i32) {
    %c0_i32 = arith.constant 0 : i32
    %c0_i32_0 = arith.constant 0 : i32
    return %arg0, %c0_i32 : i32, i32
  }
  func.func @transform_10(%arg0: i32) -> (i32, i32) {
    %c0_i32 = arith.constant 0 : i32
    %c0_i32_0 = arith.constant 0 : i32
    return %arg0, %c0_i32 : i32, i32
  }
  func.func @transform_11(%arg0: i32) -> (i32, i32) {
    %c0_i32 = arith.constant 0 : i32
    %c0_i32_0 = arith.constant 0 : i32
    return %arg0, %c0_i32 : i32, i32
  }
}

module attributes {stable_mosaic.version = 14 : i64} {
  func.func @_kv_kernel(%arg0: i32, %arg1: memref<1x1x640xi32, #tpu.memory_space<vmem>>, %arg2: memref<1x2048x768xbf16, #tpu.memory_space<vmem>>, %arg3: memref<768x768xf32, #tpu.memory_space<vmem>>, %arg4: memref<1x768xf32, #tpu.memory_space<vmem>>, %arg5: memref<768x768xf32, #tpu.memory_space<vmem>>, %arg6: memref<1x768xf32, #tpu.memory_space<vmem>>, %arg7: memref<1x640x768xbf16, #tpu.memory_space<vmem>>, %arg8: memref<1x640x768xbf16, #tpu.memory_space<vmem>>) attributes {dimension_semantics = [#tpu.dimension_semantics<arbitrary>], iteration_bounds = array<i64: 2>, scalar_prefetch = 0 : i64, scratch_operands = 0 : i64, tpu.core_type = #tpu.core_type<tc>, window_params = [{transform_indices = @transform_0, window_bounds = array<i64: 1, 1, 640>}, {transform_indices = @transform_1, window_bounds = array<i64: 1, 2048, 768>}, {pipeline_mode = #tpu.pipeline_mode<synchronous>, transform_indices = @transform_2, window_bounds = array<i64: 768, 768>}, {pipeline_mode = #tpu.pipeline_mode<synchronous>, transform_indices = @transform_3, window_bounds = array<i64: 1, 768>}, {pipeline_mode = #tpu.pipeline_mode<synchronous>, transform_indices = @transform_4, window_bounds = array<i64: 768, 768>}, {pipeline_mode = #tpu.pipeline_mode<synchronous>, transform_indices = @transform_5, window_bounds = array<i64: 1, 768>}, {transform_indices = @transform_6, window_bounds = array<i64: 1, 640, 768>}, {transform_indices = @transform_7, window_bounds = array<i64: 1, 640, 768>}]} {
    %get3A = arith.constant 0 : index
    %get3A_0 = arith.constant 0 : index
    %get3A_1 = arith.constant 0 : index
    %get3A_2 = vector.load %arg1[%get3A, %get3A_0, %get3A_1] : memref<1x1x640xi32, #tpu.memory_space<vmem>>, vector<1x1x640xi32>
    %get3A_3 = vector.shape_cast %get3A_2 : vector<1x1x640xi32> to vector<640xi32>
    %broadcast_in_dim3A = vector.shape_cast %get3A_3 : vector<640xi32> to vector<640x1xi32>
    %iota3A = tpu.iota {dimensions = array<i32: 1>} : vector<640x2048xi32>
    %eq3A = vector.broadcast %broadcast_in_dim3A : vector<640x1xi32> to vector<640x2048xi32>
    %eq3A_4 = arith.cmpi eq, %eq3A, %iota3A : vector<640x2048xi32>
    %convert_element_type3A = arith.extui %eq3A_4 : vector<640x2048xi1> to vector<640x2048xi32>
    %convert_element_type3A_5 = arith.sitofp %convert_element_type3A : vector<640x2048xi32> to vector<640x2048xf32>
    %convert_element_type3A_6 = arith.truncf %convert_element_type3A_5 : vector<640x2048xf32> to vector<640x2048xbf16>
    %get3A_7 = arith.constant 0 : index
    %get3A_8 = arith.constant 0 : index
    %get3A_9 = arith.constant 0 : index
    %get3A_10 = vector.load %arg2[%get3A_7, %get3A_8, %get3A_9] : memref<1x2048x768xbf16, #tpu.memory_space<vmem>>, vector<1x2048x768xbf16>
    %get3A_11 = vector.shape_cast %get3A_10 : vector<1x2048x768xbf16> to vector<2048x768xbf16>
    %dot_general3A = arith.constant dense<0.000000e+00> : vector<640x768xf32>
    %dot_general3A_12 = tpu.matmul %convert_element_type3A_6, %get3A_11, %dot_general3A {dimension_numbers = #tpu.dot_dimension_numbers<[1], [0], [0], [1], [0, 0, 1, 1], [], []>, transpose_lhs_hint = false} : vector<640x2048xbf16>, vector<2048x768xbf16>, vector<640x768xf32> -> vector<640x768xf32>
    %convert_element_type3A_13 = arith.truncf %dot_general3A_12 : vector<640x768xf32> to vector<640x768xbf16>
    %get3A_14 = arith.constant 0 : index
    %get3A_15 = arith.constant 0 : index
    %get3A_16 = vector.load %arg3[%get3A_14, %get3A_15] : memref<768x768xf32, #tpu.memory_space<vmem>>, vector<768x768xf32>
    %convert_element_type3A_17 = arith.truncf %get3A_16 : vector<768x768xf32> to vector<768x768xbf16>
    %dot_general3A_18 = arith.constant dense<0.000000e+00> : vector<640x768xf32>
    %dot_general3A_19 = tpu.matmul %convert_element_type3A_13, %convert_element_type3A_17, %dot_general3A_18 {dimension_numbers = #tpu.dot_dimension_numbers<[1], [0], [0], [1], [0, 0, 1, 1], [], []>, transpose_lhs_hint = false} : vector<640x768xbf16>, vector<768x768xbf16>, vector<640x768xf32> -> vector<640x768xf32>
    %get3A_20 = arith.constant 0 : index
    %get3A_21 = arith.constant 0 : index
    %get3A_22 = vector.load %arg4[%get3A_20, %get3A_21] : memref<1x768xf32, #tpu.memory_space<vmem>>, vector<1x768xf32>
    %add3A = vector.broadcast %get3A_22 : vector<1x768xf32> to vector<640x768xf32>
    %add3A_23 = arith.addf %dot_general3A_19, %add3A : vector<640x768xf32>
    %convert_element_type3A_24 = arith.truncf %add3A_23 : vector<640x768xf32> to vector<640x768xbf16>
    %swap3A = arith.constant 0 : index
    %swap3A_25 = arith.constant 0 : index
    %swap3A_26 = arith.constant 0 : index
    %swap3A_27 = vector.load %arg7[%swap3A, %swap3A_25, %swap3A_26] : memref<1x640x768xbf16, #tpu.memory_space<vmem>>, vector<1x640x768xbf16>
    %swap3A_28 = vector.shape_cast %swap3A_27 : vector<1x640x768xbf16> to vector<640x768xbf16>
    %swap3A_29 = vector.shape_cast %convert_element_type3A_24 : vector<640x768xbf16> to vector<1x640x768xbf16>
    tpu.vector_store %arg7[%swap3A, %swap3A_25, %swap3A_26], %swap3A_29 {strides = array<i32>} : memref<1x640x768xbf16, #tpu.memory_space<vmem>>, vector<1x640x768xbf16>,
    %get3A_30 = arith.constant 0 : index
    %get3A_31 = arith.constant 0 : index
    %get3A_32 = vector.load %arg5[%get3A_30, %get3A_31] : memref<768x768xf32, #tpu.memory_space<vmem>>, vector<768x768xf32>
    %convert_element_type3A_33 = arith.truncf %get3A_32 : vector<768x768xf32> to vector<768x768xbf16>
    %dot_general3A_34 = arith.constant dense<0.000000e+00> : vector<640x768xf32>
    %dot_general3A_35 = tpu.matmul %convert_element_type3A_13, %convert_element_type3A_33, %dot_general3A_34 {dimension_numbers = #tpu.dot_dimension_numbers<[1], [0], [0], [1], [0, 0, 1, 1], [], []>, transpose_lhs_hint = false} : vector<640x768xbf16>, vector<768x768xbf16>, vector<640x768xf32> -> vector<640x768xf32>
    %get3A_36 = arith.constant 0 : index
    %get3A_37 = arith.constant 0 : index
    %get3A_38 = vector.load %arg6[%get3A_36, %get3A_37] : memref<1x768xf32, #tpu.memory_space<vmem>>, vector<1x768xf32>
    %add3A_39 = vector.broadcast %get3A_38 : vector<1x768xf32> to vector<640x768xf32>
    %add3A_40 = arith.addf %dot_general3A_35, %add3A_39 : vector<640x768xf32>
    %convert_element_type3A_41 = arith.truncf %add3A_40 : vector<640x768xf32> to vector<640x768xbf16>
    %swap3A_42 = arith.constant 0 : index
    %swap3A_43 = arith.constant 0 : index
    %swap3A_44 = arith.constant 0 : index
    %swap3A_45 = vector.load %arg8[%swap3A_42, %swap3A_43, %swap3A_44] : memref<1x640x768xbf16, #tpu.memory_space<vmem>>, vector<1x640x768xbf16>
    %swap3A_46 = vector.shape_cast %swap3A_45 : vector<1x640x768xbf16> to vector<640x768xbf16>
    %swap3A_47 = vector.shape_cast %convert_element_type3A_41 : vector<640x768xbf16> to vector<1x640x768xbf16>
    tpu.vector_store %arg8[%swap3A_42, %swap3A_43, %swap3A_44], %swap3A_47 {strides = array<i32>} : memref<1x640x768xbf16, #tpu.memory_space<vmem>>, vector<1x640x768xbf16>,
    return
  }
  func.func @transform_0(%arg0: i32) -> (i32, i32, i32) {
    %c0_i32 = arith.constant 0 : i32
    %c0_i32_0 = arith.constant 0 : i32
    %c0_i32_1 = arith.constant 0 : i32
    return %arg0, %c0_i32, %c0_i32_0 : i32, i32, i32
  }
  func.func @transform_1(%arg0: i32) -> (i32, i32, i32) {
    %c0_i32 = arith.constant 0 : i32
    %c0_i32_0 = arith.constant 0 : i32
    %c0_i32_1 = arith.constant 0 : i32
    return %arg0, %c0_i32, %c0_i32_0 : i32, i32, i32
  }
  func.func @transform_2(%arg0: i32) -> (i32, i32) {
    %c0_i32 = arith.constant 0 : i32
    %c0_i32_0 = arith.constant 0 : i32
    %c0_i32_1 = arith.constant 0 : i32
    return %c0_i32, %c0_i32_0 : i32, i32
  }
  func.func @transform_3(%arg0: i32) -> (i32, i32) {
    %c0_i32 = arith.constant 0 : i32
    %c0_i32_0 = arith.constant 0 : i32
    %c0_i32_1 = arith.constant 0 : i32
    return %c0_i32, %c0_i32_0 : i32, i32
  }
  func.func @transform_4(%arg0: i32) -> (i32, i32) {
    %c0_i32 = arith.constant 0 : i32
    %c0_i32_0 = arith.constant 0 : i32
    %c0_i32_1 = arith.constant 0 : i32
    return %c0_i32, %c0_i32_0 : i32, i32
  }
  func.func @transform_5(%arg0: i32) -> (i32, i32) {
    %c0_i32 = arith.constant 0 : i32
    %c0_i32_0 = arith.constant 0 : i32
    %c0_i32_1 = arith.constant 0 : i32
    return %c0_i32, %c0_i32_0 : i32, i32
  }
  func.func @transform_6(%arg0: i32) -> (i32, i32, i32) {
    %c0_i32 = arith.constant 0 : i32
    %c0_i32_0 = arith.constant 0 : i32
    %c0_i32_1 = arith.constant 0 : i32
    return %arg0, %c0_i32, %c0_i32_0 : i32, i32, i32
  }
  func.func @transform_7(%arg0: i32) -> (i32, i32, i32) {
    %c0_i32 = arith.constant 0 : i32
    %c0_i32_0 = arith.constant 0 : i32
    %c0_i32_1 = arith.constant 0 : i32
    return %arg0, %c0_i32, %c0_i32_0 : i32, i32, i32
  }
}

module attributes {stable_mosaic.version = 14 : i64} {
  func.func @_attn_kernel(%arg0: i32, %arg1: i32, %arg2: memref<1x512x768xbf16, #tpu.memory_space<vmem>>, %arg3: memref<1x640x768xbf16, #tpu.memory_space<vmem>>, %arg4: memref<1x640x768xbf16, #tpu.memory_space<vmem>>, %arg5: memref<768x768xf32, #tpu.memory_space<vmem>>, %arg6: memref<1x768xf32, #tpu.memory_space<vmem>>, %arg7: memref<1x512x768xf32, #tpu.memory_space<vmem>>, %arg8: memref<1x768xf32, #tpu.memory_space<vmem>>, %arg9: memref<1x768xf32, #tpu.memory_space<vmem>>, %arg10: memref<768x8xf32, #tpu.memory_space<vmem>>, %arg11: memref<1x8xf32, #tpu.memory_space<vmem>>, %arg12: memref<1x512x768xf32, #tpu.memory_space<vmem>>, %arg13: memref<1x512x768xbf16, #tpu.memory_space<vmem>>, %arg14: memref<1x512x8xf32, #tpu.memory_space<vmem>>, %arg15: memref<1x512x8xf32, #tpu.memory_space<vmem>>) attributes {dimension_semantics = [#tpu.dimension_semantics<arbitrary>, #tpu.dimension_semantics<arbitrary>], iteration_bounds = array<i64: 2, 4>, scalar_prefetch = 0 : i64, scratch_operands = 0 : i64, tpu.core_type = #tpu.core_type<tc>, window_params = [{transform_indices = @transform_0, window_bounds = array<i64: 1, 512, 768>}, {transform_indices = @transform_1, window_bounds = array<i64: 1, 640, 768>}, {transform_indices = @transform_2, window_bounds = array<i64: 1, 640, 768>}, {pipeline_mode = #tpu.pipeline_mode<synchronous>, transform_indices = @transform_3, window_bounds = array<i64: 768, 768>}, {pipeline_mode = #tpu.pipeline_mode<synchronous>, transform_indices = @transform_4, window_bounds = array<i64: 1, 768>}, {transform_indices = @transform_5, window_bounds = array<i64: 1, 512, 768>}, {pipeline_mode = #tpu.pipeline_mode<synchronous>, transform_indices = @transform_6, window_bounds = array<i64: 1, 768>}, {pipeline_mode = #tpu.pipeline_mode<synchronous>, transform_indices = @transform_7, window_bounds = array<i64: 1, 768>}, {pipeline_mode = #tpu.pipeline_mode<synchronous>, transform_indices = @transform_8, window_bounds = array<i64: 768, 8>}, {pipeline_mode = #tpu.pipeline_mode<synchronous>, transform_indices = @transform_9, window_bounds = array<i64: 1, 8>}, {transform_indices = @transform_10, window_bounds = array<i64: 1, 512, 768>}, {transform_indices = @transform_11, window_bounds = array<i64: 1, 512, 768>}, {transform_indices = @transform_12, window_bounds = array<i64: 1, 512, 8>}, {transform_indices = @transform_13, window_bounds = array<i64: 1, 512, 8>}]} {
    %get3A = arith.constant 0 : index
    %get3A_0 = arith.constant 0 : index
    %get3A_1 = arith.constant 0 : index
    %get3A_2 = vector.load %arg2[%get3A, %get3A_0, %get3A_1] : memref<1x512x768xbf16, #tpu.memory_space<vmem>>, vector<1x512x768xbf16>
    %get3A_3 = vector.shape_cast %get3A_2 : vector<1x512x768xbf16> to vector<512x768xbf16>
    %get3A_4 = arith.constant 0 : index
    %get3A_5 = arith.constant 0 : index
    %get3A_6 = arith.constant 0 : index
    %get3A_7 = vector.load %arg3[%get3A_4, %get3A_5, %get3A_6] : memref<1x640x768xbf16, #tpu.memory_space<vmem>>, vector<1x640x768xbf16>
    %get3A_8 = vector.shape_cast %get3A_7 : vector<1x640x768xbf16> to vector<640x768xbf16>
    %get3A_9 = arith.constant 0 : index
    %get3A_10 = arith.constant 0 : index
    %get3A_11 = arith.constant 0 : index
    %get3A_12 = vector.load %arg4[%get3A_9, %get3A_10, %get3A_11] : memref<1x640x768xbf16, #tpu.memory_space<vmem>>, vector<1x640x768xbf16>
    %get3A_13 = vector.shape_cast %get3A_12 : vector<1x640x768xbf16> to vector<640x768xbf16>
    %iota3A = tpu.iota {dimensions = array<i32: 1>} : vector<1x640xi32>
    %slice3A = vector.extract_strided_slice %get3A_3 {offsets = [0, 0], sizes = [512, 64], strides = [1, 1]} : vector<512x768xbf16> to vector<512x64xbf16>
    %slice3A_14 = vector.extract_strided_slice %get3A_8 {offsets = [0, 0], sizes = [640, 64], strides = [1, 1]} : vector<640x768xbf16> to vector<640x64xbf16>
    %slice3A_15 = vector.extract_strided_slice %get3A_13 {offsets = [0, 0], sizes = [640, 64], strides = [1, 1]} : vector<640x768xbf16> to vector<640x64xbf16>
    %dot_general3A = arith.constant dense<0.000000e+00> : vector<512x640xf32>
    %dot_general3A_16 = tpu.matmul %slice3A, %slice3A_14, %dot_general3A {dimension_numbers = #tpu.dot_dimension_numbers<[1], [1], [0], [0], [0, 0, 1, 0], [], []>, transpose_lhs_hint = false} : vector<512x64xbf16>, vector<640x64xbf16>, vector<512x640xf32> -> vector<512x640xf32>
    %mul3A = arith.constant 1.250000e-01 : f32
    %mul3A_17 = vector.broadcast %mul3A : f32 to vector<512x640xf32>
    %mul3A_18 = arith.mulf %dot_general3A_16, %mul3A_17 : vector<512x640xf32>
    %lt3A = arith.constant 614 : i32
    %lt3A_19 = vector.broadcast %lt3A : i32 to vector<1x640xi32>
    %lt3A_20 = arith.cmpi slt, %iota3A, %lt3A_19 : vector<1x640xi32>
    %jit3A = arith.constant -1.000000e+30 : f32
    %broadcast_in_dim3A = vector.shape_cast %lt3A_20 : vector<1x640xi1> to vector<1x640xi1>
    %broadcast_in_dim3A_21 = vector.broadcast %broadcast_in_dim3A : vector<1x640xi1> to vector<512x640xi1>
    %broadcast_in_dim3A_22 = vector.broadcast %jit3A : f32 to vector<512x640xf32>
    %select_n3A = arith.select %broadcast_in_dim3A_21, %mul3A_18, %broadcast_in_dim3A_22 : vector<512x640xi1>, vector<512x640xf32>
    %reduce_max3A = arith.constant dense<0xFF800000> : vector<512xf32>
    %reduce_max3A_23 = vector.multi_reduction <maximumf>, %select_n3A, %reduce_max3A [1] : vector<512x640xf32> to vector<512xf32>
    %broadcast_in_dim3A_24 = vector.shape_cast %reduce_max3A_23 : vector<512xf32> to vector<512x1xf32>
    %sub3A = vector.broadcast %broadcast_in_dim3A_24 : vector<512x1xf32> to vector<512x640xf32>
    %sub3A_25 = arith.subf %select_n3A, %sub3A : vector<512x640xf32>
    %exp3A = math.exp %sub3A_25 : vector<512x640xf32>
    %reduce_sum3A = arith.constant dense<0.000000e+00> : vector<512xf32>
    %reduce_sum3A_26 = vector.multi_reduction <add>, %exp3A, %reduce_sum3A [1] : vector<512x640xf32> to vector<512xf32>
    %broadcast_in_dim3A_27 = vector.shape_cast %reduce_sum3A_26 : vector<512xf32> to vector<512x1xf32>
    %div3A = vector.broadcast %broadcast_in_dim3A_27 : vector<512x1xf32> to vector<512x640xf32>
    %div3A_28 = arith.divf %exp3A, %div3A : vector<512x640xf32>
    %convert_element_type3A = arith.truncf %div3A_28 : vector<512x640xf32> to vector<512x640xbf16>
    %dot_general3A_29 = arith.constant dense<0.000000e+00> : vector<512x64xf32>
    %dot_general3A_30 = tpu.matmul %convert_element_type3A, %slice3A_15, %dot_general3A_29 {dimension_numbers = #tpu.dot_dimension_numbers<[1], [0], [0], [1], [0, 0, 1, 1], [], []>, transpose_lhs_hint = false} : vector<512x640xbf16>, vector<640x64xbf16>, vector<512x64xf32> -> vector<512x64xf32>
    %slice3A_31 = vector.extract_strided_slice %get3A_3 {offsets = [0, 64], sizes = [512, 64], strides = [1, 1]} : vector<512x768xbf16> to vector<512x64xbf16>
    %slice3A_32 = vector.extract_strided_slice %get3A_8 {offsets = [0, 64], sizes = [640, 64], strides = [1, 1]} : vector<640x768xbf16> to vector<640x64xbf16>
    %slice3A_33 = vector.extract_strided_slice %get3A_13 {offsets = [0, 64], sizes = [640, 64], strides = [1, 1]} : vector<640x768xbf16> to vector<640x64xbf16>
    %dot_general3A_34 = arith.constant dense<0.000000e+00> : vector<512x640xf32>
    %dot_general3A_35 = tpu.matmul %slice3A_31, %slice3A_32, %dot_general3A_34 {dimension_numbers = #tpu.dot_dimension_numbers<[1], [1], [0], [0], [0, 0, 1, 0], [], []>, transpose_lhs_hint = false} : vector<512x64xbf16>, vector<640x64xbf16>, vector<512x640xf32> -> vector<512x640xf32>
    %mul3A_36 = arith.constant 1.250000e-01 : f32
    %mul3A_37 = vector.broadcast %mul3A_36 : f32 to vector<512x640xf32>
    %mul3A_38 = arith.mulf %dot_general3A_35, %mul3A_37 : vector<512x640xf32>
    %lt3A_39 = arith.constant 614 : i32
    %lt3A_40 = vector.broadcast %lt3A_39 : i32 to vector<1x640xi32>
    %lt3A_41 = arith.cmpi slt, %iota3A, %lt3A_40 : vector<1x640xi32>
    %jit3A_42 = arith.constant -1.000000e+30 : f32
    %broadcast_in_dim3A_43 = vector.shape_cast %lt3A_41 : vector<1x640xi1> to vector<1x640xi1>
    %broadcast_in_dim3A_44 = vector.broadcast %broadcast_in_dim3A_43 : vector<1x640xi1> to vector<512x640xi1>
    %broadcast_in_dim3A_45 = vector.broadcast %jit3A_42 : f32 to vector<512x640xf32>
    %select_n3A_46 = arith.select %broadcast_in_dim3A_44, %mul3A_38, %broadcast_in_dim3A_45 : vector<512x640xi1>, vector<512x640xf32>
    %reduce_max3A_47 = arith.constant dense<0xFF800000> : vector<512xf32>
    %reduce_max3A_48 = vector.multi_reduction <maximumf>, %select_n3A_46, %reduce_max3A_47 [1] : vector<512x640xf32> to vector<512xf32>
    %broadcast_in_dim3A_49 = vector.shape_cast %reduce_max3A_48 : vector<512xf32> to vector<512x1xf32>
    %sub3A_50 = vector.broadcast %broadcast_in_dim3A_49 : vector<512x1xf32> to vector<512x640xf32>
    %sub3A_51 = arith.subf %select_n3A_46, %sub3A_50 : vector<512x640xf32>
    %exp3A_52 = math.exp %sub3A_51 : vector<512x640xf32>
    %reduce_sum3A_53 = arith.constant dense<0.000000e+00> : vector<512xf32>
    %reduce_sum3A_54 = vector.multi_reduction <add>, %exp3A_52, %reduce_sum3A_53 [1] : vector<512x640xf32> to vector<512xf32>
    %broadcast_in_dim3A_55 = vector.shape_cast %reduce_sum3A_54 : vector<512xf32> to vector<512x1xf32>
    %div3A_56 = vector.broadcast %broadcast_in_dim3A_55 : vector<512x1xf32> to vector<512x640xf32>
    %div3A_57 = arith.divf %exp3A_52, %div3A_56 : vector<512x640xf32>
    %convert_element_type3A_58 = arith.truncf %div3A_57 : vector<512x640xf32> to vector<512x640xbf16>
    %dot_general3A_59 = arith.constant dense<0.000000e+00> : vector<512x64xf32>
    %dot_general3A_60 = tpu.matmul %convert_element_type3A_58, %slice3A_33, %dot_general3A_59 {dimension_numbers = #tpu.dot_dimension_numbers<[1], [0], [0], [1], [0, 0, 1, 1], [], []>, transpose_lhs_hint = false} : vector<512x640xbf16>, vector<640x64xbf16>, vector<512x64xf32> -> vector<512x64xf32>
    %slice3A_61 = vector.extract_strided_slice %get3A_3 {offsets = [0, 128], sizes = [512, 64], strides = [1, 1]} : vector<512x768xbf16> to vector<512x64xbf16>
    %slice3A_62 = vector.extract_strided_slice %get3A_8 {offsets = [0, 128], sizes = [640, 64], strides = [1, 1]} : vector<640x768xbf16> to vector<640x64xbf16>
    %slice3A_63 = vector.extract_strided_slice %get3A_13 {offsets = [0, 128], sizes = [640, 64], strides = [1, 1]} : vector<640x768xbf16> to vector<640x64xbf16>
    %dot_general3A_64 = arith.constant dense<0.000000e+00> : vector<512x640xf32>
    %dot_general3A_65 = tpu.matmul %slice3A_61, %slice3A_62, %dot_general3A_64 {dimension_numbers = #tpu.dot_dimension_numbers<[1], [1], [0], [0], [0, 0, 1, 0], [], []>, transpose_lhs_hint = false} : vector<512x64xbf16>, vector<640x64xbf16>, vector<512x640xf32> -> vector<512x640xf32>
    %mul3A_66 = arith.constant 1.250000e-01 : f32
    %mul3A_67 = vector.broadcast %mul3A_66 : f32 to vector<512x640xf32>
    %mul3A_68 = arith.mulf %dot_general3A_65, %mul3A_67 : vector<512x640xf32>
    %lt3A_69 = arith.constant 614 : i32
    %lt3A_70 = vector.broadcast %lt3A_69 : i32 to vector<1x640xi32>
    %lt3A_71 = arith.cmpi slt, %iota3A, %lt3A_70 : vector<1x640xi32>
    %jit3A_72 = arith.constant -1.000000e+30 : f32
    %broadcast_in_dim3A_73 = vector.shape_cast %lt3A_71 : vector<1x640xi1> to vector<1x640xi1>
    %broadcast_in_dim3A_74 = vector.broadcast %broadcast_in_dim3A_73 : vector<1x640xi1> to vector<512x640xi1>
    %broadcast_in_dim3A_75 = vector.broadcast %jit3A_72 : f32 to vector<512x640xf32>
    %select_n3A_76 = arith.select %broadcast_in_dim3A_74, %mul3A_68, %broadcast_in_dim3A_75 : vector<512x640xi1>, vector<512x640xf32>
    %reduce_max3A_77 = arith.constant dense<0xFF800000> : vector<512xf32>
    %reduce_max3A_78 = vector.multi_reduction <maximumf>, %select_n3A_76, %reduce_max3A_77 [1] : vector<512x640xf32> to vector<512xf32>
    %broadcast_in_dim3A_79 = vector.shape_cast %reduce_max3A_78 : vector<512xf32> to vector<512x1xf32>
    %sub3A_80 = vector.broadcast %broadcast_in_dim3A_79 : vector<512x1xf32> to vector<512x640xf32>
    %sub3A_81 = arith.subf %select_n3A_76, %sub3A_80 : vector<512x640xf32>
    %exp3A_82 = math.exp %sub3A_81 : vector<512x640xf32>
    %reduce_sum3A_83 = arith.constant dense<0.000000e+00> : vector<512xf32>
    %reduce_sum3A_84 = vector.multi_reduction <add>, %exp3A_82, %reduce_sum3A_83 [1] : vector<512x640xf32> to vector<512xf32>
    %broadcast_in_dim3A_85 = vector.shape_cast %reduce_sum3A_84 : vector<512xf32> to vector<512x1xf32>
    %div3A_86 = vector.broadcast %broadcast_in_dim3A_85 : vector<512x1xf32> to vector<512x640xf32>
    %div3A_87 = arith.divf %exp3A_82, %div3A_86 : vector<512x640xf32>
    %convert_element_type3A_88 = arith.truncf %div3A_87 : vector<512x640xf32> to vector<512x640xbf16>
    %dot_general3A_89 = arith.constant dense<0.000000e+00> : vector<512x64xf32>
    %dot_general3A_90 = tpu.matmul %convert_element_type3A_88, %slice3A_63, %dot_general3A_89 {dimension_numbers = #tpu.dot_dimension_numbers<[1], [0], [0], [1], [0, 0, 1, 1], [], []>, transpose_lhs_hint = false} : vector<512x640xbf16>, vector<640x64xbf16>, vector<512x64xf32> -> vector<512x64xf32>
    %slice3A_91 = vector.extract_strided_slice %get3A_3 {offsets = [0, 192], sizes = [512, 64], strides = [1, 1]} : vector<512x768xbf16> to vector<512x64xbf16>
    %slice3A_92 = vector.extract_strided_slice %get3A_8 {offsets = [0, 192], sizes = [640, 64], strides = [1, 1]} : vector<640x768xbf16> to vector<640x64xbf16>
    %slice3A_93 = vector.extract_strided_slice %get3A_13 {offsets = [0, 192], sizes = [640, 64], strides = [1, 1]} : vector<640x768xbf16> to vector<640x64xbf16>
    %dot_general3A_94 = arith.constant dense<0.000000e+00> : vector<512x640xf32>
    %dot_general3A_95 = tpu.matmul %slice3A_91, %slice3A_92, %dot_general3A_94 {dimension_numbers = #tpu.dot_dimension_numbers<[1], [1], [0], [0], [0, 0, 1, 0], [], []>, transpose_lhs_hint = false} : vector<512x64xbf16>, vector<640x64xbf16>, vector<512x640xf32> -> vector<512x640xf32>
    %mul3A_96 = arith.constant 1.250000e-01 : f32
    %mul3A_97 = vector.broadcast %mul3A_96 : f32 to vector<512x640xf32>
    %mul3A_98 = arith.mulf %dot_general3A_95, %mul3A_97 : vector<512x640xf32>
    %lt3A_99 = arith.constant 614 : i32
    %lt3A_100 = vector.broadcast %lt3A_99 : i32 to vector<1x640xi32>
    %lt3A_101 = arith.cmpi slt, %iota3A, %lt3A_100 : vector<1x640xi32>
    %jit3A_102 = arith.constant -1.000000e+30 : f32
    %broadcast_in_dim3A_103 = vector.shape_cast %lt3A_101 : vector<1x640xi1> to vector<1x640xi1>
    %broadcast_in_dim3A_104 = vector.broadcast %broadcast_in_dim3A_103 : vector<1x640xi1> to vector<512x640xi1>
    %broadcast_in_dim3A_105 = vector.broadcast %jit3A_102 : f32 to vector<512x640xf32>
    %select_n3A_106 = arith.select %broadcast_in_dim3A_104, %mul3A_98, %broadcast_in_dim3A_105 : vector<512x640xi1>, vector<512x640xf32>
    %reduce_max3A_107 = arith.constant dense<0xFF800000> : vector<512xf32>
    %reduce_max3A_108 = vector.multi_reduction <maximumf>, %select_n3A_106, %reduce_max3A_107 [1] : vector<512x640xf32> to vector<512xf32>
    %broadcast_in_dim3A_109 = vector.shape_cast %reduce_max3A_108 : vector<512xf32> to vector<512x1xf32>
    %sub3A_110 = vector.broadcast %broadcast_in_dim3A_109 : vector<512x1xf32> to vector<512x640xf32>
    %sub3A_111 = arith.subf %select_n3A_106, %sub3A_110 : vector<512x640xf32>
    %exp3A_112 = math.exp %sub3A_111 : vector<512x640xf32>
    %reduce_sum3A_113 = arith.constant dense<0.000000e+00> : vector<512xf32>
    %reduce_sum3A_114 = vector.multi_reduction <add>, %exp3A_112, %reduce_sum3A_113 [1] : vector<512x640xf32> to vector<512xf32>
    %broadcast_in_dim3A_115 = vector.shape_cast %reduce_sum3A_114 : vector<512xf32> to vector<512x1xf32>
    %div3A_116 = vector.broadcast %broadcast_in_dim3A_115 : vector<512x1xf32> to vector<512x640xf32>
    %div3A_117 = arith.divf %exp3A_112, %div3A_116 : vector<512x640xf32>
    %convert_element_type3A_118 = arith.truncf %div3A_117 : vector<512x640xf32> to vector<512x640xbf16>
    %dot_general3A_119 = arith.constant dense<0.000000e+00> : vector<512x64xf32>
    %dot_general3A_120 = tpu.matmul %convert_element_type3A_118, %slice3A_93, %dot_general3A_119 {dimension_numbers = #tpu.dot_dimension_numbers<[1], [0], [0], [1], [0, 0, 1, 1], [], []>, transpose_lhs_hint = false} : vector<512x640xbf16>, vector<640x64xbf16>, vector<512x64xf32> -> vector<512x64xf32>
    %slice3A_121 = vector.extract_strided_slice %get3A_3 {offsets = [0, 256], sizes = [512, 64], strides = [1, 1]} : vector<512x768xbf16> to vector<512x64xbf16>
    %slice3A_122 = vector.extract_strided_slice %get3A_8 {offsets = [0, 256], sizes = [640, 64], strides = [1, 1]} : vector<640x768xbf16> to vector<640x64xbf16>
    %slice3A_123 = vector.extract_strided_slice %get3A_13 {offsets = [0, 256], sizes = [640, 64], strides = [1, 1]} : vector<640x768xbf16> to vector<640x64xbf16>
    %dot_general3A_124 = arith.constant dense<0.000000e+00> : vector<512x640xf32>
    %dot_general3A_125 = tpu.matmul %slice3A_121, %slice3A_122, %dot_general3A_124 {dimension_numbers = #tpu.dot_dimension_numbers<[1], [1], [0], [0], [0, 0, 1, 0], [], []>, transpose_lhs_hint = false} : vector<512x64xbf16>, vector<640x64xbf16>, vector<512x640xf32> -> vector<512x640xf32>
    %mul3A_126 = arith.constant 1.250000e-01 : f32
    %mul3A_127 = vector.broadcast %mul3A_126 : f32 to vector<512x640xf32>
    %mul3A_128 = arith.mulf %dot_general3A_125, %mul3A_127 : vector<512x640xf32>
    %lt3A_129 = arith.constant 614 : i32
    %lt3A_130 = vector.broadcast %lt3A_129 : i32 to vector<1x640xi32>
    %lt3A_131 = arith.cmpi slt, %iota3A, %lt3A_130 : vector<1x640xi32>
    %jit3A_132 = arith.constant -1.000000e+30 : f32
    %broadcast_in_dim3A_133 = vector.shape_cast %lt3A_131 : vector<1x640xi1> to vector<1x640xi1>
    %broadcast_in_dim3A_134 = vector.broadcast %broadcast_in_dim3A_133 : vector<1x640xi1> to vector<512x640xi1>
    %broadcast_in_dim3A_135 = vector.broadcast %jit3A_132 : f32 to vector<512x640xf32>
    %select_n3A_136 = arith.select %broadcast_in_dim3A_134, %mul3A_128, %broadcast_in_dim3A_135 : vector<512x640xi1>, vector<512x640xf32>
    %reduce_max3A_137 = arith.constant dense<0xFF800000> : vector<512xf32>
    %reduce_max3A_138 = vector.multi_reduction <maximumf>, %select_n3A_136, %reduce_max3A_137 [1] : vector<512x640xf32> to vector<512xf32>
    %broadcast_in_dim3A_139 = vector.shape_cast %reduce_max3A_138 : vector<512xf32> to vector<512x1xf32>
    %sub3A_140 = vector.broadcast %broadcast_in_dim3A_139 : vector<512x1xf32> to vector<512x640xf32>
    %sub3A_141 = arith.subf %select_n3A_136, %sub3A_140 : vector<512x640xf32>
    %exp3A_142 = math.exp %sub3A_141 : vector<512x640xf32>
    %reduce_sum3A_143 = arith.constant dense<0.000000e+00> : vector<512xf32>
    %reduce_sum3A_144 = vector.multi_reduction <add>, %exp3A_142, %reduce_sum3A_143 [1] : vector<512x640xf32> to vector<512xf32>
    %broadcast_in_dim3A_145 = vector.shape_cast %reduce_sum3A_144 : vector<512xf32> to vector<512x1xf32>
    %div3A_146 = vector.broadcast %broadcast_in_dim3A_145 : vector<512x1xf32> to vector<512x640xf32>
    %div3A_147 = arith.divf %exp3A_142, %div3A_146 : vector<512x640xf32>
    %convert_element_type3A_148 = arith.truncf %div3A_147 : vector<512x640xf32> to vector<512x640xbf16>
    %dot_general3A_149 = arith.constant dense<0.000000e+00> : vector<512x64xf32>
    %dot_general3A_150 = tpu.matmul %convert_element_type3A_148, %slice3A_123, %dot_general3A_149 {dimension_numbers = #tpu.dot_dimension_numbers<[1], [0], [0], [1], [0, 0, 1, 1], [], []>, transpose_lhs_hint = false} : vector<512x640xbf16>, vector<640x64xbf16>, vector<512x64xf32> -> vector<512x64xf32>
    %slice3A_151 = vector.extract_strided_slice %get3A_3 {offsets = [0, 320], sizes = [512, 64], strides = [1, 1]} : vector<512x768xbf16> to vector<512x64xbf16>
    %slice3A_152 = vector.extract_strided_slice %get3A_8 {offsets = [0, 320], sizes = [640, 64], strides = [1, 1]} : vector<640x768xbf16> to vector<640x64xbf16>
    %slice3A_153 = vector.extract_strided_slice %get3A_13 {offsets = [0, 320], sizes = [640, 64], strides = [1, 1]} : vector<640x768xbf16> to vector<640x64xbf16>
    %dot_general3A_154 = arith.constant dense<0.000000e+00> : vector<512x640xf32>
    %dot_general3A_155 = tpu.matmul %slice3A_151, %slice3A_152, %dot_general3A_154 {dimension_numbers = #tpu.dot_dimension_numbers<[1], [1], [0], [0], [0, 0, 1, 0], [], []>, transpose_lhs_hint = false} : vector<512x64xbf16>, vector<640x64xbf16>, vector<512x640xf32> -> vector<512x640xf32>
    %mul3A_156 = arith.constant 1.250000e-01 : f32
    %mul3A_157 = vector.broadcast %mul3A_156 : f32 to vector<512x640xf32>
    %mul3A_158 = arith.mulf %dot_general3A_155, %mul3A_157 : vector<512x640xf32>
    %lt3A_159 = arith.constant 614 : i32
    %lt3A_160 = vector.broadcast %lt3A_159 : i32 to vector<1x640xi32>
    %lt3A_161 = arith.cmpi slt, %iota3A, %lt3A_160 : vector<1x640xi32>
    %jit3A_162 = arith.constant -1.000000e+30 : f32
    %broadcast_in_dim3A_163 = vector.shape_cast %lt3A_161 : vector<1x640xi1> to vector<1x640xi1>
    %broadcast_in_dim3A_164 = vector.broadcast %broadcast_in_dim3A_163 : vector<1x640xi1> to vector<512x640xi1>
    %broadcast_in_dim3A_165 = vector.broadcast %jit3A_162 : f32 to vector<512x640xf32>
    %select_n3A_166 = arith.select %broadcast_in_dim3A_164, %mul3A_158, %broadcast_in_dim3A_165 : vector<512x640xi1>, vector<512x640xf32>
    %reduce_max3A_167 = arith.constant dense<0xFF800000> : vector<512xf32>
    %reduce_max3A_168 = vector.multi_reduction <maximumf>, %select_n3A_166, %reduce_max3A_167 [1] : vector<512x640xf32> to vector<512xf32>
    %broadcast_in_dim3A_169 = vector.shape_cast %reduce_max3A_168 : vector<512xf32> to vector<512x1xf32>
    %sub3A_170 = vector.broadcast %broadcast_in_dim3A_169 : vector<512x1xf32> to vector<512x640xf32>
    %sub3A_171 = arith.subf %select_n3A_166, %sub3A_170 : vector<512x640xf32>
    %exp3A_172 = math.exp %sub3A_171 : vector<512x640xf32>
    %reduce_sum3A_173 = arith.constant dense<0.000000e+00> : vector<512xf32>
    %reduce_sum3A_174 = vector.multi_reduction <add>, %exp3A_172, %reduce_sum3A_173 [1] : vector<512x640xf32> to vector<512xf32>
    %broadcast_in_dim3A_175 = vector.shape_cast %reduce_sum3A_174 : vector<512xf32> to vector<512x1xf32>
    %div3A_176 = vector.broadcast %broadcast_in_dim3A_175 : vector<512x1xf32> to vector<512x640xf32>
    %div3A_177 = arith.divf %exp3A_172, %div3A_176 : vector<512x640xf32>
    %convert_element_type3A_178 = arith.truncf %div3A_177 : vector<512x640xf32> to vector<512x640xbf16>
    %dot_general3A_179 = arith.constant dense<0.000000e+00> : vector<512x64xf32>
    %dot_general3A_180 = tpu.matmul %convert_element_type3A_178, %slice3A_153, %dot_general3A_179 {dimension_numbers = #tpu.dot_dimension_numbers<[1], [0], [0], [1], [0, 0, 1, 1], [], []>, transpose_lhs_hint = false} : vector<512x640xbf16>, vector<640x64xbf16>, vector<512x64xf32> -> vector<512x64xf32>
    %slice3A_181 = vector.extract_strided_slice %get3A_3 {offsets = [0, 384], sizes = [512, 64], strides = [1, 1]} : vector<512x768xbf16> to vector<512x64xbf16>
    %slice3A_182 = vector.extract_strided_slice %get3A_8 {offsets = [0, 384], sizes = [640, 64], strides = [1, 1]} : vector<640x768xbf16> to vector<640x64xbf16>
    %slice3A_183 = vector.extract_strided_slice %get3A_13 {offsets = [0, 384], sizes = [640, 64], strides = [1, 1]} : vector<640x768xbf16> to vector<640x64xbf16>
    %dot_general3A_184 = arith.constant dense<0.000000e+00> : vector<512x640xf32>
    %dot_general3A_185 = tpu.matmul %slice3A_181, %slice3A_182, %dot_general3A_184 {dimension_numbers = #tpu.dot_dimension_numbers<[1], [1], [0], [0], [0, 0, 1, 0], [], []>, transpose_lhs_hint = false} : vector<512x64xbf16>, vector<640x64xbf16>, vector<512x640xf32> -> vector<512x640xf32>
    %mul3A_186 = arith.constant 1.250000e-01 : f32
    %mul3A_187 = vector.broadcast %mul3A_186 : f32 to vector<512x640xf32>
    %mul3A_188 = arith.mulf %dot_general3A_185, %mul3A_187 : vector<512x640xf32>
    %lt3A_189 = arith.constant 614 : i32
    %lt3A_190 = vector.broadcast %lt3A_189 : i32 to vector<1x640xi32>
    %lt3A_191 = arith.cmpi slt, %iota3A, %lt3A_190 : vector<1x640xi32>
    %jit3A_192 = arith.constant -1.000000e+30 : f32
    %broadcast_in_dim3A_193 = vector.shape_cast %lt3A_191 : vector<1x640xi1> to vector<1x640xi1>
    %broadcast_in_dim3A_194 = vector.broadcast %broadcast_in_dim3A_193 : vector<1x640xi1> to vector<512x640xi1>
    %broadcast_in_dim3A_195 = vector.broadcast %jit3A_192 : f32 to vector<512x640xf32>
    %select_n3A_196 = arith.select %broadcast_in_dim3A_194, %mul3A_188, %broadcast_in_dim3A_195 : vector<512x640xi1>, vector<512x640xf32>
    %reduce_max3A_197 = arith.constant dense<0xFF800000> : vector<512xf32>
    %reduce_max3A_198 = vector.multi_reduction <maximumf>, %select_n3A_196, %reduce_max3A_197 [1] : vector<512x640xf32> to vector<512xf32>
    %broadcast_in_dim3A_199 = vector.shape_cast %reduce_max3A_198 : vector<512xf32> to vector<512x1xf32>
    %sub3A_200 = vector.broadcast %broadcast_in_dim3A_199 : vector<512x1xf32> to vector<512x640xf32>
    %sub3A_201 = arith.subf %select_n3A_196, %sub3A_200 : vector<512x640xf32>
    %exp3A_202 = math.exp %sub3A_201 : vector<512x640xf32>
    %reduce_sum3A_203 = arith.constant dense<0.000000e+00> : vector<512xf32>
    %reduce_sum3A_204 = vector.multi_reduction <add>, %exp3A_202, %reduce_sum3A_203 [1] : vector<512x640xf32> to vector<512xf32>
    %broadcast_in_dim3A_205 = vector.shape_cast %reduce_sum3A_204 : vector<512xf32> to vector<512x1xf32>
    %div3A_206 = vector.broadcast %broadcast_in_dim3A_205 : vector<512x1xf32> to vector<512x640xf32>
    %div3A_207 = arith.divf %exp3A_202, %div3A_206 : vector<512x640xf32>
    %convert_element_type3A_208 = arith.truncf %div3A_207 : vector<512x640xf32> to vector<512x640xbf16>
    %dot_general3A_209 = arith.constant dense<0.000000e+00> : vector<512x64xf32>
    %dot_general3A_210 = tpu.matmul %convert_element_type3A_208, %slice3A_183, %dot_general3A_209 {dimension_numbers = #tpu.dot_dimension_numbers<[1], [0], [0], [1], [0, 0, 1, 1], [], []>, transpose_lhs_hint = false} : vector<512x640xbf16>, vector<640x64xbf16>, vector<512x64xf32> -> vector<512x64xf32>
    %slice3A_211 = vector.extract_strided_slice %get3A_3 {offsets = [0, 448], sizes = [512, 64], strides = [1, 1]} : vector<512x768xbf16> to vector<512x64xbf16>
    %slice3A_212 = vector.extract_strided_slice %get3A_8 {offsets = [0, 448], sizes = [640, 64], strides = [1, 1]} : vector<640x768xbf16> to vector<640x64xbf16>
    %slice3A_213 = vector.extract_strided_slice %get3A_13 {offsets = [0, 448], sizes = [640, 64], strides = [1, 1]} : vector<640x768xbf16> to vector<640x64xbf16>
    %dot_general3A_214 = arith.constant dense<0.000000e+00> : vector<512x640xf32>
    %dot_general3A_215 = tpu.matmul %slice3A_211, %slice3A_212, %dot_general3A_214 {dimension_numbers = #tpu.dot_dimension_numbers<[1], [1], [0], [0], [0, 0, 1, 0], [], []>, transpose_lhs_hint = false} : vector<512x64xbf16>, vector<640x64xbf16>, vector<512x640xf32> -> vector<512x640xf32>
    %mul3A_216 = arith.constant 1.250000e-01 : f32
    %mul3A_217 = vector.broadcast %mul3A_216 : f32 to vector<512x640xf32>
    %mul3A_218 = arith.mulf %dot_general3A_215, %mul3A_217 : vector<512x640xf32>
    %lt3A_219 = arith.constant 614 : i32
    %lt3A_220 = vector.broadcast %lt3A_219 : i32 to vector<1x640xi32>
    %lt3A_221 = arith.cmpi slt, %iota3A, %lt3A_220 : vector<1x640xi32>
    %jit3A_222 = arith.constant -1.000000e+30 : f32
    %broadcast_in_dim3A_223 = vector.shape_cast %lt3A_221 : vector<1x640xi1> to vector<1x640xi1>
    %broadcast_in_dim3A_224 = vector.broadcast %broadcast_in_dim3A_223 : vector<1x640xi1> to vector<512x640xi1>
    %broadcast_in_dim3A_225 = vector.broadcast %jit3A_222 : f32 to vector<512x640xf32>
    %select_n3A_226 = arith.select %broadcast_in_dim3A_224, %mul3A_218, %broadcast_in_dim3A_225 : vector<512x640xi1>, vector<512x640xf32>
    %reduce_max3A_227 = arith.constant dense<0xFF800000> : vector<512xf32>
    %reduce_max3A_228 = vector.multi_reduction <maximumf>, %select_n3A_226, %reduce_max3A_227 [1] : vector<512x640xf32> to vector<512xf32>
    %broadcast_in_dim3A_229 = vector.shape_cast %reduce_max3A_228 : vector<512xf32> to vector<512x1xf32>
    %sub3A_230 = vector.broadcast %broadcast_in_dim3A_229 : vector<512x1xf32> to vector<512x640xf32>
    %sub3A_231 = arith.subf %select_n3A_226, %sub3A_230 : vector<512x640xf32>
    %exp3A_232 = math.exp %sub3A_231 : vector<512x640xf32>
    %reduce_sum3A_233 = arith.constant dense<0.000000e+00> : vector<512xf32>
    %reduce_sum3A_234 = vector.multi_reduction <add>, %exp3A_232, %reduce_sum3A_233 [1] : vector<512x640xf32> to vector<512xf32>
    %broadcast_in_dim3A_235 = vector.shape_cast %reduce_sum3A_234 : vector<512xf32> to vector<512x1xf32>
    %div3A_236 = vector.broadcast %broadcast_in_dim3A_235 : vector<512x1xf32> to vector<512x640xf32>
    %div3A_237 = arith.divf %exp3A_232, %div3A_236 : vector<512x640xf32>
    %convert_element_type3A_238 = arith.truncf %div3A_237 : vector<512x640xf32> to vector<512x640xbf16>
    %dot_general3A_239 = arith.constant dense<0.000000e+00> : vector<512x64xf32>
    %dot_general3A_240 = tpu.matmul %convert_element_type3A_238, %slice3A_213, %dot_general3A_239 {dimension_numbers = #tpu.dot_dimension_numbers<[1], [0], [0], [1], [0, 0, 1, 1], [], []>, transpose_lhs_hint = false} : vector<512x640xbf16>, vector<640x64xbf16>, vector<512x64xf32> -> vector<512x64xf32>
    %slice3A_241 = vector.extract_strided_slice %get3A_3 {offsets = [0, 512], sizes = [512, 64], strides = [1, 1]} : vector<512x768xbf16> to vector<512x64xbf16>
    %slice3A_242 = vector.extract_strided_slice %get3A_8 {offsets = [0, 512], sizes = [640, 64], strides = [1, 1]} : vector<640x768xbf16> to vector<640x64xbf16>
    %slice3A_243 = vector.extract_strided_slice %get3A_13 {offsets = [0, 512], sizes = [640, 64], strides = [1, 1]} : vector<640x768xbf16> to vector<640x64xbf16>
    %dot_general3A_244 = arith.constant dense<0.000000e+00> : vector<512x640xf32>
    %dot_general3A_245 = tpu.matmul %slice3A_241, %slice3A_242, %dot_general3A_244 {dimension_numbers = #tpu.dot_dimension_numbers<[1], [1], [0], [0], [0, 0, 1, 0], [], []>, transpose_lhs_hint = false} : vector<512x64xbf16>, vector<640x64xbf16>, vector<512x640xf32> -> vector<512x640xf32>
    %mul3A_246 = arith.constant 1.250000e-01 : f32
    %mul3A_247 = vector.broadcast %mul3A_246 : f32 to vector<512x640xf32>
    %mul3A_248 = arith.mulf %dot_general3A_245, %mul3A_247 : vector<512x640xf32>
    %lt3A_249 = arith.constant 614 : i32
    %lt3A_250 = vector.broadcast %lt3A_249 : i32 to vector<1x640xi32>
    %lt3A_251 = arith.cmpi slt, %iota3A, %lt3A_250 : vector<1x640xi32>
    %jit3A_252 = arith.constant -1.000000e+30 : f32
    %broadcast_in_dim3A_253 = vector.shape_cast %lt3A_251 : vector<1x640xi1> to vector<1x640xi1>
    %broadcast_in_dim3A_254 = vector.broadcast %broadcast_in_dim3A_253 : vector<1x640xi1> to vector<512x640xi1>
    %broadcast_in_dim3A_255 = vector.broadcast %jit3A_252 : f32 to vector<512x640xf32>
    %select_n3A_256 = arith.select %broadcast_in_dim3A_254, %mul3A_248, %broadcast_in_dim3A_255 : vector<512x640xi1>, vector<512x640xf32>
    %reduce_max3A_257 = arith.constant dense<0xFF800000> : vector<512xf32>
    %reduce_max3A_258 = vector.multi_reduction <maximumf>, %select_n3A_256, %reduce_max3A_257 [1] : vector<512x640xf32> to vector<512xf32>
    %broadcast_in_dim3A_259 = vector.shape_cast %reduce_max3A_258 : vector<512xf32> to vector<512x1xf32>
    %sub3A_260 = vector.broadcast %broadcast_in_dim3A_259 : vector<512x1xf32> to vector<512x640xf32>
    %sub3A_261 = arith.subf %select_n3A_256, %sub3A_260 : vector<512x640xf32>
    %exp3A_262 = math.exp %sub3A_261 : vector<512x640xf32>
    %reduce_sum3A_263 = arith.constant dense<0.000000e+00> : vector<512xf32>
    %reduce_sum3A_264 = vector.multi_reduction <add>, %exp3A_262, %reduce_sum3A_263 [1] : vector<512x640xf32> to vector<512xf32>
    %broadcast_in_dim3A_265 = vector.shape_cast %reduce_sum3A_264 : vector<512xf32> to vector<512x1xf32>
    %div3A_266 = vector.broadcast %broadcast_in_dim3A_265 : vector<512x1xf32> to vector<512x640xf32>
    %div3A_267 = arith.divf %exp3A_262, %div3A_266 : vector<512x640xf32>
    %convert_element_type3A_268 = arith.truncf %div3A_267 : vector<512x640xf32> to vector<512x640xbf16>
    %dot_general3A_269 = arith.constant dense<0.000000e+00> : vector<512x64xf32>
    %dot_general3A_270 = tpu.matmul %convert_element_type3A_268, %slice3A_243, %dot_general3A_269 {dimension_numbers = #tpu.dot_dimension_numbers<[1], [0], [0], [1], [0, 0, 1, 1], [], []>, transpose_lhs_hint = false} : vector<512x640xbf16>, vector<640x64xbf16>, vector<512x64xf32> -> vector<512x64xf32>
    %slice3A_271 = vector.extract_strided_slice %get3A_3 {offsets = [0, 576], sizes = [512, 64], strides = [1, 1]} : vector<512x768xbf16> to vector<512x64xbf16>
    %slice3A_272 = vector.extract_strided_slice %get3A_8 {offsets = [0, 576], sizes = [640, 64], strides = [1, 1]} : vector<640x768xbf16> to vector<640x64xbf16>
    %slice3A_273 = vector.extract_strided_slice %get3A_13 {offsets = [0, 576], sizes = [640, 64], strides = [1, 1]} : vector<640x768xbf16> to vector<640x64xbf16>
    %dot_general3A_274 = arith.constant dense<0.000000e+00> : vector<512x640xf32>
    %dot_general3A_275 = tpu.matmul %slice3A_271, %slice3A_272, %dot_general3A_274 {dimension_numbers = #tpu.dot_dimension_numbers<[1], [1], [0], [0], [0, 0, 1, 0], [], []>, transpose_lhs_hint = false} : vector<512x64xbf16>, vector<640x64xbf16>, vector<512x640xf32> -> vector<512x640xf32>
    %mul3A_276 = arith.constant 1.250000e-01 : f32
    %mul3A_277 = vector.broadcast %mul3A_276 : f32 to vector<512x640xf32>
    %mul3A_278 = arith.mulf %dot_general3A_275, %mul3A_277 : vector<512x640xf32>
    %lt3A_279 = arith.constant 614 : i32
    %lt3A_280 = vector.broadcast %lt3A_279 : i32 to vector<1x640xi32>
    %lt3A_281 = arith.cmpi slt, %iota3A, %lt3A_280 : vector<1x640xi32>
    %jit3A_282 = arith.constant -1.000000e+30 : f32
    %broadcast_in_dim3A_283 = vector.shape_cast %lt3A_281 : vector<1x640xi1> to vector<1x640xi1>
    %broadcast_in_dim3A_284 = vector.broadcast %broadcast_in_dim3A_283 : vector<1x640xi1> to vector<512x640xi1>
    %broadcast_in_dim3A_285 = vector.broadcast %jit3A_282 : f32 to vector<512x640xf32>
    %select_n3A_286 = arith.select %broadcast_in_dim3A_284, %mul3A_278, %broadcast_in_dim3A_285 : vector<512x640xi1>, vector<512x640xf32>
    %reduce_max3A_287 = arith.constant dense<0xFF800000> : vector<512xf32>
    %reduce_max3A_288 = vector.multi_reduction <maximumf>, %select_n3A_286, %reduce_max3A_287 [1] : vector<512x640xf32> to vector<512xf32>
    %broadcast_in_dim3A_289 = vector.shape_cast %reduce_max3A_288 : vector<512xf32> to vector<512x1xf32>
    %sub3A_290 = vector.broadcast %broadcast_in_dim3A_289 : vector<512x1xf32> to vector<512x640xf32>
    %sub3A_291 = arith.subf %select_n3A_286, %sub3A_290 : vector<512x640xf32>
    %exp3A_292 = math.exp %sub3A_291 : vector<512x640xf32>
    %reduce_sum3A_293 = arith.constant dense<0.000000e+00> : vector<512xf32>
    %reduce_sum3A_294 = vector.multi_reduction <add>, %exp3A_292, %reduce_sum3A_293 [1] : vector<512x640xf32> to vector<512xf32>
    %broadcast_in_dim3A_295 = vector.shape_cast %reduce_sum3A_294 : vector<512xf32> to vector<512x1xf32>
    %div3A_296 = vector.broadcast %broadcast_in_dim3A_295 : vector<512x1xf32> to vector<512x640xf32>
    %div3A_297 = arith.divf %exp3A_292, %div3A_296 : vector<512x640xf32>
    %convert_element_type3A_298 = arith.truncf %div3A_297 : vector<512x640xf32> to vector<512x640xbf16>
    %dot_general3A_299 = arith.constant dense<0.000000e+00> : vector<512x64xf32>
    %dot_general3A_300 = tpu.matmul %convert_element_type3A_298, %slice3A_273, %dot_general3A_299 {dimension_numbers = #tpu.dot_dimension_numbers<[1], [0], [0], [1], [0, 0, 1, 1], [], []>, transpose_lhs_hint = false} : vector<512x640xbf16>, vector<640x64xbf16>, vector<512x64xf32> -> vector<512x64xf32>
    %slice3A_301 = vector.extract_strided_slice %get3A_3 {offsets = [0, 640], sizes = [512, 64], strides = [1, 1]} : vector<512x768xbf16> to vector<512x64xbf16>
    %slice3A_302 = vector.extract_strided_slice %get3A_8 {offsets = [0, 640], sizes = [640, 64], strides = [1, 1]} : vector<640x768xbf16> to vector<640x64xbf16>
    %slice3A_303 = vector.extract_strided_slice %get3A_13 {offsets = [0, 640], sizes = [640, 64], strides = [1, 1]} : vector<640x768xbf16> to vector<640x64xbf16>
    %dot_general3A_304 = arith.constant dense<0.000000e+00> : vector<512x640xf32>
    %dot_general3A_305 = tpu.matmul %slice3A_301, %slice3A_302, %dot_general3A_304 {dimension_numbers = #tpu.dot_dimension_numbers<[1], [1], [0], [0], [0, 0, 1, 0], [], []>, transpose_lhs_hint = false} : vector<512x64xbf16>, vector<640x64xbf16>, vector<512x640xf32> -> vector<512x640xf32>
    %mul3A_306 = arith.constant 1.250000e-01 : f32
    %mul3A_307 = vector.broadcast %mul3A_306 : f32 to vector<512x640xf32>
    %mul3A_308 = arith.mulf %dot_general3A_305, %mul3A_307 : vector<512x640xf32>
    %lt3A_309 = arith.constant 614 : i32
    %lt3A_310 = vector.broadcast %lt3A_309 : i32 to vector<1x640xi32>
    %lt3A_311 = arith.cmpi slt, %iota3A, %lt3A_310 : vector<1x640xi32>
    %jit3A_312 = arith.constant -1.000000e+30 : f32
    %broadcast_in_dim3A_313 = vector.shape_cast %lt3A_311 : vector<1x640xi1> to vector<1x640xi1>
    %broadcast_in_dim3A_314 = vector.broadcast %broadcast_in_dim3A_313 : vector<1x640xi1> to vector<512x640xi1>
    %broadcast_in_dim3A_315 = vector.broadcast %jit3A_312 : f32 to vector<512x640xf32>
    %select_n3A_316 = arith.select %broadcast_in_dim3A_314, %mul3A_308, %broadcast_in_dim3A_315 : vector<512x640xi1>, vector<512x640xf32>
    %reduce_max3A_317 = arith.constant dense<0xFF800000> : vector<512xf32>
    %reduce_max3A_318 = vector.multi_reduction <maximumf>, %select_n3A_316, %reduce_max3A_317 [1] : vector<512x640xf32> to vector<512xf32>
    %broadcast_in_dim3A_319 = vector.shape_cast %reduce_max3A_318 : vector<512xf32> to vector<512x1xf32>
    %sub3A_320 = vector.broadcast %broadcast_in_dim3A_319 : vector<512x1xf32> to vector<512x640xf32>
    %sub3A_321 = arith.subf %select_n3A_316, %sub3A_320 : vector<512x640xf32>
    %exp3A_322 = math.exp %sub3A_321 : vector<512x640xf32>
    %reduce_sum3A_323 = arith.constant dense<0.000000e+00> : vector<512xf32>
    %reduce_sum3A_324 = vector.multi_reduction <add>, %exp3A_322, %reduce_sum3A_323 [1] : vector<512x640xf32> to vector<512xf32>
    %broadcast_in_dim3A_325 = vector.shape_cast %reduce_sum3A_324 : vector<512xf32> to vector<512x1xf32>
    %div3A_326 = vector.broadcast %broadcast_in_dim3A_325 : vector<512x1xf32> to vector<512x640xf32>
    %div3A_327 = arith.divf %exp3A_322, %div3A_326 : vector<512x640xf32>
    %convert_element_type3A_328 = arith.truncf %div3A_327 : vector<512x640xf32> to vector<512x640xbf16>
    %dot_general3A_329 = arith.constant dense<0.000000e+00> : vector<512x64xf32>
    %dot_general3A_330 = tpu.matmul %convert_element_type3A_328, %slice3A_303, %dot_general3A_329 {dimension_numbers = #tpu.dot_dimension_numbers<[1], [0], [0], [1], [0, 0, 1, 1], [], []>, transpose_lhs_hint = false} : vector<512x640xbf16>, vector<640x64xbf16>, vector<512x64xf32> -> vector<512x64xf32>
    %slice3A_331 = vector.extract_strided_slice %get3A_3 {offsets = [0, 704], sizes = [512, 64], strides = [1, 1]} : vector<512x768xbf16> to vector<512x64xbf16>
    %slice3A_332 = vector.extract_strided_slice %get3A_8 {offsets = [0, 704], sizes = [640, 64], strides = [1, 1]} : vector<640x768xbf16> to vector<640x64xbf16>
    %slice3A_333 = vector.extract_strided_slice %get3A_13 {offsets = [0, 704], sizes = [640, 64], strides = [1, 1]} : vector<640x768xbf16> to vector<640x64xbf16>
    %dot_general3A_334 = arith.constant dense<0.000000e+00> : vector<512x640xf32>
    %dot_general3A_335 = tpu.matmul %slice3A_331, %slice3A_332, %dot_general3A_334 {dimension_numbers = #tpu.dot_dimension_numbers<[1], [1], [0], [0], [0, 0, 1, 0], [], []>, transpose_lhs_hint = false} : vector<512x64xbf16>, vector<640x64xbf16>, vector<512x640xf32> -> vector<512x640xf32>
    %mul3A_336 = arith.constant 1.250000e-01 : f32
    %mul3A_337 = vector.broadcast %mul3A_336 : f32 to vector<512x640xf32>
    %mul3A_338 = arith.mulf %dot_general3A_335, %mul3A_337 : vector<512x640xf32>
    %lt3A_339 = arith.constant 614 : i32
    %lt3A_340 = vector.broadcast %lt3A_339 : i32 to vector<1x640xi32>
    %lt3A_341 = arith.cmpi slt, %iota3A, %lt3A_340 : vector<1x640xi32>
    %jit3A_342 = arith.constant -1.000000e+30 : f32
    %broadcast_in_dim3A_343 = vector.shape_cast %lt3A_341 : vector<1x640xi1> to vector<1x640xi1>
    %broadcast_in_dim3A_344 = vector.broadcast %broadcast_in_dim3A_343 : vector<1x640xi1> to vector<512x640xi1>
    %broadcast_in_dim3A_345 = vector.broadcast %jit3A_342 : f32 to vector<512x640xf32>
    %select_n3A_346 = arith.select %broadcast_in_dim3A_344, %mul3A_338, %broadcast_in_dim3A_345 : vector<512x640xi1>, vector<512x640xf32>
    %reduce_max3A_347 = arith.constant dense<0xFF800000> : vector<512xf32>
    %reduce_max3A_348 = vector.multi_reduction <maximumf>, %select_n3A_346, %reduce_max3A_347 [1] : vector<512x640xf32> to vector<512xf32>
    %broadcast_in_dim3A_349 = vector.shape_cast %reduce_max3A_348 : vector<512xf32> to vector<512x1xf32>
    %sub3A_350 = vector.broadcast %broadcast_in_dim3A_349 : vector<512x1xf32> to vector<512x640xf32>
    %sub3A_351 = arith.subf %select_n3A_346, %sub3A_350 : vector<512x640xf32>
    %exp3A_352 = math.exp %sub3A_351 : vector<512x640xf32>
    %reduce_sum3A_353 = arith.constant dense<0.000000e+00> : vector<512xf32>
    %reduce_sum3A_354 = vector.multi_reduction <add>, %exp3A_352, %reduce_sum3A_353 [1] : vector<512x640xf32> to vector<512xf32>
    %broadcast_in_dim3A_355 = vector.shape_cast %reduce_sum3A_354 : vector<512xf32> to vector<512x1xf32>
    %div3A_356 = vector.broadcast %broadcast_in_dim3A_355 : vector<512x1xf32> to vector<512x640xf32>
    %div3A_357 = arith.divf %exp3A_352, %div3A_356 : vector<512x640xf32>
    %convert_element_type3A_358 = arith.truncf %div3A_357 : vector<512x640xf32> to vector<512x640xbf16>
    %dot_general3A_359 = arith.constant dense<0.000000e+00> : vector<512x64xf32>
    %dot_general3A_360 = tpu.matmul %convert_element_type3A_358, %slice3A_333, %dot_general3A_359 {dimension_numbers = #tpu.dot_dimension_numbers<[1], [0], [0], [1], [0, 0, 1, 1], [], []>, transpose_lhs_hint = false} : vector<512x640xbf16>, vector<640x64xbf16>, vector<512x64xf32> -> vector<512x64xf32>
    %concatenate3A = tpu.concatenate %dot_general3A_30, %dot_general3A_60, %dot_general3A_90, %dot_general3A_120, %dot_general3A_150, %dot_general3A_180, %dot_general3A_210, %dot_general3A_240, %dot_general3A_270, %dot_general3A_300, %dot_general3A_330, %dot_general3A_360 in 1 : vector<512x64xf32>, vector<512x64xf32>, vector<512x64xf32>, vector<512x64xf32>, vector<512x64xf32>, vector<512x64xf32>, vector<512x64xf32>, vector<512x64xf32>, vector<512x64xf32>, vector<512x64xf32>, vector<512x64xf32>, vector<512x64xf32> -> vector<512x768xf32>
    %convert_element_type3A_361 = arith.truncf %concatenate3A : vector<512x768xf32> to vector<512x768xbf16>
    %get3A_362 = arith.constant 0 : index
    %get3A_363 = arith.constant 0 : index
    %get3A_364 = vector.load %arg5[%get3A_362, %get3A_363] : memref<768x768xf32, #tpu.memory_space<vmem>>, vector<768x768xf32>
    %convert_element_type3A_365 = arith.truncf %get3A_364 : vector<768x768xf32> to vector<768x768xbf16>
    %dot_general3A_366 = arith.constant dense<0.000000e+00> : vector<512x768xf32>
    %dot_general3A_367 = tpu.matmul %convert_element_type3A_361, %convert_element_type3A_365, %dot_general3A_366 {dimension_numbers = #tpu.dot_dimension_numbers<[1], [0], [0], [1], [0, 0, 1, 1], [], []>, transpose_lhs_hint = false} : vector<512x768xbf16>, vector<768x768xbf16>, vector<512x768xf32> -> vector<512x768xf32>
    %get3A_368 = arith.constant 0 : index
    %get3A_369 = arith.constant 0 : index
    %get3A_370 = vector.load %arg6[%get3A_368, %get3A_369] : memref<1x768xf32, #tpu.memory_space<vmem>>, vector<1x768xf32>
    %add3A = vector.broadcast %get3A_370 : vector<1x768xf32> to vector<512x768xf32>
    %add3A_371 = arith.addf %dot_general3A_367, %add3A : vector<512x768xf32>
    %get3A_372 = arith.constant 0 : index
    %get3A_373 = arith.constant 0 : index
    %get3A_374 = arith.constant 0 : index
    %get3A_375 = vector.load %arg7[%get3A_372, %get3A_373, %get3A_374] : memref<1x512x768xf32, #tpu.memory_space<vmem>>, vector<1x512x768xf32>
    %get3A_376 = vector.shape_cast %get3A_375 : vector<1x512x768xf32> to vector<512x768xf32>
    %add3A_377 = arith.addf %add3A_371, %get3A_376 : vector<512x768xf32>
    %swap3A = arith.constant 0 : index
    %swap3A_378 = arith.constant 0 : index
    %swap3A_379 = arith.constant 0 : index
    %swap3A_380 = vector.load %arg12[%swap3A, %swap3A_378, %swap3A_379] : memref<1x512x768xf32, #tpu.memory_space<vmem>>, vector<1x512x768xf32>
    %swap3A_381 = vector.shape_cast %swap3A_380 : vector<1x512x768xf32> to vector<512x768xf32>
    %swap3A_382 = vector.shape_cast %add3A_377 : vector<512x768xf32> to vector<1x512x768xf32>
    tpu.vector_store %arg12[%swap3A, %swap3A_378, %swap3A_379], %swap3A_382 {strides = array<i32>} : memref<1x512x768xf32, #tpu.memory_space<vmem>>, vector<1x512x768xf32>,
    %get3A_383 = arith.constant 0 : index
    %get3A_384 = arith.constant 0 : index
    %get3A_385 = vector.load %arg8[%get3A_383, %get3A_384] : memref<1x768xf32, #tpu.memory_space<vmem>>, vector<1x768xf32>
    %get3A_386 = arith.constant 0 : index
    %get3A_387 = arith.constant 0 : index
    %get3A_388 = vector.load %arg9[%get3A_386, %get3A_387] : memref<1x768xf32, #tpu.memory_space<vmem>>, vector<1x768xf32>
    %reduce_sum3A_389 = arith.constant dense<0.000000e+00> : vector<512xf32>
    %reduce_sum3A_390 = vector.multi_reduction <add>, %add3A_377, %reduce_sum3A_389 [1] : vector<512x768xf32> to vector<512xf32>
    %broadcast_in_dim3A_391 = vector.shape_cast %reduce_sum3A_390 : vector<512xf32> to vector<512x1xf32>
    %div3A_392 = arith.constant 7.680000e+02 : f32
    %div3A_393 = vector.broadcast %div3A_392 : f32 to vector<512x1xf32>
    %div3A_394 = arith.divf %broadcast_in_dim3A_391, %div3A_393 : vector<512x1xf32>
    %sub3A_395 = vector.broadcast %div3A_394 : vector<512x1xf32> to vector<512x768xf32>
    %sub3A_396 = arith.subf %add3A_377, %sub3A_395 : vector<512x768xf32>
    %integer_pow3A = arith.mulf %sub3A_396, %sub3A_396 : vector<512x768xf32>
    %reduce_sum3A_397 = arith.constant dense<0.000000e+00> : vector<512xf32>
    %reduce_sum3A_398 = vector.multi_reduction <add>, %integer_pow3A, %reduce_sum3A_397 [1] : vector<512x768xf32> to vector<512xf32>
    %broadcast_in_dim3A_399 = vector.shape_cast %reduce_sum3A_398 : vector<512xf32> to vector<512x1xf32>
    %div3A_400 = arith.constant 7.680000e+02 : f32
    %div3A_401 = vector.broadcast %div3A_400 : f32 to vector<512x1xf32>
    %div3A_402 = arith.divf %broadcast_in_dim3A_399, %div3A_401 : vector<512x1xf32>
    %sub3A_403 = vector.broadcast %div3A_394 : vector<512x1xf32> to vector<512x768xf32>
    %sub3A_404 = arith.subf %add3A_377, %sub3A_403 : vector<512x768xf32>
    %add3A_405 = arith.constant 9.99999974E-6 : f32
    %add3A_406 = vector.broadcast %add3A_405 : f32 to vector<512x1xf32>
    %add3A_407 = arith.addf %div3A_402, %add3A_406 : vector<512x1xf32>
    %sqrt3A = math.sqrt %add3A_407 : vector<512x1xf32>
    %div3A_408 = vector.broadcast %sqrt3A : vector<512x1xf32> to vector<512x768xf32>
    %div3A_409 = arith.divf %sub3A_404, %div3A_408 : vector<512x768xf32>
    %mul3A_410 = vector.broadcast %get3A_385 : vector<1x768xf32> to vector<512x768xf32>
    %mul3A_411 = arith.mulf %div3A_409, %mul3A_410 : vector<512x768xf32>
    %add3A_412 = vector.broadcast %get3A_388 : vector<1x768xf32> to vector<512x768xf32>
    %add3A_413 = arith.addf %mul3A_411, %add3A_412 : vector<512x768xf32>
    %convert_element_type3A_414 = arith.truncf %add3A_413 : vector<512x768xf32> to vector<512x768xbf16>
    %swap3A_415 = arith.constant 0 : index
    %swap3A_416 = arith.constant 0 : index
    %swap3A_417 = arith.constant 0 : index
    %swap3A_418 = vector.load %arg13[%swap3A_415, %swap3A_416, %swap3A_417] : memref<1x512x768xbf16, #tpu.memory_space<vmem>>, vector<1x512x768xbf16>
    %swap3A_419 = vector.shape_cast %swap3A_418 : vector<1x512x768xbf16> to vector<512x768xbf16>
    %swap3A_420 = vector.shape_cast %convert_element_type3A_414 : vector<512x768xbf16> to vector<1x512x768xbf16>
    tpu.vector_store %arg13[%swap3A_415, %swap3A_416, %swap3A_417], %swap3A_420 {strides = array<i32>} : memref<1x512x768xbf16, #tpu.memory_space<vmem>>, vector<1x512x768xbf16>,
    %convert_element_type3A_421 = arith.truncf %add3A_413 : vector<512x768xf32> to vector<512x768xbf16>
    %get3A_422 = arith.constant 0 : index
    %get3A_423 = arith.constant 0 : index
    %get3A_424 = vector.load %arg10[%get3A_422, %get3A_423] : memref<768x8xf32, #tpu.memory_space<vmem>>, vector<768x8xf32>
    %convert_element_type3A_425 = arith.truncf %get3A_424 : vector<768x8xf32> to vector<768x8xbf16>
    %dot_general3A_426 = arith.constant dense<0.000000e+00> : vector<512x8xf32>
    %dot_general3A_427 = tpu.matmul %convert_element_type3A_421, %convert_element_type3A_425, %dot_general3A_426 {dimension_numbers = #tpu.dot_dimension_numbers<[1], [0], [0], [1], [0, 0, 1, 1], [], []>, transpose_lhs_hint = false} : vector<512x768xbf16>, vector<768x8xbf16>, vector<512x8xf32> -> vector<512x8xf32>
    %get3A_428 = arith.constant 0 : index
    %get3A_429 = arith.constant 0 : index
    %get3A_430 = vector.load %arg11[%get3A_428, %get3A_429] : memref<1x8xf32, #tpu.memory_space<vmem>>, vector<1x8xf32>
    %add3A_431 = vector.broadcast %get3A_430 : vector<1x8xf32> to vector<512x8xf32>
    %add3A_432 = arith.addf %dot_general3A_427, %add3A_431 : vector<512x8xf32>
    %reduce_max3A_433 = arith.constant dense<0xFF800000> : vector<512xf32>
    %reduce_max3A_434 = vector.multi_reduction <maximumf>, %add3A_432, %reduce_max3A_433 [1] : vector<512x8xf32> to vector<512xf32>
    %broadcast_in_dim3A_435 = vector.shape_cast %reduce_max3A_434 : vector<512xf32> to vector<512x1xf32>
    %sub3A_436 = vector.broadcast %broadcast_in_dim3A_435 : vector<512x1xf32> to vector<512x8xf32>
    %sub3A_437 = arith.subf %add3A_432, %sub3A_436 : vector<512x8xf32>
    %exp3A_438 = math.exp %sub3A_437 : vector<512x8xf32>
    %reduce_sum3A_439 = arith.constant dense<0.000000e+00> : vector<512xf32>
    %reduce_sum3A_440 = vector.multi_reduction <add>, %exp3A_438, %reduce_sum3A_439 [1] : vector<512x8xf32> to vector<512xf32>
    %broadcast_in_dim3A_441 = vector.shape_cast %reduce_sum3A_440 : vector<512xf32> to vector<512x1xf32>
    %div3A_442 = vector.broadcast %broadcast_in_dim3A_441 : vector<512x1xf32> to vector<512x8xf32>
    %div3A_443 = arith.divf %exp3A_438, %div3A_442 : vector<512x8xf32>
    %iota3A_444 = tpu.iota {dimensions = array<i32: 1>} : vector<512x8xi32>
    %reduce_max3A_445 = arith.constant dense<0xFF800000> : vector<512xf32>
    %reduce_max3A_446 = vector.multi_reduction <maximumf>, %div3A_443, %reduce_max3A_445 [1] : vector<512x8xf32> to vector<512xf32>
    %broadcast_in_dim3A_447 = vector.shape_cast %reduce_max3A_446 : vector<512xf32> to vector<512x1xf32>
    %eq3A = vector.broadcast %broadcast_in_dim3A_447 : vector<512x1xf32> to vector<512x8xf32>
    %eq3A_448 = arith.cmpf oeq, %div3A_443, %eq3A : vector<512x8xf32>
    %jit3A_449 = arith.constant 8 : i32
    %broadcast_in_dim3A_450 = vector.broadcast %jit3A_449 : i32 to vector<512x8xi32>
    %select_n3A_451 = arith.select %eq3A_448, %iota3A_444, %broadcast_in_dim3A_450 : vector<512x8xi1>, vector<512x8xi32>
    %reduce_min3A = arith.constant dense<2147483647> : vector<512xi32>
    %reduce_min3A_452 = vector.multi_reduction <minsi>, %select_n3A_451, %reduce_min3A [1] : vector<512x8xi32> to vector<512xi32>
    %broadcast_in_dim3A_453 = vector.shape_cast %reduce_min3A_452 : vector<512xi32> to vector<512x1xi32>
    %eq3A_454 = vector.broadcast %broadcast_in_dim3A_453 : vector<512x1xi32> to vector<512x8xi32>
    %eq3A_455 = arith.cmpi eq, %iota3A_444, %eq3A_454 : vector<512x8xi32>
    %jit3A_456 = arith.constant 0xFF800000 : f32
    %broadcast_in_dim3A_457 = vector.broadcast %jit3A_456 : f32 to vector<512x8xf32>
    %select_n3A_458 = arith.select %eq3A_455, %broadcast_in_dim3A_457, %div3A_443 : vector<512x8xi1>, vector<512x8xf32>
    %reduce_max3A_459 = arith.constant dense<0xFF800000> : vector<512xf32>
    %reduce_max3A_460 = vector.multi_reduction <maximumf>, %select_n3A_458, %reduce_max3A_459 [1] : vector<512x8xf32> to vector<512xf32>
    %broadcast_in_dim3A_461 = vector.shape_cast %reduce_max3A_460 : vector<512xf32> to vector<512x1xf32>
    %eq3A_462 = vector.broadcast %broadcast_in_dim3A_461 : vector<512x1xf32> to vector<512x8xf32>
    %eq3A_463 = arith.cmpf oeq, %select_n3A_458, %eq3A_462 : vector<512x8xf32>
    %jit3A_464 = arith.constant 8 : i32
    %broadcast_in_dim3A_465 = vector.broadcast %jit3A_464 : i32 to vector<512x8xi32>
    %select_n3A_466 = arith.select %eq3A_463, %iota3A_444, %broadcast_in_dim3A_465 : vector<512x8xi1>, vector<512x8xi32>
    %reduce_min3A_467 = arith.constant dense<2147483647> : vector<512xi32>
    %reduce_min3A_468 = vector.multi_reduction <minsi>, %select_n3A_466, %reduce_min3A_467 [1] : vector<512x8xi32> to vector<512xi32>
    %broadcast_in_dim3A_469 = vector.shape_cast %reduce_min3A_468 : vector<512xi32> to vector<512x1xi32>
    %eq3A_470 = vector.broadcast %broadcast_in_dim3A_469 : vector<512x1xi32> to vector<512x8xi32>
    %eq3A_471 = arith.cmpi eq, %iota3A_444, %eq3A_470 : vector<512x8xi32>
    %add3A_472 = arith.addf %broadcast_in_dim3A_447, %broadcast_in_dim3A_461 : vector<512x1xf32>
    %jit3A_473 = arith.constant 0.000000e+00 : f32
    %broadcast_in_dim3A_474 = vector.shape_cast %broadcast_in_dim3A_447 : vector<512x1xf32> to vector<512x1xf32>
    %broadcast_in_dim3A_475 = vector.broadcast %broadcast_in_dim3A_474 : vector<512x1xf32> to vector<512x8xf32>
    %broadcast_in_dim3A_476 = vector.broadcast %jit3A_473 : f32 to vector<512x8xf32>
    %select_n3A_477 = arith.select %eq3A_455, %broadcast_in_dim3A_475, %broadcast_in_dim3A_476 : vector<512x8xi1>, vector<512x8xf32>
    %jit3A_478 = arith.constant 0.000000e+00 : f32
    %broadcast_in_dim3A_479 = vector.shape_cast %broadcast_in_dim3A_461 : vector<512x1xf32> to vector<512x1xf32>
    %broadcast_in_dim3A_480 = vector.broadcast %broadcast_in_dim3A_479 : vector<512x1xf32> to vector<512x8xf32>
    %broadcast_in_dim3A_481 = vector.broadcast %jit3A_478 : f32 to vector<512x8xf32>
    %select_n3A_482 = arith.select %eq3A_471, %broadcast_in_dim3A_480, %broadcast_in_dim3A_481 : vector<512x8xi1>, vector<512x8xf32>
    %add3A_483 = arith.addf %select_n3A_477, %select_n3A_482 : vector<512x8xf32>
    %div3A_484 = vector.broadcast %add3A_472 : vector<512x1xf32> to vector<512x8xf32>
    %div3A_485 = arith.divf %add3A_483, %div3A_484 : vector<512x8xf32>
    %swap3A_486 = arith.constant 0 : index
    %swap3A_487 = arith.constant 0 : index
    %swap3A_488 = arith.constant 0 : index
    %swap3A_489 = vector.load %arg14[%swap3A_486, %swap3A_487, %swap3A_488] : memref<1x512x8xf32, #tpu.memory_space<vmem>>, vector<1x512x8xf32>
    %swap3A_490 = vector.shape_cast %swap3A_489 : vector<1x512x8xf32> to vector<512x8xf32>
    %swap3A_491 = vector.shape_cast %div3A_485 : vector<512x8xf32> to vector<1x512x8xf32>
    tpu.vector_store %arg14[%swap3A_486, %swap3A_487, %swap3A_488], %swap3A_491 {strides = array<i32>} : memref<1x512x8xf32, #tpu.memory_space<vmem>>, vector<1x512x8xf32>,
    %or3A = arith.ori %eq3A_455, %eq3A_471 : vector<512x8xi1>
    %convert_element_type3A_492 = arith.extui %or3A : vector<512x8xi1> to vector<512x8xi32>
    %convert_element_type3A_493 = arith.sitofp %convert_element_type3A_492 : vector<512x8xi32> to vector<512x8xf32>
    %swap3A_494 = arith.constant 0 : index
    %swap3A_495 = arith.constant 0 : index
    %swap3A_496 = arith.constant 0 : index
    %swap3A_497 = vector.load %arg15[%swap3A_494, %swap3A_495, %swap3A_496] : memref<1x512x8xf32, #tpu.memory_space<vmem>>, vector<1x512x8xf32>
    %swap3A_498 = vector.shape_cast %swap3A_497 : vector<1x512x8xf32> to vector<512x8xf32>
    %swap3A_499 = vector.shape_cast %convert_element_type3A_493 : vector<512x8xf32> to vector<1x512x8xf32>
    tpu.vector_store %arg15[%swap3A_494, %swap3A_495, %swap3A_496], %swap3A_499 {strides = array<i32>} : memref<1x512x8xf32, #tpu.memory_space<vmem>>, vector<1x512x8xf32>,
    return
  }
  func.func @transform_0(%arg0: i32, %arg1: i32) -> (i32, i32, i32) {
    %c0_i32 = arith.constant 0 : i32
    %c0_i32_0 = arith.constant 0 : i32
    return %arg0, %arg1, %c0_i32 : i32, i32, i32
  }
  func.func @transform_1(%arg0: i32, %arg1: i32) -> (i32, i32, i32) {
    %c0_i32 = arith.constant 0 : i32
    %c0_i32_0 = arith.constant 0 : i32
    %c0_i32_1 = arith.constant 0 : i32
    return %arg0, %c0_i32, %c0_i32_0 : i32, i32, i32
  }
  func.func @transform_2(%arg0: i32, %arg1: i32) -> (i32, i32, i32) {
    %c0_i32 = arith.constant 0 : i32
    %c0_i32_0 = arith.constant 0 : i32
    %c0_i32_1 = arith.constant 0 : i32
    return %arg0, %c0_i32, %c0_i32_0 : i32, i32, i32
  }
  func.func @transform_3(%arg0: i32, %arg1: i32) -> (i32, i32) {
    %c0_i32 = arith.constant 0 : i32
    %c0_i32_0 = arith.constant 0 : i32
    %c0_i32_1 = arith.constant 0 : i32
    return %c0_i32, %c0_i32_0 : i32, i32
  }
  func.func @transform_4(%arg0: i32, %arg1: i32) -> (i32, i32) {
    %c0_i32 = arith.constant 0 : i32
    %c0_i32_0 = arith.constant 0 : i32
    %c0_i32_1 = arith.constant 0 : i32
    return %c0_i32, %c0_i32_0 : i32, i32
  }
  func.func @transform_5(%arg0: i32, %arg1: i32) -> (i32, i32, i32) {
    %c0_i32 = arith.constant 0 : i32
    %c0_i32_0 = arith.constant 0 : i32
    return %arg0, %arg1, %c0_i32 : i32, i32, i32
  }
  func.func @transform_6(%arg0: i32, %arg1: i32) -> (i32, i32) {
    %c0_i32 = arith.constant 0 : i32
    %c0_i32_0 = arith.constant 0 : i32
    %c0_i32_1 = arith.constant 0 : i32
    return %c0_i32, %c0_i32_0 : i32, i32
  }
  func.func @transform_7(%arg0: i32, %arg1: i32) -> (i32, i32) {
    %c0_i32 = arith.constant 0 : i32
    %c0_i32_0 = arith.constant 0 : i32
    %c0_i32_1 = arith.constant 0 : i32
    return %c0_i32, %c0_i32_0 : i32, i32
  }
  func.func @transform_8(%arg0: i32, %arg1: i32) -> (i32, i32) {
    %c0_i32 = arith.constant 0 : i32
    %c0_i32_0 = arith.constant 0 : i32
    %c0_i32_1 = arith.constant 0 : i32
    return %c0_i32, %c0_i32_0 : i32, i32
  }
  func.func @transform_9(%arg0: i32, %arg1: i32) -> (i32, i32) {
    %c0_i32 = arith.constant 0 : i32
    %c0_i32_0 = arith.constant 0 : i32
    %c0_i32_1 = arith.constant 0 : i32
    return %c0_i32, %c0_i32_0 : i32, i32
  }
  func.func @transform_10(%arg0: i32, %arg1: i32) -> (i32, i32, i32) {
    %c0_i32 = arith.constant 0 : i32
    %c0_i32_0 = arith.constant 0 : i32
    return %arg0, %arg1, %c0_i32 : i32, i32, i32
  }
  func.func @transform_11(%arg0: i32, %arg1: i32) -> (i32, i32, i32) {
    %c0_i32 = arith.constant 0 : i32
    %c0_i32_0 = arith.constant 0 : i32
    return %arg0, %arg1, %c0_i32 : i32, i32, i32
  }
  func.func @transform_12(%arg0: i32, %arg1: i32) -> (i32, i32, i32) {
    %c0_i32 = arith.constant 0 : i32
    %c0_i32_0 = arith.constant 0 : i32
    return %arg0, %arg1, %c0_i32 : i32, i32, i32
  }
  func.func @transform_13(%arg0: i32, %arg1: i32) -> (i32, i32, i32) {
    %c0_i32 = arith.constant 0 : i32
    %c0_i32_0 = arith.constant 0 : i32
    return %arg0, %arg1, %c0_i32 : i32, i32, i32
  }
}

module attributes {stable_mosaic.version = 14 : i64} {
  func.func @_cnt_kernel(%arg0: i32, %arg1: memref<512x8xf32, #tpu.memory_space<vmem>>, %arg2: memref<1x8xf32, #tpu.memory_space<vmem>>) attributes {dimension_semantics = [#tpu.dimension_semantics<arbitrary>], iteration_bounds = array<i64: 8>, scalar_prefetch = 0 : i64, scratch_operands = 0 : i64, tpu.core_type = #tpu.core_type<tc>, window_params = [{transform_indices = @transform_0, window_bounds = array<i64: 512, 8>}, {pipeline_mode = #tpu.pipeline_mode<synchronous>, transform_indices = @transform_1, window_bounds = array<i64: 1, 8>}]} {
    %eq3A = arith.constant 0 : i32
    %eq3A_0 = arith.cmpi eq, %arg0, %eq3A : i32
    %convert_element_type3A = arith.extui %eq3A_0 : i1 to i32
    %cond3A = arith.constant 0 : i32
    %cond3A_1 = arith.cmpi ne, %convert_element_type3A, %cond3A : i32
    scf.if %cond3A_1 {
      %broadcast_in_dim3A_10 = arith.constant 0.000000e+00 : f32
      %broadcast_in_dim3A_11 = vector.broadcast %broadcast_in_dim3A_10 : f32 to vector<1x8xf32>
      %swap3A_12 = arith.constant 0 : index
      %swap3A_13 = arith.constant 0 : index
      %swap3A_14 = vector.load %arg2[%swap3A_12, %swap3A_13] : memref<1x8xf32, #tpu.memory_space<vmem>>, vector<1x8xf32>
      tpu.vector_store %arg2[%swap3A_12, %swap3A_13], %broadcast_in_dim3A_11 {strides = array<i32>} : memref<1x8xf32, #tpu.memory_space<vmem>>, vector<1x8xf32>,
    } else {
    }
    %get3A = arith.constant 0 : index
    %get3A_2 = arith.constant 0 : index
    %get3A_3 = vector.load %arg2[%get3A, %get3A_2] : memref<1x8xf32, #tpu.memory_space<vmem>>, vector<1x8xf32>
    %get3A_4 = arith.constant 0 : index
    %get3A_5 = arith.constant 0 : index
    %get3A_6 = vector.load %arg1[%get3A_4, %get3A_5] : memref<512x8xf32, #tpu.memory_space<vmem>>, vector<512x8xf32>
    %reduce_sum3A = arith.constant dense<0.000000e+00> : vector<8xf32>
    %reduce_sum3A_7 = vector.multi_reduction <add>, %get3A_6, %reduce_sum3A [0] : vector<512x8xf32> to vector<8xf32>
    %broadcast_in_dim3A = vector.shape_cast %reduce_sum3A_7 : vector<8xf32> to vector<1x8xf32>
    %add3A = arith.addf %get3A_3, %broadcast_in_dim3A : vector<1x8xf32>
    %swap3A = arith.constant 0 : index
    %swap3A_8 = arith.constant 0 : index
    %swap3A_9 = vector.load %arg2[%swap3A, %swap3A_8] : memref<1x8xf32, #tpu.memory_space<vmem>>, vector<1x8xf32>
    tpu.vector_store %arg2[%swap3A, %swap3A_8], %add3A {strides = array<i32>} : memref<1x8xf32, #tpu.memory_space<vmem>>, vector<1x8xf32>,
    return
  }
  func.func @transform_0(%arg0: i32) -> (i32, i32) {
    %c0_i32 = arith.constant 0 : i32
    %c0_i32_0 = arith.constant 0 : i32
    return %arg0, %c0_i32 : i32, i32
  }
  func.func @transform_1(%arg0: i32) -> (i32, i32) {
    %c0_i32 = arith.constant 0 : i32
    %c0_i32_0 = arith.constant 0 : i32
    %c0_i32_1 = arith.constant 0 : i32
    return %c0_i32, %c0_i32_0 : i32, i32
  }
}

module attributes {stable_mosaic.version = 14 : i64} {
  func.func @_slots_kernel(%arg0: i32, %arg1: memref<512x8xf32, #tpu.memory_space<vmem>>, %arg2: memref<512x8xf32, #tpu.memory_space<vmem>>, %arg3: memref<1x8xf32, #tpu.memory_space<vmem>>, %arg4: memref<512x1xi32, #tpu.memory_space<vmem>>, %arg5: memref<512x1xi32, #tpu.memory_space<vmem>>, %arg6: memref<512x1xf32, #tpu.memory_space<vmem>>, %arg7: memref<512x1xf32, #tpu.memory_space<vmem>>, %arg8: memref<1x40xi32, #tpu.memory_space<vmem>>, %arg9: memref<1x8xf32, #tpu.memory_space<vmem>>) attributes {dimension_semantics = [#tpu.dimension_semantics<arbitrary>], iteration_bounds = array<i64: 8>, scalar_prefetch = 0 : i64, scratch_operands = 1 : i64, tpu.core_type = #tpu.core_type<tc>, window_params = [{transform_indices = @transform_0, window_bounds = array<i64: 512, 8>}, {transform_indices = @transform_1, window_bounds = array<i64: 512, 8>}, {pipeline_mode = #tpu.pipeline_mode<synchronous>, transform_indices = @transform_2, window_bounds = array<i64: 1, 8>}, {transform_indices = @transform_3, window_bounds = array<i64: 512, 1>}, {transform_indices = @transform_4, window_bounds = array<i64: 512, 1>}, {transform_indices = @transform_5, window_bounds = array<i64: 512, 1>}, {transform_indices = @transform_6, window_bounds = array<i64: 512, 1>}, {pipeline_mode = #tpu.pipeline_mode<synchronous>, transform_indices = @transform_7, window_bounds = array<i64: 1, 40>}]} {
    %get3A = arith.constant 0 : index
    %get3A_0 = arith.constant 0 : index
    %get3A_1 = vector.load %arg1[%get3A, %get3A_0] : memref<512x8xf32, #tpu.memory_space<vmem>>, vector<512x8xf32>
    %get3A_2 = arith.constant 0 : index
    %get3A_3 = arith.constant 0 : index
    %get3A_4 = vector.load %arg3[%get3A_2, %get3A_3] : memref<1x8xf32, #tpu.memory_space<vmem>>, vector<1x8xf32>
    %div3A = arith.constant 2.560000e+02 : f32
    %div3A_5 = vector.broadcast %div3A : f32 to vector<1x8xf32>
    %div3A_6 = arith.divf %get3A_4, %div3A_5 : vector<1x8xf32>
    %ceil3A = math.ceil %div3A_6 : vector<1x8xf32>
    %mul3A = arith.constant 2.560000e+02 : f32
    %mul3A_7 = vector.broadcast %mul3A : f32 to vector<1x8xf32>
    %mul3A_8 = arith.mulf %ceil3A, %mul3A_7 : vector<1x8xf32>
    %iota3A = tpu.iota {dimensions = array<i32: 0>} : vector<8x8xi32>
    %iota3A_9 = tpu.iota {dimensions = array<i32: 1>} : vector<8x8xi32>
    %lt3A = arith.cmpi slt, %iota3A, %iota3A_9 : vector<8x8xi32>
    %convert_element_type3A = arith.extui %lt3A : vector<8x8xi1> to vector<8x8xi32>
    %convert_element_type3A_10 = arith.sitofp %convert_element_type3A : vector<8x8xi32> to vector<8x8xf32>
    %dot_general3A = arith.constant dense<0.000000e+00> : vector<1x8xf32>
    %dot_general3A_11 = tpu.matmul %mul3A_8, %convert_element_type3A_10, %dot_general3A {dimension_numbers = #tpu.dot_dimension_numbers<[1], [0], [0], [1], [0, 0, 1, 1], [], []>, precision = #tpu.contract_precision<fp32>, transpose_lhs_hint = false} : vector<1x8xf32>, vector<8x8xf32>, vector<1x8xf32> -> vector<1x8xf32>
    %add3A = arith.addf %dot_general3A_11, %mul3A_8 : vector<1x8xf32>
    %eq3A = arith.constant 0 : i32
    %eq3A_12 = arith.cmpi eq, %arg0, %eq3A : i32
    %convert_element_type3A_13 = arith.extui %eq3A_12 : i1 to i32
    %cond3A = arith.constant 0 : i32
    %cond3A_14 = arith.cmpi ne, %convert_element_type3A_13, %cond3A : i32
    scf.if %cond3A_14 {
      %broadcast_in_dim3A_154 = arith.constant 0.000000e+00 : f32
      %broadcast_in_dim3A_155 = vector.broadcast %broadcast_in_dim3A_154 : f32 to vector<1x8xf32>
      %swap3A_156 = arith.constant 0 : index
      %swap3A_157 = arith.constant 0 : index
      %swap3A_158 = vector.load %arg9[%swap3A_156, %swap3A_157] : memref<1x8xf32, #tpu.memory_space<vmem>>, vector<1x8xf32>
      tpu.vector_store %arg9[%swap3A_156, %swap3A_157], %broadcast_in_dim3A_155 {strides = array<i32>} : memref<1x8xf32, #tpu.memory_space<vmem>>, vector<1x8xf32>,
    } else {
    }
    %get3A_15 = arith.constant 0 : index
    %get3A_16 = arith.constant 0 : index
    %get3A_17 = vector.load %arg9[%get3A_15, %get3A_16] : memref<1x8xf32, #tpu.memory_space<vmem>>, vector<1x8xf32>
    %iota3A_18 = tpu.iota {dimensions = array<i32: 0>} : vector<512x512xi32>
    %iota3A_19 = tpu.iota {dimensions = array<i32: 1>} : vector<512x512xi32>
    %lt3A_20 = arith.cmpi slt, %iota3A_19, %iota3A_18 : vector<512x512xi32>
    %convert_element_type3A_21 = arith.extui %lt3A_20 : vector<512x512xi1> to vector<512x512xi32>
    %convert_element_type3A_22 = arith.sitofp %convert_element_type3A_21 : vector<512x512xi32> to vector<512x512xf32>
    %dot_general3A_23 = arith.constant dense<0.000000e+00> : vector<512x8xf32>
    %dot_general3A_24 = tpu.matmul %convert_element_type3A_22, %get3A_1, %dot_general3A_23 {dimension_numbers = #tpu.dot_dimension_numbers<[1], [0], [0], [1], [0, 0, 1, 1], [], []>, precision = #tpu.contract_precision<fp32>, transpose_lhs_hint = false} : vector<512x512xf32>, vector<512x8xf32>, vector<512x8xf32> -> vector<512x8xf32>
    %add3A_25 = vector.broadcast %get3A_17 : vector<1x8xf32> to vector<512x8xf32>
    %add3A_26 = arith.addf %dot_general3A_24, %add3A_25 : vector<512x8xf32>
    %reduce_sum3A = arith.constant dense<0.000000e+00> : vector<8xf32>
    %reduce_sum3A_27 = vector.multi_reduction <add>, %get3A_1, %reduce_sum3A [0] : vector<512x8xf32> to vector<8xf32>
    %broadcast_in_dim3A = vector.shape_cast %reduce_sum3A_27 : vector<8xf32> to vector<1x8xf32>
    %add3A_28 = arith.addf %get3A_17, %broadcast_in_dim3A : vector<1x8xf32>
    %swap3A = arith.constant 0 : index
    %swap3A_29 = arith.constant 0 : index
    %swap3A_30 = vector.load %arg9[%swap3A, %swap3A_29] : memref<1x8xf32, #tpu.memory_space<vmem>>, vector<1x8xf32>
    tpu.vector_store %arg9[%swap3A, %swap3A_29], %add3A_28 {strides = array<i32>} : memref<1x8xf32, #tpu.memory_space<vmem>>, vector<1x8xf32>,
    %add3A_31 = vector.broadcast %dot_general3A_11 : vector<1x8xf32> to vector<512x8xf32>
    %add3A_32 = arith.addf %add3A_31, %add3A_26 : vector<512x8xf32>
    %gt3A = arith.constant 0.000000e+00 : f32
    %gt3A_33 = vector.broadcast %gt3A : f32 to vector<512x8xf32>
    %gt3A_34 = arith.cmpf ogt, %get3A_1, %gt3A_33 : vector<512x8xf32>
    %jit3A = arith.constant 1.000000e+09 : f32
    %broadcast_in_dim3A_35 = vector.broadcast %jit3A : f32 to vector<512x8xf32>
    %select_n3A = arith.select %gt3A_34, %add3A_32, %broadcast_in_dim3A_35 : vector<512x8xi1>, vector<512x8xf32>
    %reduce_min3A = arith.constant dense<0x7F800000> : vector<512xf32>
    %reduce_min3A_36 = vector.multi_reduction <minimumf>, %select_n3A, %reduce_min3A [1] : vector<512x8xf32> to vector<512xf32>
    %broadcast_in_dim3A_37 = vector.shape_cast %reduce_min3A_36 : vector<512xf32> to vector<512x1xf32>
    %jit3A_38 = arith.constant -1.000000e+00 : f32
    %broadcast_in_dim3A_39 = vector.broadcast %jit3A_38 : f32 to vector<512x8xf32>
    %select_n3A_40 = arith.select %gt3A_34, %add3A_32, %broadcast_in_dim3A_39 : vector<512x8xi1>, vector<512x8xf32>
    %reduce_max3A = arith.constant dense<0xFF800000> : vector<512xf32>
    %reduce_max3A_41 = vector.multi_reduction <maximumf>, %select_n3A_40, %reduce_max3A [1] : vector<512x8xf32> to vector<512xf32>
    %broadcast_in_dim3A_42 = vector.shape_cast %reduce_max3A_41 : vector<512xf32> to vector<512x1xf32>
    %convert_element_type3A_43 = arith.fptosi %broadcast_in_dim3A_37 : vector<512x1xf32> to vector<512x1xi32>
    %swap3A_44 = arith.constant 0 : index
    %swap3A_45 = arith.constant 0 : index
    %swap3A_46 = vector.load %arg4[%swap3A_44, %swap3A_45] : memref<512x1xi32, #tpu.memory_space<vmem>>, vector<512x1xi32>
    tpu.vector_store %arg4[%swap3A_44, %swap3A_45], %convert_element_type3A_43 {strides = array<i32>} : memref<512x1xi32, #tpu.memory_space<vmem>>, vector<512x1xi32>,
    %convert_element_type3A_47 = arith.fptosi %broadcast_in_dim3A_42 : vector<512x1xf32> to vector<512x1xi32>
    %swap3A_48 = arith.constant 0 : index
    %swap3A_49 = arith.constant 0 : index
    %swap3A_50 = vector.load %arg5[%swap3A_48, %swap3A_49] : memref<512x1xi32, #tpu.memory_space<vmem>>, vector<512x1xi32>
    tpu.vector_store %arg5[%swap3A_48, %swap3A_49], %convert_element_type3A_47 {strides = array<i32>} : memref<512x1xi32, #tpu.memory_space<vmem>>, vector<512x1xi32>,
    %get3A_51 = arith.constant 0 : index
    %get3A_52 = arith.constant 0 : index
    %get3A_53 = vector.load %arg2[%get3A_51, %get3A_52] : memref<512x8xf32, #tpu.memory_space<vmem>>, vector<512x8xf32>
    %eq3A_54 = vector.broadcast %broadcast_in_dim3A_37 : vector<512x1xf32> to vector<512x8xf32>
    %eq3A_55 = arith.cmpf oeq, %add3A_32, %eq3A_54 : vector<512x8xf32>
    %jit3A_56 = arith.constant 0.000000e+00 : f32
    %broadcast_in_dim3A_57 = vector.broadcast %jit3A_56 : f32 to vector<512x8xf32>
    %select_n3A_58 = arith.select %eq3A_55, %get3A_53, %broadcast_in_dim3A_57 : vector<512x8xi1>, vector<512x8xf32>
    %reduce_sum3A_59 = arith.constant dense<0.000000e+00> : vector<512xf32>
    %reduce_sum3A_60 = vector.multi_reduction <add>, %select_n3A_58, %reduce_sum3A_59 [1] : vector<512x8xf32> to vector<512xf32>
    %broadcast_in_dim3A_61 = vector.shape_cast %reduce_sum3A_60 : vector<512xf32> to vector<512x1xf32>
    %swap3A_62 = arith.constant 0 : index
    %swap3A_63 = arith.constant 0 : index
    %swap3A_64 = vector.load %arg6[%swap3A_62, %swap3A_63] : memref<512x1xf32, #tpu.memory_space<vmem>>, vector<512x1xf32>
    tpu.vector_store %arg6[%swap3A_62, %swap3A_63], %broadcast_in_dim3A_61 {strides = array<i32>} : memref<512x1xf32, #tpu.memory_space<vmem>>, vector<512x1xf32>,
    %eq3A_65 = vector.broadcast %broadcast_in_dim3A_42 : vector<512x1xf32> to vector<512x8xf32>
    %eq3A_66 = arith.cmpf oeq, %add3A_32, %eq3A_65 : vector<512x8xf32>
    %jit3A_67 = arith.constant 0.000000e+00 : f32
    %broadcast_in_dim3A_68 = vector.broadcast %jit3A_67 : f32 to vector<512x8xf32>
    %select_n3A_69 = arith.select %eq3A_66, %get3A_53, %broadcast_in_dim3A_68 : vector<512x8xi1>, vector<512x8xf32>
    %reduce_sum3A_70 = arith.constant dense<0.000000e+00> : vector<512xf32>
    %reduce_sum3A_71 = vector.multi_reduction <add>, %select_n3A_69, %reduce_sum3A_70 [1] : vector<512x8xf32> to vector<512xf32>
    %broadcast_in_dim3A_72 = vector.shape_cast %reduce_sum3A_71 : vector<512xf32> to vector<512x1xf32>
    %swap3A_73 = arith.constant 0 : index
    %swap3A_74 = arith.constant 0 : index
    %swap3A_75 = vector.load %arg7[%swap3A_73, %swap3A_74] : memref<512x1xf32, #tpu.memory_space<vmem>>, vector<512x1xf32>
    tpu.vector_store %arg7[%swap3A_73, %swap3A_74], %broadcast_in_dim3A_72 {strides = array<i32>} : memref<512x1xf32, #tpu.memory_space<vmem>>, vector<512x1xf32>,
    %iota3A_76 = tpu.iota {dimensions = array<i32: 1>} : vector<1x40xi32>
    %mul3A_77 = arith.constant 256 : i32
    %mul3A_78 = vector.broadcast %mul3A_77 : i32 to vector<1x40xi32>
    %mul3A_79 = arith.muli %iota3A_76, %mul3A_78 : vector<1x40xi32>
    %convert_element_type3A_80 = arith.sitofp %mul3A_79 : vector<1x40xi32> to vector<1x40xf32>
    %broadcast_in_dim3A_81 = arith.constant 0.000000e+00 : f32
    %broadcast_in_dim3A_82 = vector.broadcast %broadcast_in_dim3A_81 : f32 to vector<1x40xf32>
    %slice3A = vector.extract_strided_slice %add3A {offsets = [0, 0], sizes = [1, 1], strides = [1, 1]} : vector<1x8xf32> to vector<1x1xf32>
    %squeeze3A = vector.extract %slice3A[0, 0] : f32 from vector<1x1xf32>
    %ge3A = vector.broadcast %squeeze3A : f32 to vector<1x40xf32>
    %ge3A_83 = arith.cmpf oge, %convert_element_type3A_80, %ge3A : vector<1x40xf32>
    %add3A_84 = arith.constant 1.000000e+00 : f32
    %add3A_85 = vector.broadcast %add3A_84 : f32 to vector<1x40xf32>
    %add3A_86 = arith.addf %broadcast_in_dim3A_82, %add3A_85 : vector<1x40xf32>
    %select_n3A_87 = arith.select %ge3A_83, %add3A_86, %broadcast_in_dim3A_82 : vector<1x40xi1>, vector<1x40xf32>
    %slice3A_88 = vector.extract_strided_slice %add3A {offsets = [0, 1], sizes = [1, 1], strides = [1, 1]} : vector<1x8xf32> to vector<1x1xf32>
    %squeeze3A_89 = vector.extract %slice3A_88[0, 0] : f32 from vector<1x1xf32>
    %ge3A_90 = vector.broadcast %squeeze3A_89 : f32 to vector<1x40xf32>
    %ge3A_91 = arith.cmpf oge, %convert_element_type3A_80, %ge3A_90 : vector<1x40xf32>
    %add3A_92 = arith.constant 1.000000e+00 : f32
    %add3A_93 = vector.broadcast %add3A_92 : f32 to vector<1x40xf32>
    %add3A_94 = arith.addf %select_n3A_87, %add3A_93 : vector<1x40xf32>
    %select_n3A_95 = arith.select %ge3A_91, %add3A_94, %select_n3A_87 : vector<1x40xi1>, vector<1x40xf32>
    %slice3A_96 = vector.extract_strided_slice %add3A {offsets = [0, 2], sizes = [1, 1], strides = [1, 1]} : vector<1x8xf32> to vector<1x1xf32>
    %squeeze3A_97 = vector.extract %slice3A_96[0, 0] : f32 from vector<1x1xf32>
    %ge3A_98 = vector.broadcast %squeeze3A_97 : f32 to vector<1x40xf32>
    %ge3A_99 = arith.cmpf oge, %convert_element_type3A_80, %ge3A_98 : vector<1x40xf32>
    %add3A_100 = arith.constant 1.000000e+00 : f32
    %add3A_101 = vector.broadcast %add3A_100 : f32 to vector<1x40xf32>
    %add3A_102 = arith.addf %select_n3A_95, %add3A_101 : vector<1x40xf32>
    %select_n3A_103 = arith.select %ge3A_99, %add3A_102, %select_n3A_95 : vector<1x40xi1>, vector<1x40xf32>
    %slice3A_104 = vector.extract_strided_slice %add3A {offsets = [0, 3], sizes = [1, 1], strides = [1, 1]} : vector<1x8xf32> to vector<1x1xf32>
    %squeeze3A_105 = vector.extract %slice3A_104[0, 0] : f32 from vector<1x1xf32>
    %ge3A_106 = vector.broadcast %squeeze3A_105 : f32 to vector<1x40xf32>
    %ge3A_107 = arith.cmpf oge, %convert_element_type3A_80, %ge3A_106 : vector<1x40xf32>
    %add3A_108 = arith.constant 1.000000e+00 : f32
    %add3A_109 = vector.broadcast %add3A_108 : f32 to vector<1x40xf32>
    %add3A_110 = arith.addf %select_n3A_103, %add3A_109 : vector<1x40xf32>
    %select_n3A_111 = arith.select %ge3A_107, %add3A_110, %select_n3A_103 : vector<1x40xi1>, vector<1x40xf32>
    %slice3A_112 = vector.extract_strided_slice %add3A {offsets = [0, 4], sizes = [1, 1], strides = [1, 1]} : vector<1x8xf32> to vector<1x1xf32>
    %squeeze3A_113 = vector.extract %slice3A_112[0, 0] : f32 from vector<1x1xf32>
    %ge3A_114 = vector.broadcast %squeeze3A_113 : f32 to vector<1x40xf32>
    %ge3A_115 = arith.cmpf oge, %convert_element_type3A_80, %ge3A_114 : vector<1x40xf32>
    %add3A_116 = arith.constant 1.000000e+00 : f32
    %add3A_117 = vector.broadcast %add3A_116 : f32 to vector<1x40xf32>
    %add3A_118 = arith.addf %select_n3A_111, %add3A_117 : vector<1x40xf32>
    %select_n3A_119 = arith.select %ge3A_115, %add3A_118, %select_n3A_111 : vector<1x40xi1>, vector<1x40xf32>
    %slice3A_120 = vector.extract_strided_slice %add3A {offsets = [0, 5], sizes = [1, 1], strides = [1, 1]} : vector<1x8xf32> to vector<1x1xf32>
    %squeeze3A_121 = vector.extract %slice3A_120[0, 0] : f32 from vector<1x1xf32>
    %ge3A_122 = vector.broadcast %squeeze3A_121 : f32 to vector<1x40xf32>
    %ge3A_123 = arith.cmpf oge, %convert_element_type3A_80, %ge3A_122 : vector<1x40xf32>
    %add3A_124 = arith.constant 1.000000e+00 : f32
    %add3A_125 = vector.broadcast %add3A_124 : f32 to vector<1x40xf32>
    %add3A_126 = arith.addf %select_n3A_119, %add3A_125 : vector<1x40xf32>
    %select_n3A_127 = arith.select %ge3A_123, %add3A_126, %select_n3A_119 : vector<1x40xi1>, vector<1x40xf32>
    %slice3A_128 = vector.extract_strided_slice %add3A {offsets = [0, 6], sizes = [1, 1], strides = [1, 1]} : vector<1x8xf32> to vector<1x1xf32>
    %squeeze3A_129 = vector.extract %slice3A_128[0, 0] : f32 from vector<1x1xf32>
    %ge3A_130 = vector.broadcast %squeeze3A_129 : f32 to vector<1x40xf32>
    %ge3A_131 = arith.cmpf oge, %convert_element_type3A_80, %ge3A_130 : vector<1x40xf32>
    %add3A_132 = arith.constant 1.000000e+00 : f32
    %add3A_133 = vector.broadcast %add3A_132 : f32 to vector<1x40xf32>
    %add3A_134 = arith.addf %select_n3A_127, %add3A_133 : vector<1x40xf32>
    %select_n3A_135 = arith.select %ge3A_131, %add3A_134, %select_n3A_127 : vector<1x40xi1>, vector<1x40xf32>
    %slice3A_136 = vector.extract_strided_slice %add3A {offsets = [0, 7], sizes = [1, 1], strides = [1, 1]} : vector<1x8xf32> to vector<1x1xf32>
    %squeeze3A_137 = vector.extract %slice3A_136[0, 0] : f32 from vector<1x1xf32>
    %ge3A_138 = vector.broadcast %squeeze3A_137 : f32 to vector<1x40xf32>
    %ge3A_139 = arith.cmpf oge, %convert_element_type3A_80, %ge3A_138 : vector<1x40xf32>
    %add3A_140 = arith.constant 1.000000e+00 : f32
    %add3A_141 = vector.broadcast %add3A_140 : f32 to vector<1x40xf32>
    %add3A_142 = arith.addf %select_n3A_135, %add3A_141 : vector<1x40xf32>
    %select_n3A_143 = arith.select %ge3A_139, %add3A_142, %select_n3A_135 : vector<1x40xi1>, vector<1x40xf32>
    %ge3A_144 = arith.constant 8.000000e+00 : f32
    %ge3A_145 = vector.broadcast %ge3A_144 : f32 to vector<1x40xf32>
    %ge3A_146 = arith.cmpf oge, %select_n3A_143, %ge3A_145 : vector<1x40xf32>
    %jit3A_147 = arith.constant 0.000000e+00 : f32
    %broadcast_in_dim3A_148 = vector.broadcast %jit3A_147 : f32 to vector<1x40xf32>
    %select_n3A_149 = arith.select %ge3A_146, %broadcast_in_dim3A_148, %select_n3A_143 : vector<1x40xi1>, vector<1x40xf32>
    %convert_element_type3A_150 = arith.fptosi %select_n3A_149 : vector<1x40xf32> to vector<1x40xi32>
    %swap3A_151 = arith.constant 0 : index
    %swap3A_152 = arith.constant 0 : index
    %swap3A_153 = vector.load %arg8[%swap3A_151, %swap3A_152] : memref<1x40xi32, #tpu.memory_space<vmem>>, vector<1x40xi32>
    tpu.vector_store %arg8[%swap3A_151, %swap3A_152], %convert_element_type3A_150 {strides = array<i32>} : memref<1x40xi32, #tpu.memory_space<vmem>>, vector<1x40xi32>,
    return
  }
  func.func @transform_0(%arg0: i32) -> (i32, i32) {
    %c0_i32 = arith.constant 0 : i32
    %c0_i32_0 = arith.constant 0 : i32
    return %arg0, %c0_i32 : i32, i32
  }
  func.func @transform_1(%arg0: i32) -> (i32, i32) {
    %c0_i32 = arith.constant 0 : i32
    %c0_i32_0 = arith.constant 0 : i32
    return %arg0, %c0_i32 : i32, i32
  }
  func.func @transform_2(%arg0: i32) -> (i32, i32) {
    %c0_i32 = arith.constant 0 : i32
    %c0_i32_0 = arith.constant 0 : i32
    %c0_i32_1 = arith.constant 0 : i32
    return %c0_i32, %c0_i32_0 : i32, i32
  }
  func.func @transform_3(%arg0: i32) -> (i32, i32) {
    %c0_i32 = arith.constant 0 : i32
    %c0_i32_0 = arith.constant 0 : i32
    return %arg0, %c0_i32 : i32, i32
  }
  func.func @transform_4(%arg0: i32) -> (i32, i32) {
    %c0_i32 = arith.constant 0 : i32
    %c0_i32_0 = arith.constant 0 : i32
    return %arg0, %c0_i32 : i32, i32
  }
  func.func @transform_5(%arg0: i32) -> (i32, i32) {
    %c0_i32 = arith.constant 0 : i32
    %c0_i32_0 = arith.constant 0 : i32
    return %arg0, %c0_i32 : i32, i32
  }
  func.func @transform_6(%arg0: i32) -> (i32, i32) {
    %c0_i32 = arith.constant 0 : i32
    %c0_i32_0 = arith.constant 0 : i32
    return %arg0, %c0_i32 : i32, i32
  }
  func.func @transform_7(%arg0: i32) -> (i32, i32) {
    %c0_i32 = arith.constant 0 : i32
    %c0_i32_0 = arith.constant 0 : i32
    %c0_i32_1 = arith.constant 0 : i32
    return %c0_i32, %c0_i32_0 : i32, i32
  }
}

module attributes {stable_mosaic.version = 14 : i64} {
  func.func @_moe_block_kernel(%arg0: i32, %arg1: memref<40xi32, #tpu.memory_space<smem>>, %arg2: memref<256x768xbf16, #tpu.memory_space<vmem>>, %arg3: memref<1x768x2048xbf16, #tpu.memory_space<vmem>>, %arg4: memref<1x1x2048xf32, #tpu.memory_space<vmem>>, %arg5: memref<1x2048x768xbf16, #tpu.memory_space<vmem>>, %arg6: memref<1x1x768xf32, #tpu.memory_space<vmem>>, %arg7: memref<256x768xf32, #tpu.memory_space<vmem>>) attributes {dimension_semantics = [#tpu.dimension_semantics<arbitrary>], iteration_bounds = array<i64: 40>, scalar_prefetch = 1 : i64, scratch_operands = 0 : i64, tpu.core_type = #tpu.core_type<tc>, window_params = [{transform_indices = @transform_0, window_bounds = array<i64: 256, 768>}, {transform_indices = @transform_1, window_bounds = array<i64: 1, 768, 2048>}, {transform_indices = @transform_2, window_bounds = array<i64: 1, 1, 2048>}, {transform_indices = @transform_3, window_bounds = array<i64: 1, 2048, 768>}, {transform_indices = @transform_4, window_bounds = array<i64: 1, 1, 768>}, {transform_indices = @transform_5, window_bounds = array<i64: 256, 768>}]} {
    %get3A = arith.constant 0 : index
    %get3A_0 = arith.constant 0 : index
    %get3A_1 = vector.load %arg2[%get3A, %get3A_0] : memref<256x768xbf16, #tpu.memory_space<vmem>>, vector<256x768xbf16>
    %convert_element_type3A = arith.extf %get3A_1 : vector<256x768xbf16> to vector<256x768xf32>
    %swap3A = arith.constant 0 : index
    %swap3A_2 = arith.constant 0 : index
    %swap3A_3 = vector.load %arg7[%swap3A, %swap3A_2] : memref<256x768xf32, #tpu.memory_space<vmem>>, vector<256x768xf32>
    tpu.vector_store %arg7[%swap3A, %swap3A_2], %convert_element_type3A {strides = array<i32>} : memref<256x768xf32, #tpu.memory_space<vmem>>, vector<256x768xf32>,
    return
  }
  func.func @transform_0(%arg0: i32, %arg1: memref<40xi32, #tpu.memory_space<smem>>) -> (i32, i32) {
    %c0_i32 = arith.constant 0 : i32
    %c0_i32_0 = arith.constant 0 : i32
    return %arg0, %c0_i32 : i32, i32
  }
  func.func @transform_1(%arg0: i32, %arg1: memref<40xi32, #tpu.memory_space<smem>>) -> (i32, i32, i32) {
    %get3A = arith.index_cast %arg0 : i32 to index
    %get3A_0 = memref.load %arg1[%get3A] : memref<40xi32, #tpu.memory_space<smem>>
    %c0_i32 = arith.constant 0 : i32
    %c0_i32_1 = arith.constant 0 : i32
    %c0_i32_2 = arith.constant 0 : i32
    return %get3A_0, %c0_i32, %c0_i32_1 : i32, i32, i32
  }
  func.func @transform_2(%arg0: i32, %arg1: memref<40xi32, #tpu.memory_space<smem>>) -> (i32, i32, i32) {
    %get3A = arith.index_cast %arg0 : i32 to index
    %get3A_0 = memref.load %arg1[%get3A] : memref<40xi32, #tpu.memory_space<smem>>
    %c0_i32 = arith.constant 0 : i32
    %c0_i32_1 = arith.constant 0 : i32
    %c0_i32_2 = arith.constant 0 : i32
    return %get3A_0, %c0_i32, %c0_i32_1 : i32, i32, i32
  }
  func.func @transform_3(%arg0: i32, %arg1: memref<40xi32, #tpu.memory_space<smem>>) -> (i32, i32, i32) {
    %get3A = arith.index_cast %arg0 : i32 to index
    %get3A_0 = memref.load %arg1[%get3A] : memref<40xi32, #tpu.memory_space<smem>>
    %c0_i32 = arith.constant 0 : i32
    %c0_i32_1 = arith.constant 0 : i32
    %c0_i32_2 = arith.constant 0 : i32
    return %get3A_0, %c0_i32, %c0_i32_1 : i32, i32, i32
  }
  func.func @transform_4(%arg0: i32, %arg1: memref<40xi32, #tpu.memory_space<smem>>) -> (i32, i32, i32) {
    %get3A = arith.index_cast %arg0 : i32 to index
    %get3A_0 = memref.load %arg1[%get3A] : memref<40xi32, #tpu.memory_space<smem>>
    %c0_i32 = arith.constant 0 : i32
    %c0_i32_1 = arith.constant 0 : i32
    %c0_i32_2 = arith.constant 0 : i32
    return %get3A_0, %c0_i32, %c0_i32_1 : i32, i32, i32
  }
  func.func @transform_5(%arg0: i32, %arg1: memref<40xi32, #tpu.memory_space<smem>>) -> (i32, i32) {
    %c0_i32 = arith.constant 0 : i32
    %c0_i32_0 = arith.constant 0 : i32
    return %arg0, %c0_i32 : i32, i32
  }
}

module attributes {stable_mosaic.version = 14 : i64} {
  func.func @_combine_kernel(%arg0: i32, %arg1: memref<512x768xf32, #tpu.memory_space<vmem>>, %arg2: memref<512x1xf32, #tpu.memory_space<vmem>>, %arg3: memref<512x1xf32, #tpu.memory_space<vmem>>, %arg4: memref<512x768xf32, #tpu.memory_space<vmem>>, %arg5: memref<512x768xf32, #tpu.memory_space<vmem>>, %arg6: memref<512x768xf32, #tpu.memory_space<vmem>>) attributes {dimension_semantics = [#tpu.dimension_semantics<arbitrary>], iteration_bounds = array<i64: 8>, scalar_prefetch = 0 : i64, scratch_operands = 0 : i64, tpu.core_type = #tpu.core_type<tc>, window_params = [{transform_indices = @transform_0, window_bounds = array<i64: 512, 768>}, {transform_indices = @transform_1, window_bounds = array<i64: 512, 1>}, {transform_indices = @transform_2, window_bounds = array<i64: 512, 1>}, {transform_indices = @transform_3, window_bounds = array<i64: 512, 768>}, {transform_indices = @transform_4, window_bounds = array<i64: 512, 768>}, {transform_indices = @transform_5, window_bounds = array<i64: 512, 768>}]} {
    %get3A = arith.constant 0 : index
    %get3A_0 = arith.constant 0 : index
    %get3A_1 = vector.load %arg1[%get3A, %get3A_0] : memref<512x768xf32, #tpu.memory_space<vmem>>, vector<512x768xf32>
    %get3A_2 = arith.constant 0 : index
    %get3A_3 = arith.constant 0 : index
    %get3A_4 = vector.load %arg2[%get3A_2, %get3A_3] : memref<512x1xf32, #tpu.memory_space<vmem>>, vector<512x1xf32>
    %get3A_5 = arith.constant 0 : index
    %get3A_6 = arith.constant 0 : index
    %get3A_7 = vector.load %arg4[%get3A_5, %get3A_6] : memref<512x768xf32, #tpu.memory_space<vmem>>, vector<512x768xf32>
    %mul3A = vector.broadcast %get3A_4 : vector<512x1xf32> to vector<512x768xf32>
    %mul3A_8 = arith.mulf %mul3A, %get3A_7 : vector<512x768xf32>
    %get3A_9 = arith.constant 0 : index
    %get3A_10 = arith.constant 0 : index
    %get3A_11 = vector.load %arg3[%get3A_9, %get3A_10] : memref<512x1xf32, #tpu.memory_space<vmem>>, vector<512x1xf32>
    %get3A_12 = arith.constant 0 : index
    %get3A_13 = arith.constant 0 : index
    %get3A_14 = vector.load %arg5[%get3A_12, %get3A_13] : memref<512x768xf32, #tpu.memory_space<vmem>>, vector<512x768xf32>
    %mul3A_15 = vector.broadcast %get3A_11 : vector<512x1xf32> to vector<512x768xf32>
    %mul3A_16 = arith.mulf %mul3A_15, %get3A_14 : vector<512x768xf32>
    %add3A = arith.addf %mul3A_8, %mul3A_16 : vector<512x768xf32>
    %add3A_17 = arith.addf %get3A_1, %add3A : vector<512x768xf32>
    %swap3A = arith.constant 0 : index
    %swap3A_18 = arith.constant 0 : index
    %swap3A_19 = vector.load %arg6[%swap3A, %swap3A_18] : memref<512x768xf32, #tpu.memory_space<vmem>>, vector<512x768xf32>
    tpu.vector_store %arg6[%swap3A, %swap3A_18], %add3A_17 {strides = array<i32>} : memref<512x768xf32, #tpu.memory_space<vmem>>, vector<512x768xf32>,
    return
  }
  func.func @transform_0(%arg0: i32) -> (i32, i32) {
    %c0_i32 = arith.constant 0 : i32
    %c0_i32_0 = arith.constant 0 : i32
    return %arg0, %c0_i32 : i32, i32
  }
  func.func @transform_1(%arg0: i32) -> (i32, i32) {
    %c0_i32 = arith.constant 0 : i32
    %c0_i32_0 = arith.constant 0 : i32
    return %arg0, %c0_i32 : i32, i32
  }
  func.func @transform_2(%arg0: i32) -> (i32, i32) {
    %c0_i32 = arith.constant 0 : i32
    %c0_i32_0 = arith.constant 0 : i32
    return %arg0, %c0_i32 : i32, i32
  }
  func.func @transform_3(%arg0: i32) -> (i32, i32) {
    %c0_i32 = arith.constant 0 : i32
    %c0_i32_0 = arith.constant 0 : i32
    return %arg0, %c0_i32 : i32, i32
  }
  func.func @transform_4(%arg0: i32) -> (i32, i32) {
    %add3A = arith.constant 8 : i32
    %add3A_0 = arith.addi %arg0, %add3A : i32
    %c0_i32 = arith.constant 0 : i32
    %c0_i32_1 = arith.constant 0 : i32
    return %add3A_0, %c0_i32 : i32, i32
  }
  func.func @transform_5(%arg0: i32) -> (i32, i32) {
    %c0_i32 = arith.constant 0 : i32
    %c0_i32_0 = arith.constant 0 : i32
    return %arg0, %c0_i32 : i32, i32
  }
}

</mosaic_0001>

<sc_bundles>
// kernel: kernel.11.cloned.1.call-start
scs
__scs_entry_jumppad:
0x0: {  	(pc) =	sbr.rel $0x88, $3  }
0x1: {  	(tag) =	ssettag $0x0;
	lr =	simm.s32 $0x1  }
0x2: {  	[smem:$0x3F8A] =	sst lr;
	_ =	strace $0xD0000000  }
0x3: {  	_ = 	snop  }
0x4: {  	_ = 	snop  }
0x5: {  	_ = 	snop  }
0x6: {  	_ = 	snop  }
0x7: {  	_ = 	snop  }
__scs_overlays_trampoline_lowered:
0x8: {  	[smem:$0x3F99] =	sst s0  }
0x9: {  	[smem:$0x3F9A] =	sst s1  }
0xa: {  	[smem:$0x3F9B] =	sst s2  }
0xb: {  	[smem:$0x3F9C] =	sst s3  }
0xc: {  	[smem:$0x3F9D] =	sst s4  }
0xd: {  	[smem:$0x3F9E] =	sst s5  }
0xe: {  	[smem:$0x3F9F] =	sst s6  }
0xf: {  	[smem:$0x3FA0] =	sst s7  }
0x10: {  	[smem:$0x3FA1] =	sst s8  }
0x11: {  	[smem:$0x3FA2] =	sst s9;
	s0 =	simm.s32 @!p0 $0x0  }
0x12: {  	s1 =	sld [smem:$0x3F88];
	s0 =	simm.s32 @p0 $0x1  }
0x13: {  	[smem:$0x3FA3] =	sst s0;
	s0 =	simm.s32 @!p1 $0x0  }
0x14: {  	s2 =	sld [smem:$0x3F87];
	s0 =	simm.s32 @p1 $0x1  }
0x15: {  	[smem:$0x3FA4] =	sst s0;
	s0 =	simm.s32 @!p2 $0x0  }
0x16: {  	s3 =	sld [smem:$0x3FDB];
	s0 =	simm.s32 @p2 $0x1  }
0x17: {  	s4 =	simm.s32 $0x1BF5;
	[smem:$0x3FA6] =	sst s0  }
0x18: {  	s0 =	sld [smem:$0x3F89];
	_ =	swait.ge [sflag:s4], $0x0  }
0x19: {  	s7 =	sld [smem:$0x3F8A]  }
0x1a: {  	s8 =	sadd.s32 $0xFFFFE003, lr  }
0x1b: {  	s9 =	sadd.s32 $0xFFFFFEF7, lr;
	s5 =	simm.s32 $0xFFFFFFFF;
	p2 =	slt.u32 s8, $0xFFFFF086  }
0x1c: {  	p1 =	slt.u32 s9, $0xF7A;
	s5 =	simm.s32 @!p2 $0x0  }
0x1d: {  	s5 =	simm.s32 @p1 $0x1;
	p0 =	seq.s32 s7, s2  }
0x1e: {  	s7 =	smul.u32 @!p0 $0xF7A, s2;
	p2 =	seq.s32 @!p0 s5, $0x0  }
0x1f: {  	s9 =	smul.u32 $0xF7A, s1;
	s8 =	simm.s32 @!p0 $0x1BF5;
	p2 =	por !p2, p0  }
0x20: {  	[sflag:s8] =	ssyncset.s32 @!p0 $0xFFFFF086;
	s6 =	sadd.s32 @!p0 s3, s7;
	s7 =	simm.s32 @!p0 $0x108  }
0x21: {  	s3 =	sadd.s32 s3, s9;
	s6 =	sadd.s32 @!p0 $0x88, s6;
	s7 =	simm.s32 @p2 $0x1082  }
0x22: {  	[simem:s7], [sflag:s8] =	dma.local @!p0 [hbm:s6], $0xF7A  }
0x23: {  	s9 =	sor.u32 $0xD0000000, s2;
	s6 =	simm.s32 $0x108;
	_ =	swait.ge @!p0 [sflag:s8], $0x0  }
0x24: {  	s3 =	sadd.s32 $0x88, s3;
	s6 =	simm.s32 @!p1 $0x1082;
	[sflag:s4] =	ssyncset.s32 $0xFFFFF086  }
0x25: {  	[simem:s6], [sflag:s4] =	dma.local [hbm:s3], $0xF7A  }
0x26: {  	[smem:$0x3F8A] =	sst s1;
	(tag) =	ssettag s2;
	_ =	strace s9  }
0x27: {  	s1 =	sld [smem:$0x3F9A]  }
0x28: {  	s2 =	sld [smem:$0x3F9B]  }
0x29: {  	s4 =	sld [smem:$0x3F9D]  }
0x2a: {  	p0 =	seq.s32 s5, $0x0;
	s5 =	sld [smem:$0x3F9E]  }
0x2b: {  	s6 =	sld [smem:$0x3F9F]  }
0x2c: {  	s7 =	sld [smem:$0x3FA0]  }
0x2d: {  	s3 =	simm.s32 $0x108;
	s8 =	sld [smem:$0x3FA1]  }
0x2e: {  	s3 =	simm.s32 @!p0 $0x1082;
	s9 =	sld [smem:$0x3FA2]  }
0x2f: {  	lr =	sadd.s32 s0, s3;
	s0 =	sld [smem:$0x3F99]  }
0x30: {  	s3 =	sld [smem:$0x3F9C]  }
0x31: {  	[smem:$0x3FA5] =	sst s10  }
0x32: {  	s10 =	sld [smem:$0x3FA3];
	_ =	sdelay $0x3  }
0x33: {  	p0 =	seq.s32 s10, $0x1;
	s10 =	sld [smem:$0x3FA5];
	_ =	sdelay $0x3  }
0x34: {  	[smem:$0x3FA5] =	sst s10  }
0x35: {  	s10 =	sld [smem:$0x3FA4];
	_ =	sdelay $0x3  }
0x36: {  	p1 =	seq.s32 s10, $0x1;
	s10 =	sld [smem:$0x3FA5];
	_ =	sdelay $0x3  }
0x37: {  	[smem:$0x3FA5] =	sst s10  }
0x38: {  	s10 =	sld [smem:$0x3FA6]  }
0x39: {  	_ = 	snop;
	(pc) =	sbr.ind lr, $3  }
0x3a: {  	_ = 	snop  }
0x3b: {  	_ = 	snop  }
0x3c: {  	p2 =	seq.s32 s10, $0x1;
	s10 =	sld [smem:$0x3FA5]  }
0x3d: {  	_ =	shalt  }
0x3e: {  	_ =	shalt  }
0x3f: {  	_ =	shalt  }
0x40: {  	_ =	shalt  }
0x41: {  	_ =	shalt  }
0x42: {  	_ =	shalt  }
0x43: {  	_ =	shalt  }
0x44: {  	_ =	shalt  }
0x45: {  	_ =	shalt  }
0x46: {  	_ =	shalt  }
0x47: {  	_ =	shalt  }
0x48: {  	_ =	shalt  }
0x49: {  	_ =	shalt  }
0x4a: {  	_ =	shalt  }
0x4b: {  	_ =	shalt  }
0x4c: {  	_ =	shalt  }
0x4d: {  	_ =	shalt  }
0x4e: {  	_ =	shalt  }
0x4f: {  	_ =	shalt  }
0x50: {  	_ =	shalt  }
0x51: {  	_ =	shalt  }
0x52: {  	_ =	shalt  }
0x53: {  	_ =	shalt  }
0x54: {  	_ =	shalt  }
0x55: {  	_ =	shalt  }
0x56: {  	_ =	shalt  }
0x57: {  	_ =	shalt  }
0x58: {  	_ =	shalt  }
0x59: {  	_ =	shalt  }
0x5a: {  	_ =	shalt  }
0x5b: {  	_ =	shalt  }
0x5c: {  	_ =	shalt  }
0x5d: {  	_ =	shalt  }
0x5e: {  	_ =	shalt  }
0x5f: {  	_ =	shalt  }
0x60: {  	_ =	shalt  }
0x61: {  	_ =	shalt  }
0x62: {  	_ =	shalt  }
0x63: {  	_ =	shalt  }
0x64: {  	_ =	shalt  }
0x65: {  	_ =	shalt  }
0x66: {  	_ =	shalt  }
0x67: {  	_ =	shalt  }
0x68: {  	_ =	shalt  }
0x69: {  	_ =	shalt  }
0x6a: {  	_ =	shalt  }
0x6b: {  	_ =	shalt  }
0x6c: {  	_ =	shalt  }
0x6d: {  	_ =	shalt  }
0x6e: {  	_ =	shalt  }
0x6f: {  	_ =	shalt  }
0x70: {  	_ =	shalt  }
0x71: {  	_ =	shalt  }
0x72: {  	_ =	shalt  }
0x73: {  	_ =	shalt  }
0x74: {  	_ =	shalt  }
0x75: {  	_ =	shalt  }
0x76: {  	_ =	shalt  }
0x77: {  	_ =	shalt  }
0x78: {  	_ =	shalt  }
0x79: {  	_ =	shalt  }
0x7a: {  	_ =	shalt  }
0x7b: {  	_ =	shalt  }
0x7c: {  	_ =	shalt  }
0x7d: {  	_ =	shalt  }
0x7e: {  	_ =	shalt  }
0x7f: {  	_ =	shalt  }
0x80: {  	_ =	shalt  }
0x81: {  	_ =	shalt  }
0x82: {  	_ =	shalt  }
0x83: {  	_ =	shalt  }
0x84: {  	_ =	shalt  }
0x85: {  	_ =	shalt  }
0x86: {  	_ =	shalt  }
0x87: {  	_ =	shalt  }
.Lfunc_end0:
.L_simem_size_0:
called_computation_lowered:
.L_overlay_start_0:
0x88: {  	s2 =	sld [smem:$0x3FD9]  }
0x89: {  	s3 =	sld [smem:$0x3FFE];
	_ =	sdelay $0x1  }
0x8a: {  	s1 =	srdreg.scid  }
0x8b: {  	s0 =	sand.u32 $0x1, s1  }
0x8c: {  	s16 =	sshll.u32 s0, $0xA;
	s2 =	sadd.s32 s3, s2  }
0x8d: {  	s2 =	sadd.s32 s2, s16  }
0x8e: {  	[smem:$0x3FB1] =	sst s2  }
0x8f: {  	_ = 	snop  }
0x90: {  	(tm) =	ssettm $0x1  }
0x91: {  	s17 =	sld [smem:$0x3FFB];
	_ =	sdelay $0x3  }
0x92: {  	_ =	strace s17  }
0x93: {  	s2 =	sld [smem:$0x3FFC];
	_ =	sdelay $0x3  }
0x94: {  	_ =	strace s2  }
0x95: {  	s2 =	sld [smem:$0x3FFD];
	_ =	sdelay $0x3  }
0x96: {  	_ =	strace s2  }
0x97: {  	_ =	strace $0x8FFFFFFF  }
0x98: {  	s18 =	sld [smem:$0x3FDB];
	_ =	sdelay $0x1  }
0x99: {  	s19 =	simm.s32 $_scs_section_size  }
0x9a: {  	s4 =	simm.s32 $_size__tile_overlayer_lowered;
	s5 =	simm.s32 $_tile_overlayer_lowered  }
0x9b: {  	s22 =	simm.s32 $0x1BFF;
	s21 =	sshll.u32 s5, $0x1;
	s2 =	sadd.s32 s19, s18  }
0x9c: {  	s6 =	simm.s32 $0x0;
	s20 =	sshll.u32 s4, $0x1;
	s4 =	sadd.s32 s21, s2  }
0x9d: {  	[timem:s6], [sflag:s22] =	dma.local [hbm:s4], s20  }
0x9e: {  	_ =	swait.ge [sflag:s22], s20  }
0x9f: {  	s3 =	ssub.s32 $0x0, s20;
	[sflag:s22] =	ssyncset.done $0x0  }
0xa0: {  	[sflag:s22] =	ssyncadd.s32 s3;
	_ =	sdelay $0x1  }
0xa1: {  	s23 =	simm.s32 $0x1B8B  }
0xa2: {  	_ =	swait.ge [sflag:s23], $0x1  }
0xa3: {  	[sflag:s23] =	ssyncset.done $0x0  }
0xa4: {  	s25 =	simm.s32 $0x1B8E;
	s24 =	sld [smem:$0x3FFE];
	[sflag:s23] =	ssyncadd.s32 $0xFFFFFFFF  }
0xa5: {  	s26 =	simm.s32 $execute0_lowered;
	[smem:$0x3FD2] =	sst s25  }
0xa6: {  	s4 =	sshll.u32 s26, $0x1;
	_ =	strace $0x80000046;
	[dreg:$0x1] =	wrdreg $0xFFFFFFFF  }
0xa7: {  	s28 =	simm.s32 $_size_execute0_lowered;
	s2 =	sadd.s32 s2, s4;
	[dreg:$0x0] =	wrdreg $0x0  }
0xa8: {  	s4 =	sshll.u32 s28, $0x1;
	[dreg:$0x2] =	wrdreg s2  }
0xa9: {  	[dreg:$0x3] =	wrdreg s4  }
0xaa: {  	[dreg:$0x4] =	wrdreg $0xC0  }
0xab: {  	_ =	task [dreg:s6], $0x5FFFF  }
0xac: {  	[dreg:$0x1] =	wrdreg $0xFFFFFFFF  }
0xad: {  	[dreg:$0x0] =	wrdreg $0x60  }
0xae: {  	[dreg:$0x2] =	wrdreg s24  }
0xaf: {  	[dreg:$0x3] =	wrdreg $0x9  }
0xb0: {  	_ =	task.clear_ibuf [dreg:s6], $0x4FFFF;
	_ =	strace $0x90000046  }
0xb1: {  	s29 =	simm.s32 $0x9;
	_ =	strace $0x80000048  }
0xb2: {  	_ =	swait.ge [sflag:s29], $0x1  }
0xb3: {  	[sflag:s29] =	ssyncadd.s32 $0xFFFFFFFF  }
0xb4: {  	_ =	strace $0x90000048  }
0xb5: {  	_ =	sfence  }
0xb6: {  	s30 =	sld [smem:$0x0];
	_ =	sdelay $0x2  }
0xb7: {  	s31 =	sshll.u32 s1, $0xD;
	s1 =	sshrl.u32 s1, $0x2  }
0xb8: {  	s3 =	sand.u32 $0x4000, s31;
	s1 =	sadd.s32 s1, s30  }
0xb9: {  	s0 =	sor.u32 s3, s0;
	s1 =	sshll.u32 s1, $0x11  }
0xba: {  	s0 =	sor.u32 s1, s0  }
0xbb: {  	s0 =	sadd.s32 $0x8F2B, s0  }
0xbc: {  	[sflag:s0] =	ssyncadd.remote.s32 $0x1  }
0xbd: {  	_ =	sfence.sel $0xFFFF  }
0xbe: {  	[dreg:$0x0] =	wrdreg $0xFFFFFFFF;
	(pc) =	sbr.abs _section_cstart, $3  }
0xbf: {  	[dreg:$0x1] =	wrdreg $0xFFFFFFFF  }
0xc0: {  	_ =	task.clear_ibuf [dreg:s6], $0x2FFFF;
	_ =	strace $0x9FFFFFFF  }
0xc1: {  	(tm) =	ssettm $0x7FFFFFFF  }
tec
execute0_lowered:
.L_overlay_start_1:
0x0: {  	(tag) =	ssettag $0x1  }
0x1: {  	s7 =	rddreg [dreg:$0x0]  }
0x2: {  	s0 =	rddreg [dreg:$0x1];
	s1 =	simm.s32 $0x0  }
0x3: {  	s3 =	srdreg.scid;
	s2 =	stileid.u32;
	s14 =	simm.s32 $0x100  }
0x4: {  	s15 =	simm.s32 $0x900;
	s16 =	simm.s32 $0xD00;
	s17 =	simm.s32 $0x1500  }
0x5: {  	s18 =	simm.s32 $0x1900;
	s19 =	simm.s32 $0x2100;
	s20 =	simm.s32 $0x2500  }
0x6: {  	s21 =	simm.s32 $0x2D00;
	s22 =	simm.s32 $0x3100;
	s23 =	simm.s32 $0x3900  }
0x7: {  	s24 =	simm.s32 $0x3D00;
	s28 =	simm.s32 $0x5100;
	s29 =	simm.s32 $0x5500  }
0x8: {  	s30 =	simm.s32 $0x5D00;
	s31 =	simm.s32 $0x1;
	[smem:$0x7FF] =	sst s1  }
0x9: {  	s10 =	sadd.s32 $0x20E00, s7;
	s3 =	sand.u32 $0x1, s3;
	s8 =	sadd.s32 $0x20A00, s7  }
0xa: {  	s4 =	sshll.u32 s2, $0x5;
	s9 =	sadd.s32 $0x20C00, s7;
	_ =	strace $0x80000047  }
0xb: {  	s5 =	sshll.u32 s3, $0x4;
	s6 =	ssub.s32 $0x2, s3;
	s3 =	sadd.s32 $0x50E00, s7  }
0xc: {  	s7 =	sadd.s32 $0x50F00, s7;
	s5 =	sor.u32 s5, s4;
	s25 =	sshrl.u32 s6, $0x1  }
0xd: {  	s11 =	smul.u32 $0x180, s5;
	s12 =	ssub.s32 s6, s25;
	s4 =	sadd.s32 s8, s5  }
0xe: {  	s13 =	sor.u32 $0x8, s5;
	s5 =	sadd.s32 s9, s5;
	s25 =	simm.s32 $0x4500  }
0xf: {  	v2 =	vlaneseq.u32;
	s26 =	smul.u32 $0x180, s13;
	s8 =	sadd.s32 s8, s13;
	s9 =	sadd.s32 s9, s13  }
0x10: {  	vm0 =	vmmov $0xffff;
	vm1 =	vmmov $0xff;
	v1 =	vshrl.u32 v2, $0x3;
	s13 =	simm.s32 $0x80;
	s6 =	sadd.s32 s10, s11;
	s11 =	smax.u32 s12, $0x1  }
0x11: {  	v0 =	vand.u32 $0x7, v2;
	v2 =	vor.u32 $0x8, v2;
	v1 =	vmul.u32 $0x8, v1;
	s12 =	simm.s32 $0x2;
	s10 =	sadd.s32 s10, s26;
	s26 =	simm.s32 $0x4900  }
.LBB2_1:
0x12: {  	[tilespmem:s1], [sflag:$0x2] =	stream.linear.gather [hbm4b:s4+s1], $0x40, $0x38;
	[tilespmem:$0x6100] =	vst v63  }
0x13: {  	_ =	swait.ge [sflag:s12], $0x40  }
0x14: {  	[sflag:s12] =	ssyncset.done $0x0  }
0x15: {  	[sflag:s12] =	ssyncadd.s32 $0xFFFFFFC0  }
0x16: {  	[tilespmem:s13], [sflag:$0x2] =	stream.linear.gather [hbm4b:s5+s1], $0x40, $0x38;
	[tilespmem:$0x6100] =	vst v63  }
0x17: {  	_ =	swait.ge [sflag:s12], $0x40  }
0x18: {  	[sflag:s12] =	ssyncset.done $0x0  }
0x19: {  	[sflag:s12] =	ssyncadd.s32 $0xFFFFFFC0  }
0x1a: {  	[tilespmem:s14], [sflag:$0x2] =	stream.linear.gather [hbm4b:s6+s1], $0x6000, $0x38;
	[tilespmem:$0x6100] =	vst v63  }
0x1b: {  	_ =	swait.ge [sflag:s12], $0x6000  }
0x1c: {  	[sflag:s12] =	ssyncset.done $0x0  }
0x1d: {  	[sflag:s12] =	ssyncadd.s32 $0xFFFFA000  }
0x1e: {  	v3 =	vld [tilespmem:$0x0];
	_ =	sdelay $0x4  }
0x1f: {  	v4 =	vshrl.u32 v3, $0x3  }
0x20: {  	v4 =	vmul.u32 $0x18, v4  }
0x21: {  	v3 =	vand.u32 $0x7, v3  }
0x22: {  	v3 =	vor.u32 v3, v4  }
0x23: {  	v4 =	vperm.xlane v3, v0;
	_ =	sdelay $0x1  }
0x24: {  	v4 =	vadd.s32 v1, v4;
	_ =	sdelay $0x1  }
0x25: {  	v3 =	vperm.xlane v3, v2;
	_ =	sdelay $0x1  }
0x26: {  	v3 =	vadd.s32 v1, v3  }
0x27: {  	[hbm4b:s3+s1] =	stream.indirect_vreg.scatter [tilespmem:s14], [sflag:$0x1], $0x80, v4, vm0, $0xb8;
	[tilespmem:$0x6100] =	vst v63  }
0x28: {  	_ = 	snop  }
0x29: {  	[hbm4b:s7+s1] =	stream.indirect_vreg.scatter [tilespmem:s15], [sflag:$0x1], $0x80, v4, vm1, $0xb8;
	[tilespmem:$0x6100] =	vst v63  }
0x2a: {  	_ = 	snop  }
0x2b: {  	[hbm4b:s3+s1] =	stream.indirect_vreg.scatter [tilespmem:s16], [sflag:$0x1], $0x80, v3, vm0, $0xb8;
	[tilespmem:$0x6100] =	vst v63  }
0x2c: {  	_ = 	snop  }
0x2d: {  	[hbm4b:s7+s1] =	stream.indirect_vreg.scatter [tilespmem:s17], [sflag:$0x1], $0x80, v3, vm1, $0xb8;
	[tilespmem:$0x6100] =	vst v63  }
0x2e: {  	v3 =	vld [tilespmem:$0x10];
	_ =	sdelay $0x4  }
0x2f: {  	v49 =	vshrl.u32 v3, $0x3  }
0x30: {  	v4 =	vmul.u32 $0x18, v49  }
0x31: {  	v3 =	vand.u32 $0x7, v3  }
0x32: {  	v3 =	vor.u32 v3, v4  }
0x33: {  	v4 =	vperm.xlane v3, v0;
	_ =	sdelay $0x1  }
0x34: {  	v4 =	vadd.s32 v1, v4;
	_ =	sdelay $0x1  }
0x35: {  	v3 =	vperm.xlane v3, v2;
	_ =	sdelay $0x1  }
0x36: {  	v3 =	vadd.s32 v1, v3  }
0x37: {  	[hbm4b:s3+s1] =	stream.indirect_vreg.scatter [tilespmem:s18], [sflag:$0x1], $0x80, v4, vm0, $0xb8;
	[tilespmem:$0x6100] =	vst v63  }
0x38: {  	_ = 	snop  }
0x39: {  	[hbm4b:s7+s1] =	stream.indirect_vreg.scatter [tilespmem:s19], [sflag:$0x1], $0x80, v4, vm1, $0xb8;
	[tilespmem:$0x6100] =	vst v63  }
0x3a: {  	_ = 	snop  }
0x3b: {  	[hbm4b:s3+s1] =	stream.indirect_vreg.scatter [tilespmem:s20], [sflag:$0x1], $0x80, v3, vm0, $0xb8;
	[tilespmem:$0x6100] =	vst v63  }
0x3c: {  	_ = 	snop  }
0x3d: {  	[hbm4b:s7+s1] =	stream.indirect_vreg.scatter [tilespmem:s21], [sflag:$0x1], $0x80, v3, vm1, $0xb8;
	[tilespmem:$0x6100] =	vst v63  }
0x3e: {  	v3 =	vld [tilespmem:$0x20];
	_ =	sdelay $0x4  }
0x3f: {  	v50 =	vshrl.u32 v3, $0x3  }
0x40: {  	v4 =	vmul.u32 $0x18, v50  }
0x41: {  	v3 =	vand.u32 $0x7, v3  }
0x42: {  	v3 =	vor.u32 v3, v4  }
0x43: {  	v4 =	vperm.xlane v3, v0;
	_ =	sdelay $0x1  }
0x44: {  	v4 =	vadd.s32 v1, v4;
	_ =	sdelay $0x1  }
0x45: {  	v3 =	vperm.xlane v3, v2;
	_ =	sdelay $0x1  }
0x46: {  	v3 =	vadd.s32 v1, v3  }
0x47: {  	[hbm4b:s3+s1] =	stream.indirect_vreg.scatter [tilespmem:s22], [sflag:$0x1], $0x80, v4, vm0, $0xb8;
	[tilespmem:$0x6100] =	vst v63  }
0x48: {  	_ = 	snop  }
0x49: {  	[hbm4b:s7+s1] =	stream.indirect_vreg.scatter [tilespmem:s23], [sflag:$0x1], $0x80, v4, vm1, $0xb8;
	[tilespmem:$0x6100] =	vst v63  }
0x4a: {  	_ = 	snop  }
0x4b: {  	[hbm4b:s3+s1] =	stream.indirect_vreg.scatter [tilespmem:s24], [sflag:$0x1], $0x80, v3, vm0, $0xb8;
	[tilespmem:$0x6100] =	vst v63  }
0x4c: {  	_ = 	snop  }
0x4d: {  	[hbm4b:s7+s1] =	stream.indirect_vreg.scatter [tilespmem:s25], [sflag:$0x1], $0x80, v3, vm1, $0xb8;
	[tilespmem:$0x6100] =	vst v63  }
0x4e: {  	v3 =	vld [tilespmem:$0x30];
	_ =	sdelay $0x4  }
0x4f: {  	v51 =	vshrl.u32 v3, $0x3  }
0x50: {  	v4 =	vmul.u32 $0x18, v51  }
0x51: {  	v3 =	vand.u32 $0x7, v3  }
0x52: {  	v3 =	vor.u32 v3, v4  }
0x53: {  	v4 =	vperm.xlane v3, v0;
	_ =	sdelay $0x1  }
0x54: {  	v4 =	vadd.s32 v1, v4;
	_ =	sdelay $0x1  }
0x55: {  	v3 =	vperm.xlane v3, v2;
	_ =	sdelay $0x1  }
0x56: {  	v3 =	vadd.s32 v1, v3  }
0x57: {  	[hbm4b:s3+s1] =	stream.indirect_vreg.scatter [tilespmem:s26], [sflag:$0x1], $0x80, v4, vm0, $0xb8;
	[tilespmem:$0x6100] =	vst v63  }
0x58: {  	_ = 	snop  }
0x59: {  	[hbm4b:s7+s1] =	stream.indirect_vreg.scatter [tilespmem:s28], [sflag:$0x1], $0x80, v4, vm1, $0xb8;
	[tilespmem:$0x6100] =	vst v63  }
0x5a: {  	_ = 	snop  }
0x5b: {  	[hbm4b:s3+s1] =	stream.indirect_vreg.scatter [tilespmem:s29], [sflag:$0x1], $0x80, v3, vm0, $0xb8;
	[tilespmem:$0x6100] =	vst v63  }
0x5c: {  	_ = 	snop  }
0x5d: {  	[hbm4b:s7+s1] =	stream.indirect_vreg.scatter [tilespmem:s30], [sflag:$0x1], $0x80, v3, vm1, $0xb8;
	[tilespmem:$0x6100] =	vst v63  }
0x5e: {  	_ =	swait.ge [sflag:s31], $0x6000  }
0x5f: {  	[sflag:s31] =	ssyncset.done $0x0  }
0x60: {  	[sflag:s31] =	ssyncadd.s32 $0xFFFFA000  }
0x61: {  	v3 =	vld [tilespmem:$0x80];
	_ =	sdelay $0x4  }
0x62: {  	v52 =	vshrl.u32 v3, $0x3  }
0x63: {  	v4 =	vmul.u32 $0x18, v52  }
0x64: {  	v3 =	vand.u32 $0x7, v3  }
0x65: {  	v3 =	vor.u32 v3, v4  }
0x66: {  	v4 =	vperm.xlane v3, v0;
	_ =	sdelay $0x1  }
0x67: {  	v4 =	vadd.s32 v1, v4;
	_ =	sdelay $0x1  }
0x68: {  	v3 =	vperm.xlane v3, v2;
	_ =	sdelay $0x1  }
0x69: {  	v3 =	vadd.s32 v1, v3  }
0x6a: {  	[hbm4b:s3+s1] =	stream.indirect_vreg.scatter [tilespmem:s14], [sflag:$0x1], $0x80, v4, vm0, $0xb8;
	[tilespmem:$0x6100] =	vst v63  }
0x6b: {  	_ = 	snop  }
0x6c: {  	[hbm4b:s7+s1] =	stream.indirect_vreg.scatter [tilespmem:s15], [sflag:$0x1], $0x80, v4, vm1, $0xb8;
	[tilespmem:$0x6100] =	vst v63  }
0x6d: {  	_ = 	snop  }
0x6e: {  	[hbm4b:s3+s1] =	stream.indirect_vreg.scatter [tilespmem:s16], [sflag:$0x1], $0x80, v3, vm0, $0xb8;
	[tilespmem:$0x6100] =	vst v63  }
0x6f: {  	_ = 	snop  }
0x70: {  	[hbm4b:s7+s1] =	stream.indirect_vreg.scatter [tilespmem:s17], [sflag:$0x1], $0x80, v3, vm1, $0xb8;
	[tilespmem:$0x6100] =	vst v63  }
0x71: {  	v3 =	vld [tilespmem:$0x90];
	_ =	sdelay $0x4  }
0x72: {  	v53 =	vshrl.u32 v3, $0x3  }
0x73: {  	v4 =	vmul.u32 $0x18, v53  }
0x74: {  	v3 =	vand.u32 $0x7, v3  }
0x75: {  	v3 =	vor.u32 v3, v4  }
0x76: {  	v4 =	vperm.xlane v3, v0;
	_ =	sdelay $0x1  }
0x77: {  	v4 =	vadd.s32 v1, v4;
	_ =	sdelay $0x1  }
0x78: {  	v3 =	vperm.xlane v3, v2;
	_ =	sdelay $0x1  }
0x79: {  	v3 =	vadd.s32 v1, v3  }
0x7a: {  	[hbm4b:s3+s1] =	stream.indirect_vreg.scatter [tilespmem:s18], [sflag:$0x1], $0x80, v4, vm0, $0xb8;
	[tilespmem:$0x6100] =	vst v63  }
0x7b: {  	_ = 	snop  }
0x7c: {  	[hbm4b:s7+s1] =	stream.indirect_vreg.scatter [tilespmem:s19], [sflag:$0x1], $0x80, v4, vm1, $0xb8;
	[tilespmem:$0x6100] =	vst v63  }
0x7d: {  	_ = 	snop  }
0x7e: {  	[hbm4b:s3+s1] =	stream.indirect_vreg.scatter [tilespmem:s20], [sflag:$0x1], $0x80, v3, vm0, $0xb8;
	[tilespmem:$0x6100] =	vst v63  }
0x7f: {  	_ = 	snop  }
0x80: {  	[hbm4b:s7+s1] =	stream.indirect_vreg.scatter [tilespmem:s21], [sflag:$0x1], $0x80, v3, vm1, $0xb8;
	[tilespmem:$0x6100] =	vst v63  }
0x81: {  	v3 =	vld [tilespmem:$0xA0];
	_ =	sdelay $0x4  }
0x82: {  	v54 =	vshrl.u32 v3, $0x3  }
0x83: {  	v4 =	vmul.u32 $0x18, v54  }
0x84: {  	v3 =	vand.u32 $0x7, v3  }
0x85: {  	v3 =	vor.u32 v3, v4  }
0x86: {  	v4 =	vperm.xlane v3, v0;
	_ =	sdelay $0x1  }
0x87: {  	v4 =	vadd.s32 v1, v4;
	_ =	sdelay $0x1  }
0x88: {  	v3 =	vperm.xlane v3, v2;
	_ =	sdelay $0x1  }
0x89: {  	v3 =	vadd.s32 v1, v3  }
0x8a: {  	[hbm4b:s3+s1] =	stream.indirect_vreg.scatter [tilespmem:s22], [sflag:$0x1], $0x80, v4, vm0, $0xb8;
	[tilespmem:$0x6100] =	vst v63  }
0x8b: {  	_ = 	snop  }
0x8c: {  	[hbm4b:s7+s1] =	stream.indirect_vreg.scatter [tilespmem:s23], [sflag:$0x1], $0x80, v4, vm1, $0xb8;
	[tilespmem:$0x6100] =	vst v63  }
0x8d: {  	_ = 	snop  }
0x8e: {  	[hbm4b:s3+s1] =	stream.indirect_vreg.scatter [tilespmem:s24], [sflag:$0x1], $0x80, v3, vm0, $0xb8;
	[tilespmem:$0x6100] =	vst v63  }
0x8f: {  	_ = 	snop  }
0x90: {  	[hbm4b:s7+s1] =	stream.indirect_vreg.scatter [tilespmem:s25], [sflag:$0x1], $0x80, v3, vm1, $0xb8;
	[tilespmem:$0x6100] =	vst v63  }
0x91: {  	v3 =	vld [tilespmem:$0xB0];
	_ =	sdelay $0x4  }
0x92: {  	v55 =	vshrl.u32 v3, $0x3  }
0x93: {  	v4 =	vmul.u32 $0x18, v55  }
0x94: {  	v3 =	vand.u32 $0x7, v3  }
0x95: {  	v3 =	vor.u32 v3, v4  }
0x96: {  	v4 =	vperm.xlane v3, v0;
	_ =	sdelay $0x1  }
0x97: {  	v4 =	vadd.s32 v1, v4;
	_ =	sdelay $0x1  }
0x98: {  	v3 =	vperm.xlane v3, v2;
	_ =	sdelay $0x1  }
0x99: {  	v3 =	vadd.s32 v1, v3  }
0x9a: {  	[hbm4b:s3+s1] =	stream.indirect_vreg.scatter [tilespmem:s26], [sflag:$0x1], $0x80, v4, vm0, $0xb8;
	[tilespmem:$0x6100] =	vst v63  }
0x9b: {  	_ = 	snop  }
0x9c: {  	[hbm4b:s7+s1] =	stream.indirect_vreg.scatter [tilespmem:s28], [sflag:$0x1], $0x80, v4, vm1, $0xb8;
	[tilespmem:$0x6100] =	vst v63  }
0x9d: {  	_ = 	snop  }
0x9e: {  	[hbm4b:s3+s1] =	stream.indirect_vreg.scatter [tilespmem:s29], [sflag:$0x1], $0x80, v3, vm0, $0xb8;
	[tilespmem:$0x6100] =	vst v63  }
0x9f: {  	_ = 	snop  }
0xa0: {  	[hbm4b:s7+s1] =	stream.indirect_vreg.scatter [tilespmem:s30], [sflag:$0x1], $0x80, v3, vm1, $0xb8;
	[tilespmem:$0x6100] =	vst v63  }
0xa1: {  	_ =	swait.ge [sflag:s31], $0x6000  }
0xa2: {  	[sflag:s31] =	ssyncset.done $0x0  }
0xa3: {  	[sflag:s31] =	ssyncadd.s32 $0xFFFFA000  }
0xa4: {  	[tilespmem:s1], [sflag:$0x2] =	stream.linear.gather [hbm4b:s8+s1], $0x40, $0x38;
	[tilespmem:$0x6100] =	vst v63  }
0xa5: {  	_ =	swait.ge [sflag:s12], $0x40  }
0xa6: {  	[sflag:s12] =	ssyncset.done $0x0  }
0xa7: {  	[sflag:s12] =	ssyncadd.s32 $0xFFFFFFC0  }
0xa8: {  	[tilespmem:s13], [sflag:$0x2] =	stream.linear.gather [hbm4b:s9+s1], $0x40, $0x38;
	[tilespmem:$0x6100] =	vst v63  }
0xa9: {  	_ =	swait.ge [sflag:s12], $0x40  }
0xaa: {  	[sflag:s12] =	ssyncset.done $0x0  }
0xab: {  	[sflag:s12] =	ssyncadd.s32 $0xFFFFFFC0  }
0xac: {  	[tilespmem:s14], [sflag:$0x2] =	stream.linear.gather [hbm4b:s10+s1], $0x6000, $0x38;
	[tilespmem:$0x6100] =	vst v63  }
0xad: {  	_ =	swait.ge [sflag:s12], $0x6000  }
0xae: {  	[sflag:s12] =	ssyncset.done $0x0  }
0xaf: {  	[sflag:s12] =	ssyncadd.s32 $0xFFFFA000  }
0xb0: {  	v3 =	vld [tilespmem:$0x0];
	_ =	sdelay $0x4  }
0xb1: {  	v56 =	vshrl.u32 v3, $0x3  }
0xb2: {  	v4 =	vmul.u32 $0x18, v56  }
0xb3: {  	v3 =	vand.u32 $0x7, v3  }
0xb4: {  	v3 =	vor.u32 v3, v4  }
0xb5: {  	v4 =	vperm.xlane v3, v0;
	_ =	sdelay $0x1  }
0xb6: {  	v4 =	vadd.s32 v1, v4;
	_ =	sdelay $0x1  }
0xb7: {  	v3 =	vperm.xlane v3, v2;
	_ =	sdelay $0x1  }
0xb8: {  	v3 =	vadd.s32 v1, v3  }
0xb9: {  	[hbm4b:s3+s1] =	stream.indirect_vreg.scatter [tilespmem:s14], [sflag:$0x1], $0x80, v4, vm0, $0xb8;
	[tilespmem:$0x6100] =	vst v63  }
0xba: {  	_ = 	snop  }
0xbb: {  	[hbm4b:s7+s1] =	stream.indirect_vreg.scatter [tilespmem:s15], [sflag:$0x1], $0x80, v4, vm1, $0xb8;
	[tilespmem:$0x6100] =	vst v63  }
0xbc: {  	_ = 	snop  }
0xbd: {  	[hbm4b:s3+s1] =	stream.indirect_vreg.scatter [tilespmem:s16], [sflag:$0x1], $0x80, v3, vm0, $0xb8;
	[tilespmem:$0x6100] =	vst v63  }
0xbe: {  	_ = 	snop  }
0xbf: {  	[hbm4b:s7+s1] =	stream.indirect_vreg.scatter [tilespmem:s17], [sflag:$0x1], $0x80, v3, vm1, $0xb8;
	[tilespmem:$0x6100] =	vst v63  }
0xc0: {  	v3 =	vld [tilespmem:$0x10];
	_ =	sdelay $0x4  }
0xc1: {  	v57 =	vshrl.u32 v3, $0x3  }
0xc2: {  	v4 =	vmul.u32 $0x18, v57  }
0xc3: {  	v3 =	vand.u32 $0x7, v3  }
0xc4: {  	v3 =	vor.u32 v3, v4  }
0xc5: {  	v4 =	vperm.xlane v3, v0;
	_ =	sdelay $0x1  }
0xc6: {  	v4 =	vadd.s32 v1, v4;
	_ =	sdelay $0x1  }
0xc7: {  	v3 =	vperm.xlane v3, v2;
	_ =	sdelay $0x1  }
0xc8: {  	v3 =	vadd.s32 v1, v3  }
0xc9: {  	[hbm4b:s3+s1] =	stream.indirect_vreg.scatter [tilespmem:s18], [sflag:$0x1], $0x80, v4, vm0, $0xb8;
	[tilespmem:$0x6100] =	vst v63  }
0xca: {  	_ = 	snop  }
0xcb: {  	[hbm4b:s7+s1] =	stream.indirect_vreg.scatter [tilespmem:s19], [sflag:$0x1], $0x80, v4, vm1, $0xb8;
	[tilespmem:$0x6100] =	vst v63  }
0xcc: {  	_ = 	snop  }
0xcd: {  	[hbm4b:s3+s1] =	stream.indirect_vreg.scatter [tilespmem:s20], [sflag:$0x1], $0x80, v3, vm0, $0xb8;
	[tilespmem:$0x6100] =	vst v63  }
0xce: {  	_ = 	snop  }
0xcf: {  	[hbm4b:s7+s1] =	stream.indirect_vreg.scatter [tilespmem:s21], [sflag:$0x1], $0x80, v3, vm1, $0xb8;
	[tilespmem:$0x6100] =	vst v63  }
0xd0: {  	v3 =	vld [tilespmem:$0x20];
	_ =	sdelay $0x4  }
0xd1: {  	v58 =	vshrl.u32 v3, $0x3  }
0xd2: {  	v4 =	vmul.u32 $0x18, v58  }
0xd3: {  	v3 =	vand.u32 $0x7, v3  }
0xd4: {  	v3 =	vor.u32 v3, v4  }
0xd5: {  	v4 =	vperm.xlane v3, v0;
	_ =	sdelay $0x1  }
0xd6: {  	v4 =	vadd.s32 v1, v4;
	_ =	sdelay $0x1  }
0xd7: {  	v3 =	vperm.xlane v3, v2;
	_ =	sdelay $0x1  }
0xd8: {  	v3 =	vadd.s32 v1, v3  }
0xd9: {  	[hbm4b:s3+s1] =	stream.indirect_vreg.scatter [tilespmem:s22], [sflag:$0x1], $0x80, v4, vm0, $0xb8;
	[tilespmem:$0x6100] =	vst v63  }
0xda: {  	_ = 	snop  }
0xdb: {  	[hbm4b:s7+s1] =	stream.indirect_vreg.scatter [tilespmem:s23], [sflag:$0x1], $0x80, v4, vm1, $0xb8;
	[tilespmem:$0x6100] =	vst v63  }
0xdc: {  	_ = 	snop  }
0xdd: {  	[hbm4b:s3+s1] =	stream.indirect_vreg.scatter [tilespmem:s24], [sflag:$0x1], $0x80, v3, vm0, $0xb8;
	[tilespmem:$0x6100] =	vst v63  }
0xde: {  	_ = 	snop  }
0xdf: {  	[hbm4b:s7+s1] =	stream.indirect_vreg.scatter [tilespmem:s25], [sflag:$0x1], $0x80, v3, vm1, $0xb8;
	[tilespmem:$0x6100] =	vst v63  }
0xe0: {  	v3 =	vld [tilespmem:$0x30];
	_ =	sdelay $0x4  }
0xe1: {  	v59 =	vshrl.u32 v3, $0x3  }
0xe2: {  	v4 =	vmul.u32 $0x18, v59  }
0xe3: {  	v3 =	vand.u32 $0x7, v3  }
0xe4: {  	v3 =	vor.u32 v3, v4  }
0xe5: {  	v4 =	vperm.xlane v3, v0;
	_ =	sdelay $0x1  }
0xe6: {  	v4 =	vadd.s32 v1, v4;
	_ =	sdelay $0x1  }
0xe7: {  	v3 =	vperm.xlane v3, v2;
	_ =	sdelay $0x1  }
0xe8: {  	v3 =	vadd.s32 v1, v3  }
0xe9: {  	[hbm4b:s3+s1] =	stream.indirect_vreg.scatter [tilespmem:s26], [sflag:$0x1], $0x80, v4, vm0, $0xb8;
	[tilespmem:$0x6100] =	vst v63  }
0xea: {  	_ = 	snop  }
0xeb: {  	[hbm4b:s7+s1] =	stream.indirect_vreg.scatter [tilespmem:s28], [sflag:$0x1], $0x80, v4, vm1, $0xb8;
	[tilespmem:$0x6100] =	vst v63  }
0xec: {  	_ = 	snop  }
0xed: {  	[hbm4b:s3+s1] =	stream.indirect_vreg.scatter [tilespmem:s29], [sflag:$0x1], $0x80, v3, vm0, $0xb8;
	[tilespmem:$0x6100] =	vst v63  }
0xee: {  	_ = 	snop  }
0xef: {  	[hbm4b:s7+s1] =	stream.indirect_vreg.scatter [tilespmem:s30], [sflag:$0x1], $0x80, v3, vm1, $0xb8;
	[tilespmem:$0x6100] =	vst v63  }
0xf0: {  	_ =	swait.ge [sflag:s31], $0x6000  }
0xf1: {  	[sflag:s31] =	ssyncset.done $0x0  }
0xf2: {  	[sflag:s31] =	ssyncadd.s32 $0xFFFFA000  }
0xf3: {  	v3 =	vld [tilespmem:$0x80];
	_ =	sdelay $0x4  }
0xf4: {  	v60 =	vshrl.u32 v3, $0x3  }
0xf5: {  	v4 =	vmul.u32 $0x18, v60  }
0xf6: {  	v3 =	vand.u32 $0x7, v3  }
0xf7: {  	v3 =	vor.u32 v3, v4  }
0xf8: {  	v4 =	vperm.xlane v3, v0;
	_ =	sdelay $0x1  }
0xf9: {  	v4 =	vadd.s32 v1, v4;
	_ =	sdelay $0x1  }
0xfa: {  	v3 =	vperm.xlane v3, v2;
	_ =	sdelay $0x1  }
0xfb: {  	v3 =	vadd.s32 v1, v3  }
0xfc: {  	[hbm4b:s3+s1] =	stream.indirect_vreg.scatter [tilespmem:s14], [sflag:$0x1], $0x80, v4, vm0, $0xb8;
	[tilespmem:$0x6100] =	vst v63  }
0xfd: {  	_ = 	snop  }
0xfe: {  	[hbm4b:s7+s1] =	stream.indirect_vreg.scatter [tilespmem:s15], [sflag:$0x1], $0x80, v4, vm1, $0xb8;
	[tilespmem:$0x6100] =	vst v63  }
0xff: {  	_ = 	snop  }
0x100: {  	[hbm4b:s3+s1] =	stream.indirect_vreg.scatter [tilespmem:s16], [sflag:$0x1], $0x80, v3, vm0, $0xb8;
	[tilespmem:$0x6100] =	vst v63  }
0x101: {  	_ = 	snop  }
0x102: {  	[hbm4b:s7+s1] =	stream.indirect_vreg.scatter [tilespmem:s17], [sflag:$0x1], $0x80, v3, vm1, $0xb8;
	[tilespmem:$0x6100] =	vst v63  }
0x103: {  	v3 =	vld [tilespmem:$0x90];
	_ =	sdelay $0x4  }
0x104: {  	v61 =	vshrl.u32 v3, $0x3  }
0x105: {  	v4 =	vmul.u32 $0x18, v61  }
0x106: {  	v3 =	vand.u32 $0x7, v3  }
0x107: {  	v3 =	vor.u32 v3, v4  }
0x108: {  	v4 =	vperm.xlane v3, v0;
	_ =	sdelay $0x1  }
0x109: {  	v4 =	vadd.s32 v1, v4;
	_ =	sdelay $0x1  }
0x10a: {  	v3 =	vperm.xlane v3, v2;
	_ =	sdelay $0x1  }
0x10b: {  	v3 =	vadd.s32 v1, v3  }
0x10c: {  	[hbm4b:s3+s1] =	stream.indirect_vreg.scatter [tilespmem:s18], [sflag:$0x1], $0x80, v4, vm0, $0xb8;
	[tilespmem:$0x6100] =	vst v63  }
0x10d: {  	_ = 	snop  }
0x10e: {  	[hbm4b:s7+s1] =	stream.indirect_vreg.scatter [tilespmem:s19], [sflag:$0x1], $0x80, v4, vm1, $0xb8;
	[tilespmem:$0x6100] =	vst v63  }
0x10f: {  	_ = 	snop  }
0x110: {  	[hbm4b:s3+s1] =	stream.indirect_vreg.scatter [tilespmem:s20], [sflag:$0x1], $0x80, v3, vm0, $0xb8;
	[tilespmem:$0x6100] =	vst v63  }
0x111: {  	_ = 	snop  }
0x112: {  	[hbm4b:s7+s1] =	stream.indirect_vreg.scatter [tilespmem:s21], [sflag:$0x1], $0x80, v3, vm1, $0xb8;
	[tilespmem:$0x6100] =	vst v63  }
0x113: {  	v3 =	vld [tilespmem:$0xA0];
	_ =	sdelay $0x4  }
0x114: {  	v62 =	vshrl.u32 v3, $0x3  }
0x115: {  	v4 =	vmul.u32 $0x18, v62  }
0x116: {  	v3 =	vand.u32 $0x7, v3  }
0x117: {  	v3 =	vor.u32 v3, v4  }
0x118: {  	v4 =	vperm.xlane v3, v0;
	_ =	sdelay $0x1  }
0x119: {  	v4 =	vadd.s32 v1, v4;
	_ =	sdelay $0x1  }
0x11a: {  	v3 =	vperm.xlane v3, v2;
	_ =	sdelay $0x1  }
0x11b: {  	v3 =	vadd.s32 v1, v3  }
0x11c: {  	[hbm4b:s3+s1] =	stream.indirect_vreg.scatter [tilespmem:s22], [sflag:$0x1], $0x80, v4, vm0, $0xb8;
	[tilespmem:$0x6100] =	vst v63  }
0x11d: {  	_ = 	snop  }
0x11e: {  	[hbm4b:s7+s1] =	stream.indirect_vreg.scatter [tilespmem:s23], [sflag:$0x1], $0x80, v4, vm1, $0xb8;
	[tilespmem:$0x6100] =	vst v63  }
0x11f: {  	_ = 	snop  }
0x120: {  	[hbm4b:s3+s1] =	stream.indirect_vreg.scatter [tilespmem:s24], [sflag:$0x1], $0x80, v3, vm0, $0xb8;
	[tilespmem:$0x6100] =	vst v63  }
0x121: {  	_ = 	snop  }
0x122: {  	[hbm4b:s7+s1] =	stream.indirect_vreg.scatter [tilespmem:s25], [sflag:$0x1], $0x80, v3, vm1, $0xb8;
	[tilespmem:$0x6100] =	vst v63  }
0x123: {  	v3 =	vld [tilespmem:$0xB0];
	_ =	sdelay $0x4  }
0x124: {  	v63 =	vshrl.u32 v3, $0x3  }
0x125: {  	v4 =	vmul.u32 $0x18, v63  }
0x126: {  	v3 =	vand.u32 $0x7, v3  }
0x127: {  	v3 =	vor.u32 v3, v4  }
0x128: {  	v4 =	vperm.xlane v3, v0;
	_ =	sdelay $0x1  }
0x129: {  	v4 =	vadd.s32 v1, v4;
	_ =	sdelay $0x1  }
0x12a: {  	v3 =	vperm.xlane v3, v2;
	_ =	sdelay $0x1  }
0x12b: {  	v3 =	vadd.s32 v1, v3  }
0x12c: {  	[hbm4b:s3+s1] =	stream.indirect_vreg.scatter [tilespmem:s26], [sflag:$0x1], $0x80, v4, vm0, $0xb8;
	[tilespmem:$0x6100] =	vst v63  }
0x12d: {  	_ = 	snop  }
0x12e: {  	[hbm4b:s7+s1] =	stream.indirect_vreg.scatter [tilespmem:s28], [sflag:$0x1], $0x80, v4, vm1, $0xb8;
	[tilespmem:$0x6100] =	vst v63  }
0x12f: {  	p0 =	sne.s32 s11, $0x1  }
0x130: {  	[hbm4b:s3+s1] =	stream.indirect_vreg.scatter [tilespmem:s29], [sflag:$0x1], $0x80, v3, vm0, $0xb8;
	[tilespmem:$0x6100] =	vst v63  }
.Ltmp0:
0x131: {  	_ = 	snop;
	(pc) =	sbr.rel @p0 .LBB2_1-.Ltmp0, $4  }
0x132: {  	[hbm4b:s7+s1] =	stream.indirect_vreg.scatter [tilespmem:s30], [sflag:$0x1], $0x80, v3, vm1, $0xb8;
	[tilespmem:$0x6100] =	vst v63  }
0x133: {  	_ =	swait.ge [sflag:s31], $0x6000  }
0x134: {  	[sflag:s31] =	ssyncset.done $0x0  }
0x135: {  	s11 =	sadd.s32 $0xFFFFFFFF, s11;
	[sflag:s31] =	ssyncadd.s32 $0xFFFFA000  }
0x136: {  	_ =	sfence.sel $0x180000  }
0x137: {  	[bflag:$0x0] =	sbarrier.arrive $0xFFFF  }
0x138: {  	p0 =	sne.s32 s2, $0x0;
	_ =	strace $0x90000047  }
0x139: {  	s0 =	sadd.s32 @!p0 $0x100000, s0;
	[bflag:$0x2] =	sbarrier.arrive $0xFFFF  }
0x13a: {  	[sflag:s0] =	ssyncadd.tile.s32 @!p0 $0x1;
	_ =	shalt  }
.Lfunc_end2:
_tile_overlayer_lowered:
.L_overlay_start_2:
0x13b: {  	(tag) =	ssettag $0x2  }
0x13c: {  	s0 =	rddreg [dreg:$0x0];
	s2 =	stileid.u32  }
0x13d: {  	s1 =	rddreg [dreg:$0x1];
	p0 =	sne.s32 s2, $0x0  }
0x13e: {  	s3 =	rddreg [dreg:$0x2];
	[bflag:$0x3] =	sbarrier.arrive $0xFFFF;
	s2 =	simm.s32 @!p0 $0x1C02  }
0x13f: {  	[timem:s3], [sflag:s2] =	dma.local @!p0 [hbm:s0], s1  }
0x140: {  	s0 =	simm.s32 @!p0 $0x2  }
0x141: {  	_ =	swait.ge @!p0 [sflag:s0], s1  }
0x142: {  	s1 =	ssub.s32 @!p0 $0x0, s1;
	[sflag:s0] =	ssyncset.done @!p0 $0x0  }
0x143: {  	[sflag:s0] =	ssyncadd.s32 @!p0 s1  }
0x144: {  	[bflag:$0x3] =	sbarrier.arrive $0xFFFF  }
0x145: {  	_ =	shalt  }

// kernel: kernel.14.cloned.1.call-start
scs
__scs_entry_jumppad:
0x0: {  	(pc) =	sbr.rel $0x88, $3  }
0x1: {  	(tag) =	ssettag $0x0;
	lr =	simm.s32 $0x1  }
0x2: {  	[smem:$0x3F8A] =	sst lr;
	_ =	strace $0xD0000000  }
0x3: {  	_ = 	snop  }
0x4: {  	_ = 	snop  }
0x5: {  	_ = 	snop  }
0x6: {  	_ = 	snop  }
0x7: {  	_ = 	snop  }
__scs_overlays_trampoline_lowered:
0x8: {  	[smem:$0x3F99] =	sst s0  }
0x9: {  	[smem:$0x3F9A] =	sst s1  }
0xa: {  	[smem:$0x3F9B] =	sst s2  }
0xb: {  	[smem:$0x3F9C] =	sst s3  }
0xc: {  	[smem:$0x3F9D] =	sst s4  }
0xd: {  	[smem:$0x3F9E] =	sst s5  }
0xe: {  	[smem:$0x3F9F] =	sst s6  }
0xf: {  	[smem:$0x3FA0] =	sst s7  }
0x10: {  	[smem:$0x3FA1] =	sst s8  }
0x11: {  	[smem:$0x3FA2] =	sst s9;
	s0 =	simm.s32 @!p0 $0x0  }
0x12: {  	s1 =	sld [smem:$0x3F88];
	s0 =	simm.s32 @p0 $0x1  }
0x13: {  	[smem:$0x3FA3] =	sst s0;
	s0 =	simm.s32 @!p1 $0x0  }
0x14: {  	s2 =	sld [smem:$0x3F87];
	s0 =	simm.s32 @p1 $0x1  }
0x15: {  	[smem:$0x3FA4] =	sst s0;
	s0 =	simm.s32 @!p2 $0x0  }
0x16: {  	s3 =	sld [smem:$0x3FDB];
	s0 =	simm.s32 @p2 $0x1  }
0x17: {  	s4 =	simm.s32 $0x1BF5;
	[smem:$0x3FA6] =	sst s0  }
0x18: {  	s0 =	sld [smem:$0x3F89];
	_ =	swait.ge [sflag:s4], $0x0  }
0x19: {  	s7 =	sld [smem:$0x3F8A]  }
0x1a: {  	s8 =	sadd.s32 $0xFFFFE003, lr  }
0x1b: {  	s9 =	sadd.s32 $0xFFFFFEF7, lr;
	s5 =	simm.s32 $0xFFFFFFFF;
	p2 =	slt.u32 s8, $0xFFFFF086  }
0x1c: {  	p1 =	slt.u32 s9, $0xF7A;
	s5 =	simm.s32 @!p2 $0x0  }
0x1d: {  	s5 =	simm.s32 @p1 $0x1;
	p0 =	seq.s32 s7, s2  }
0x1e: {  	s7 =	smul.u32 @!p0 $0xF7A, s2;
	p2 =	seq.s32 @!p0 s5, $0x0  }
0x1f: {  	s9 =	smul.u32 $0xF7A, s1;
	s8 =	simm.s32 @!p0 $0x1BF5;
	p2 =	por !p2, p0  }
0x20: {  	[sflag:s8] =	ssyncset.s32 @!p0 $0xFFFFF086;
	s6 =	sadd.s32 @!p0 s3, s7;
	s7 =	simm.s32 @!p0 $0x108  }
0x21: {  	s3 =	sadd.s32 s3, s9;
	s6 =	sadd.s32 @!p0 $0x88, s6;
	s7 =	simm.s32 @p2 $0x1082  }
0x22: {  	[simem:s7], [sflag:s8] =	dma.local @!p0 [hbm:s6], $0xF7A  }
0x23: {  	s9 =	sor.u32 $0xD0000000, s2;
	s6 =	simm.s32 $0x108;
	_ =	swait.ge @!p0 [sflag:s8], $0x0  }
0x24: {  	s3 =	sadd.s32 $0x88, s3;
	s6 =	simm.s32 @!p1 $0x1082;
	[sflag:s4] =	ssyncset.s32 $0xFFFFF086  }
0x25: {  	[simem:s6], [sflag:s4] =	dma.local [hbm:s3], $0xF7A  }
0x26: {  	[smem:$0x3F8A] =	sst s1;
	(tag) =	ssettag s2;
	_ =	strace s9  }
0x27: {  	s1 =	sld [smem:$0x3F9A]  }
0x28: {  	s2 =	sld [smem:$0x3F9B]  }
0x29: {  	s4 =	sld [smem:$0x3F9D]  }
0x2a: {  	p0 =	seq.s32 s5, $0x0;
	s5 =	sld [smem:$0x3F9E]  }
0x2b: {  	s6 =	sld [smem:$0x3F9F]  }
0x2c: {  	s7 =	sld [smem:$0x3FA0]  }
0x2d: {  	s3 =	simm.s32 $0x108;
	s8 =	sld [smem:$0x3FA1]  }
0x2e: {  	s3 =	simm.s32 @!p0 $0x1082;
	s9 =	sld [smem:$0x3FA2]  }
0x2f: {  	lr =	sadd.s32 s0, s3;
	s0 =	sld [smem:$0x3F99]  }
0x30: {  	s3 =	sld [smem:$0x3F9C]  }
0x31: {  	[smem:$0x3FA5] =	sst s10  }
0x32: {  	s10 =	sld [smem:$0x3FA3];
	_ =	sdelay $0x3  }
0x33: {  	p0 =	seq.s32 s10, $0x1;
	s10 =	sld [smem:$0x3FA5];
	_ =	sdelay $0x3  }
0x34: {  	[smem:$0x3FA5] =	sst s10  }
0x35: {  	s10 =	sld [smem:$0x3FA4];
	_ =	sdelay $0x3  }
0x36: {  	p1 =	seq.s32 s10, $0x1;
	s10 =	sld [smem:$0x3FA5];
	_ =	sdelay $0x3  }
0x37: {  	[smem:$0x3FA5] =	sst s10  }
0x38: {  	s10 =	sld [smem:$0x3FA6]  }
0x39: {  	_ = 	snop;
	(pc) =	sbr.ind lr, $3  }
0x3a: {  	_ = 	snop  }
0x3b: {  	_ = 	snop  }
0x3c: {  	p2 =	seq.s32 s10, $0x1;
	s10 =	sld [smem:$0x3FA5]  }
0x3d: {  	_ =	shalt  }
0x3e: {  	_ =	shalt  }
0x3f: {  	_ =	shalt  }
0x40: {  	_ =	shalt  }
0x41: {  	_ =	shalt  }
0x42: {  	_ =	shalt  }
0x43: {  	_ =	shalt  }
0x44: {  	_ =	shalt  }
0x45: {  	_ =	shalt  }
0x46: {  	_ =	shalt  }
0x47: {  	_ =	shalt  }
0x48: {  	_ =	shalt  }
0x49: {  	_ =	shalt  }
0x4a: {  	_ =	shalt  }
0x4b: {  	_ =	shalt  }
0x4c: {  	_ =	shalt  }
0x4d: {  	_ =	shalt  }
0x4e: {  	_ =	shalt  }
0x4f: {  	_ =	shalt  }
0x50: {  	_ =	shalt  }
0x51: {  	_ =	shalt  }
0x52: {  	_ =	shalt  }
0x53: {  	_ =	shalt  }
0x54: {  	_ =	shalt  }
0x55: {  	_ =	shalt  }
0x56: {  	_ =	shalt  }
0x57: {  	_ =	shalt  }
0x58: {  	_ =	shalt  }
0x59: {  	_ =	shalt  }
0x5a: {  	_ =	shalt  }
0x5b: {  	_ =	shalt  }
0x5c: {  	_ =	shalt  }
0x5d: {  	_ =	shalt  }
0x5e: {  	_ =	shalt  }
0x5f: {  	_ =	shalt  }
0x60: {  	_ =	shalt  }
0x61: {  	_ =	shalt  }
0x62: {  	_ =	shalt  }
0x63: {  	_ =	shalt  }
0x64: {  	_ =	shalt  }
0x65: {  	_ =	shalt  }
0x66: {  	_ =	shalt  }
0x67: {  	_ =	shalt  }
0x68: {  	_ =	shalt  }
0x69: {  	_ =	shalt  }
0x6a: {  	_ =	shalt  }
0x6b: {  	_ =	shalt  }
0x6c: {  	_ =	shalt  }
0x6d: {  	_ =	shalt  }
0x6e: {  	_ =	shalt  }
0x6f: {  	_ =	shalt  }
0x70: {  	_ =	shalt  }
0x71: {  	_ =	shalt  }
0x72: {  	_ =	shalt  }
0x73: {  	_ =	shalt  }
0x74: {  	_ =	shalt  }
0x75: {  	_ =	shalt  }
0x76: {  	_ =	shalt  }
0x77: {  	_ =	shalt  }
0x78: {  	_ =	shalt  }
0x79: {  	_ =	shalt  }
0x7a: {  	_ =	shalt  }
0x7b: {  	_ =	shalt  }
0x7c: {  	_ =	shalt  }
0x7d: {  	_ =	shalt  }
0x7e: {  	_ =	shalt  }
0x7f: {  	_ =	shalt  }
0x80: {  	_ =	shalt  }
0x81: {  	_ =	shalt  }
0x82: {  	_ =	shalt  }
0x83: {  	_ =	shalt  }
0x84: {  	_ =	shalt  }
0x85: {  	_ =	shalt  }
0x86: {  	_ =	shalt  }
0x87: {  	_ =	shalt  }
.Lfunc_end0:
.L_simem_size_0:
called_computation.1_lowered:
.L_overlay_start_0:
0x88: {  	s2 =	sld [smem:$0x3FD9]  }
0x89: {  	s3 =	sld [smem:$0x3FFE];
	_ =	sdelay $0x1  }
0x8a: {  	s1 =	srdreg.scid  }
0x8b: {  	s0 =	sand.u32 $0x1, s1  }
0x8c: {  	s16 =	sshll.u32 s0, $0xA;
	s2 =	sadd.s32 s3, s2  }
0x8d: {  	s2 =	sadd.s32 s2, s16  }
0x8e: {  	[smem:$0x3FB1] =	sst s2  }
0x8f: {  	_ = 	snop  }
0x90: {  	(tm) =	ssettm $0x1  }
0x91: {  	s17 =	sld [smem:$0x3FFB];
	_ =	sdelay $0x3  }
0x92: {  	_ =	strace s17  }
0x93: {  	s2 =	sld [smem:$0x3FFC];
	_ =	sdelay $0x3  }
0x94: {  	_ =	strace s2  }
0x95: {  	s2 =	sld [smem:$0x3FFD];
	_ =	sdelay $0x3  }
0x96: {  	_ =	strace s2  }
0x97: {  	_ =	strace $0x8FFFFFFF  }
0x98: {  	s18 =	sld [smem:$0x3FDB];
	_ =	sdelay $0x1  }
0x99: {  	s19 =	simm.s32 $_scs_section_size  }
0x9a: {  	s4 =	simm.s32 $_size__tile_overlayer_lowered;
	s5 =	simm.s32 $_tile_overlayer_lowered  }
0x9b: {  	s22 =	simm.s32 $0x1BFF;
	s21 =	sshll.u32 s5, $0x1;
	s2 =	sadd.s32 s19, s18  }
0x9c: {  	s6 =	simm.s32 $0x0;
	s20 =	sshll.u32 s4, $0x1;
	s4 =	sadd.s32 s21, s2  }
0x9d: {  	[timem:s6], [sflag:s22] =	dma.local [hbm:s4], s20  }
0x9e: {  	_ =	swait.ge [sflag:s22], s20  }
0x9f: {  	s3 =	ssub.s32 $0x0, s20;
	[sflag:s22] =	ssyncset.done $0x0  }
0xa0: {  	[sflag:s22] =	ssyncadd.s32 s3;
	_ =	sdelay $0x1  }
0xa1: {  	s23 =	simm.s32 $0x1B8B  }
0xa2: {  	_ =	swait.ge [sflag:s23], $0x1  }
0xa3: {  	[sflag:s23] =	ssyncset.done $0x0  }
0xa4: {  	s25 =	simm.s32 $0x1B8E;
	s24 =	sld [smem:$0x3FFE];
	[sflag:s23] =	ssyncadd.s32 $0xFFFFFFFF  }
0xa5: {  	s26 =	simm.s32 $execute0_lowered;
	[smem:$0x3FD2] =	sst s25  }
0xa6: {  	s4 =	sshll.u32 s26, $0x1;
	_ =	strace $0x80000049;
	[dreg:$0x1] =	wrdreg $0xFFFFFFFF  }
0xa7: {  	s28 =	simm.s32 $_size_execute0_lowered;
	s2 =	sadd.s32 s2, s4;
	[dreg:$0x0] =	wrdreg $0x0  }
0xa8: {  	s4 =	sshll.u32 s28, $0x1;
	[dreg:$0x2] =	wrdreg s2  }
0xa9: {  	[dreg:$0x3] =	wrdreg s4  }
0xaa: {  	[dreg:$0x4] =	wrdreg $0xC0  }
0xab: {  	_ =	task [dreg:s6], $0x5FFFF  }
0xac: {  	[dreg:$0x1] =	wrdreg $0xFFFFFFFF  }
0xad: {  	[dreg:$0x0] =	wrdreg $0x60  }
0xae: {  	[dreg:$0x2] =	wrdreg s24  }
0xaf: {  	[dreg:$0x3] =	wrdreg $0x9  }
0xb0: {  	_ =	task.clear_ibuf [dreg:s6], $0x4FFFF;
	_ =	strace $0x90000049  }
0xb1: {  	s29 =	simm.s32 $0x9;
	_ =	strace $0x8000004B  }
0xb2: {  	_ =	swait.ge [sflag:s29], $0x1  }
0xb3: {  	[sflag:s29] =	ssyncadd.s32 $0xFFFFFFFF  }
0xb4: {  	_ =	strace $0x9000004B  }
0xb5: {  	_ =	sfence  }
0xb6: {  	s30 =	sld [smem:$0x0];
	_ =	sdelay $0x2  }
0xb7: {  	s31 =	sshll.u32 s1, $0xD;
	s1 =	sshrl.u32 s1, $0x2  }
0xb8: {  	s3 =	sand.u32 $0x4000, s31;
	s1 =	sadd.s32 s1, s30  }
0xb9: {  	s0 =	sor.u32 s3, s0;
	s1 =	sshll.u32 s1, $0x11  }
0xba: {  	s0 =	sor.u32 s1, s0  }
0xbb: {  	s0 =	sadd.s32 $0x8F2B, s0  }
0xbc: {  	[sflag:s0] =	ssyncadd.remote.s32 $0x1  }
0xbd: {  	_ =	sfence.sel $0xFFFF  }
0xbe: {  	[dreg:$0x0] =	wrdreg $0xFFFFFFFF;
	(pc) =	sbr.abs _section_cstart, $3  }
0xbf: {  	[dreg:$0x1] =	wrdreg $0xFFFFFFFF  }
0xc0: {  	_ =	task.clear_ibuf [dreg:s6], $0x2FFFF;
	_ =	strace $0x9FFFFFFF  }
0xc1: {  	(tm) =	ssettm $0x7FFFFFFF  }
tec
execute0_lowered:
.L_overlay_start_1:
0x0: {  	(tag) =	ssettag $0x1  }
0x1: {  	s0 =	rddreg [dreg:$0x0];
	s1 =	srdreg.scid;
	s2 =	simm.s32 $0x0  }
0x2: {  	s3 =	stileid.u32;
	s31 =	simm.s32 $0x80;
	s1 =	sand.u32 $0x1, s1  }
0x3: {  	[smem:$0x7FF] =	sst s2;
	s4 =	sshll.u32 s3, $0x6;
	s3 =	sadd.s32 $0x249200, s0  }
0x4: {  	s20 =	sadd.s32 $0x248E00, s0;
	s6 =	sadd.s32 $0x20800, s0;
	s5 =	sshll.u32 s1, $0x5  }
0x5: {  	_ =	strace $0x8000004A;
	s1 =	ssub.s32 $0x2, s1;
	s4 =	sor.u32 s5, s4  }
0x6: {  	s30 =	sshrl.u32 s1, $0x1;
	s5 =	sadd.s32 $0x249400, s0;
	s7 =	smul.u32 $0x300, s4  }
0x7: {  	s8 =	sadd.s32 s20, s4;
	s9 =	sor.u32 $0x8, s4;
	s23 =	sor.u32 $0x10, s4  }
0x8: {  	s4 =	sor.u32 $0x18, s4;
	[dreg:$0x2] =	wrdreg s8;
	s22 =	sadd.s32 s20, s9  }
0x9: {  	s21 =	smul.u32 $0x300, s9;
	s26 =	sadd.s32 s20, s23;
	[dreg:$0x4] =	wrdreg s22  }
0xa: {  	s29 =	smul.u32 $0x300, s4;
	s4 =	sadd.s32 s20, s4;
	[dreg:$0x6] =	wrdreg s26  }
0xb: {  	s25 =	smul.u32 $0x300, s23;
	s7 =	sadd.s32 s6, s7;
	[dreg:$0x8] =	wrdreg s4  }
0xc: {  	s1 =	ssub.s32 s1, s30;
	[dreg:$0x3] =	wrdreg s7;
	s24 =	sadd.s32 s6, s21  }
0xd: {  	v2 =	vlaneseq.u32;
	s4 =	sadd.s32 $0x249300, s0;
	s28 =	sadd.s32 s6, s25;
	[dreg:$0x5] =	wrdreg s24  }
0xe: {  	vm0 =	vmmov $0xffff;
	v1 =	vshrl.u32 v2, $0x3;
	s6 =	sadd.s32 s6, s29;
	s7 =	simm.s32 $0x2;
	[dreg:$0x7] =	wrdreg s28  }
0xf: {  	v0 =	vand.u32 $0x7, v2;
	v2 =	vor.u32 $0x8, v2;
	v1 =	vmul.u32 $0x8, v1;
	[dreg:$0x9] =	wrdreg s6;
	s6 =	smax.u32 s1, $0x1;
	s1 =	simm.s32 $0x1  }
.LBB2_1:
0x10: {  	s9 =	rddreg [dreg:$0x2]  }
0x11: {  	[tilespmem:s2], [sflag:$0x2] =	stream.linear.gather [hbm4b:s9+s2], $0x40, $0x38;
	[tilespmem:$0xC080] =	vst v63  }
0x12: {  	_ =	swait.ge [sflag:s7], $0x40  }
0x13: {  	[sflag:s7] =	ssyncset.done $0x0  }
0x14: {  	[sflag:s7] =	ssyncadd.s32 $0xFFFFFFC0  }
0x15: {  	v3 =	vld [tilespmem:$0x0];
	_ =	sdelay $0x4  }
0x16: {  	v4 =	vshrl.u32 v3, $0x3  }
0x17: {  	v4 =	vmul.u32 $0x30, v4  }
0x18: {  	v3 =	vand.u32 $0x7, v3  }
0x19: {  	v3 =	vor.u32 v3, v4  }
0x1a: {  	v4 =	vperm.xlane v3, v0;
	_ =	sdelay $0x1  }
0x1b: {  	v4 =	vadd.s32 v1, v4;
	_ =	sdelay $0x3  }
0x1c: {  	v3 =	vperm.xlane v3, v2  }
0x1d: {  	[tilespmem:s31], [sflag:$0x1] =	stream.indirect_vreg.gather [hbm4b:s3+s2], $0x80, v4, vm0, $0xb8;
	[tilespmem:$0xC080] =	vst v63  }
0x1e: {  	s0 =	simm.s32 $0x880;
	v3 =	vadd.s32 v1, v3  }
0x1f: {  	[tilespmem:s0], [sflag:$0x1] =	stream.indirect_vreg.gather [hbm4b:s4+s2], $0x80, v4, vm0, $0xb8;
	[tilespmem:$0xC080] =	vst v63  }
0x20: {  	s28 =	simm.s32 $0x1080  }
0x21: {  	[tilespmem:s28], [sflag:$0x1] =	stream.indirect_vreg.gather [hbm4b:s5+s2], $0x80, v4, vm0, $0xb8;
	[tilespmem:$0xC080] =	vst v63  }
0x22: {  	s29 =	simm.s32 $0x1880  }
0x23: {  	[tilespmem:s29], [sflag:$0x1] =	stream.indirect_vreg.gather [hbm4b:s3+s2], $0x80, v3, vm0, $0xb8;
	[tilespmem:$0xC080] =	vst v63  }
0x24: {  	s30 =	simm.s32 $0x2080  }
0x25: {  	[tilespmem:s30], [sflag:$0x1] =	stream.indirect_vreg.gather [hbm4b:s4+s2], $0x80, v3, vm0, $0xb8;
	[tilespmem:$0xC080] =	vst v63  }
0x26: {  	s8 =	simm.s32 $0x2880  }
0x27: {  	[tilespmem:s8], [sflag:$0x1] =	stream.indirect_vreg.gather [hbm4b:s5+s2], $0x80, v3, vm0, $0xb8;
	[tilespmem:$0xC080] =	vst v63  }
0x28: {  	v3 =	vld [tilespmem:$0x10];
	_ =	sdelay $0x4  }
0x29: {  	v49 =	vshrl.u32 v3, $0x3  }
0x2a: {  	v4 =	vmul.u32 $0x30, v49  }
0x2b: {  	v3 =	vand.u32 $0x7, v3  }
0x2c: {  	v3 =	vor.u32 v3, v4  }
0x2d: {  	v4 =	vperm.xlane v3, v0;
	_ =	sdelay $0x1  }
0x2e: {  	v4 =	vadd.s32 v1, v4;
	_ =	sdelay $0x3  }
0x2f: {  	s9 =	simm.s32 $0x3080;
	v3 =	vperm.xlane v3, v2  }
0x30: {  	[tilespmem:s9], [sflag:$0x1] =	stream.indirect_vreg.gather [hbm4b:s3+s2], $0x80, v4, vm0, $0xb8;
	[tilespmem:$0xC080] =	vst v63  }
0x31: {  	s10 =	simm.s32 $0x3880;
	v3 =	vadd.s32 v1, v3  }
0x32: {  	[tilespmem:s10], [sflag:$0x1] =	stream.indirect_vreg.gather [hbm4b:s4+s2], $0x80, v4, vm0, $0xb8;
	[tilespmem:$0xC080] =	vst v63  }
0x33: {  	s11 =	simm.s32 $0x4080  }
0x34: {  	[tilespmem:s11], [sflag:$0x1] =	stream.indirect_vreg.gather [hbm4b:s5+s2], $0x80, v4, vm0, $0xb8;
	[tilespmem:$0xC080] =	vst v63  }
0x35: {  	s12 =	simm.s32 $0x4880  }
0x36: {  	[tilespmem:s12], [sflag:$0x1] =	stream.indirect_vreg.gather [hbm4b:s3+s2], $0x80, v3, vm0, $0xb8;
	[tilespmem:$0xC080] =	vst v63  }
0x37: {  	s13 =	simm.s32 $0x5080  }
0x38: {  	[tilespmem:s13], [sflag:$0x1] =	stream.indirect_vreg.gather [hbm4b:s4+s2], $0x80, v3, vm0, $0xb8;
	[tilespmem:$0xC080] =	vst v63  }
0x39: {  	s14 =	simm.s32 $0x5880  }
0x3a: {  	[tilespmem:s14], [sflag:$0x1] =	stream.indirect_vreg.gather [hbm4b:s5+s2], $0x80, v3, vm0, $0xb8;
	[tilespmem:$0xC080] =	vst v63  }
0x3b: {  	v3 =	vld [tilespmem:$0x20];
	_ =	sdelay $0x4  }
0x3c: {  	v50 =	vshrl.u32 v3, $0x3  }
0x3d: {  	v4 =	vmul.u32 $0x30, v50  }
0x3e: {  	v3 =	vand.u32 $0x7, v3  }
0x3f: {  	v3 =	vor.u32 v3, v4  }
0x40: {  	v4 =	vperm.xlane v3, v0;
	_ =	sdelay $0x1  }
0x41: {  	v4 =	vadd.s32 v1, v4;
	_ =	sdelay $0x3  }
0x42: {  	s15 =	simm.s32 $0x6080;
	v3 =	vperm.xlane v3, v2  }
0x43: {  	[tilespmem:s15], [sflag:$0x1] =	stream.indirect_vreg.gather [hbm4b:s3+s2], $0x80, v4, vm0, $0xb8;
	[tilespmem:$0xC080] =	vst v63  }
0x44: {  	s16 =	simm.s32 $0x6880;
	v3 =	vadd.s32 v1, v3  }
0x45: {  	[tilespmem:s16], [sflag:$0x1] =	stream.indirect_vreg.gather [hbm4b:s4+s2], $0x80, v4, vm0, $0xb8;
	[tilespmem:$0xC080] =	vst v63  }
0x46: {  	s17 =	simm.s32 $0x7080  }
0x47: {  	[tilespmem:s17], [sflag:$0x1] =	stream.indirect_vreg.gather [hbm4b:s5+s2], $0x80, v4, vm0, $0xb8;
	[tilespmem:$0xC080] =	vst v63  }
0x48: {  	s18 =	simm.s32 $0x7880  }
0x49: {  	[tilespmem:s18], [sflag:$0x1] =	stream.indirect_vreg.gather [hbm4b:s3+s2], $0x80, v3, vm0, $0xb8;
	[tilespmem:$0xC080] =	vst v63  }
0x4a: {  	s19 =	simm.s32 $0x8080  }
0x4b: {  	[tilespmem:s19], [sflag:$0x1] =	stream.indirect_vreg.gather [hbm4b:s4+s2], $0x80, v3, vm0, $0xb8;
	[tilespmem:$0xC080] =	vst v63  }
0x4c: {  	s20 =	simm.s32 $0x8880  }
0x4d: {  	[tilespmem:s20], [sflag:$0x1] =	stream.indirect_vreg.gather [hbm4b:s5+s2], $0x80, v3, vm0, $0xb8;
	[tilespmem:$0xC080] =	vst v63  }
0x4e: {  	v3 =	vld [tilespmem:$0x30];
	_ =	sdelay $0x4  }
0x4f: {  	v51 =	vshrl.u32 v3, $0x3  }
0x50: {  	v4 =	vmul.u32 $0x30, v51  }
0x51: {  	v3 =	vand.u32 $0x7, v3  }
0x52: {  	v3 =	vor.u32 v3, v4  }
0x53: {  	v4 =	vperm.xlane v3, v0;
	_ =	sdelay $0x1  }
0x54: {  	v4 =	vadd.s32 v1, v4;
	_ =	sdelay $0x3  }
0x55: {  	s21 =	simm.s32 $0x9080;
	v3 =	vperm.xlane v3, v2  }
0x56: {  	[tilespmem:s21], [sflag:$0x1] =	stream.indirect_vreg.gather [hbm4b:s3+s2], $0x80, v4, vm0, $0xb8;
	[tilespmem:$0xC080] =	vst v63  }
0x57: {  	s22 =	simm.s32 $0x9880;
	v3 =	vadd.s32 v1, v3  }
0x58: {  	[tilespmem:s22], [sflag:$0x1] =	stream.indirect_vreg.gather [hbm4b:s4+s2], $0x80, v4, vm0, $0xb8;
	[tilespmem:$0xC080] =	vst v63  }
0x59: {  	s23 =	simm.s32 $0xA080  }
0x5a: {  	[tilespmem:s23], [sflag:$0x1] =	stream.indirect_vreg.gather [hbm4b:s5+s2], $0x80, v4, vm0, $0xb8;
	[tilespmem:$0xC080] =	vst v63  }
0x5b: {  	s24 =	simm.s32 $0xA880  }
0x5c: {  	[tilespmem:s24], [sflag:$0x1] =	stream.indirect_vreg.gather [hbm4b:s3+s2], $0x80, v3, vm0, $0xb8;
	[tilespmem:$0xC080] =	vst v63  }
0x5d: {  	s25 =	simm.s32 $0xB080  }
0x5e: {  	[tilespmem:s25], [sflag:$0x1] =	stream.indirect_vreg.gather [hbm4b:s4+s2], $0x80, v3, vm0, $0xb8;
	[tilespmem:$0xC080] =	vst v63  }
0x5f: {  	s26 =	simm.s32 $0xB880  }
0x60: {  	[tilespmem:s26], [sflag:$0x1] =	stream.indirect_vreg.gather [hbm4b:s5+s2], $0x80, v3, vm0, $0xb8;
	[tilespmem:$0xC080] =	vst v63  }
0x61: {  	_ =	swait.ge [sflag:s1], $0xC000  }
0x62: {  	[sflag:s1] =	ssyncset.done $0x0  }
0x63: {  	s28 =	rddreg [dreg:$0x3];
	[sflag:s1] =	ssyncadd.s32 $0xFFFF4000  }
0x64: {  	[hbm4b:s28+s2] =	stream.linear.scatter [tilespmem:s31], [sflag:$0x2], $0xC000, $0x38;
	[tilespmem:$0xC080] =	vst v63  }
0x65: {  	_ =	swait.ge [sflag:s7], $0xC000  }
0x66: {  	[sflag:s7] =	ssyncset.done $0x0  }
0x67: {  	s29 =	rddreg [dreg:$0x4];
	[sflag:s7] =	ssyncadd.s32 $0xFFFF4000  }
0x68: {  	[tilespmem:s2], [sflag:$0x2] =	stream.linear.gather [hbm4b:s29+s2], $0x40, $0x38;
	[tilespmem:$0xC080] =	vst v63  }
0x69: {  	_ =	swait.ge [sflag:s7], $0x40  }
0x6a: {  	[sflag:s7] =	ssyncset.done $0x0  }
0x6b: {  	[sflag:s7] =	ssyncadd.s32 $0xFFFFFFC0  }
0x6c: {  	v3 =	vld [tilespmem:$0x0];
	_ =	sdelay $0x4  }
0x6d: {  	v52 =	vshrl.u32 v3, $0x3  }
0x6e: {  	v4 =	vmul.u32 $0x30, v52  }
0x6f: {  	v3 =	vand.u32 $0x7, v3  }
0x70: {  	v3 =	vor.u32 v3, v4  }
0x71: {  	v4 =	vperm.xlane v3, v0;
	_ =	sdelay $0x1  }
0x72: {  	v4 =	vadd.s32 v1, v4;
	_ =	sdelay $0x3  }
0x73: {  	v3 =	vperm.xlane v3, v2  }
0x74: {  	[tilespmem:s31], [sflag:$0x1] =	stream.indirect_vreg.gather [hbm4b:s3+s2], $0x80, v4, vm0, $0xb8;
	[tilespmem:$0xC080] =	vst v63  }
0x75: {  	s0 =	simm.s32 $0x880;
	v3 =	vadd.s32 v1, v3  }
0x76: {  	[tilespmem:s0], [sflag:$0x1] =	stream.indirect_vreg.gather [hbm4b:s4+s2], $0x80, v4, vm0, $0xb8;
	[tilespmem:$0xC080] =	vst v63  }
0x77: {  	s8 =	simm.s32 $0x1080  }
0x78: {  	[tilespmem:s8], [sflag:$0x1] =	stream.indirect_vreg.gather [hbm4b:s5+s2], $0x80, v4, vm0, $0xb8;
	[tilespmem:$0xC080] =	vst v63  }
0x79: {  	s10 =	simm.s32 $0x1880  }
0x7a: {  	[tilespmem:s10], [sflag:$0x1] =	stream.indirect_vreg.gather [hbm4b:s3+s2], $0x80, v3, vm0, $0xb8;
	[tilespmem:$0xC080] =	vst v63  }
0x7b: {  	s11 =	simm.s32 $0x2080  }
0x7c: {  	[tilespmem:s11], [sflag:$0x1] =	stream.indirect_vreg.gather [hbm4b:s4+s2], $0x80, v3, vm0, $0xb8;
	[tilespmem:$0xC080] =	vst v63  }
0x7d: {  	s12 =	simm.s32 $0x2880  }
0x7e: {  	[tilespmem:s12], [sflag:$0x1] =	stream.indirect_vreg.gather [hbm4b:s5+s2], $0x80, v3, vm0, $0xb8;
	[tilespmem:$0xC080] =	vst v63  }
0x7f: {  	v3 =	vld [tilespmem:$0x10];
	_ =	sdelay $0x4  }
0x80: {  	v53 =	vshrl.u32 v3, $0x3  }
0x81: {  	v4 =	vmul.u32 $0x30, v53  }
0x82: {  	v3 =	vand.u32 $0x7, v3  }
0x83: {  	v3 =	vor.u32 v3, v4  }
0x84: {  	v4 =	vperm.xlane v3, v0;
	_ =	sdelay $0x1  }
0x85: {  	v4 =	vadd.s32 v1, v4;
	_ =	sdelay $0x3  }
0x86: {  	s13 =	simm.s32 $0x3080;
	v3 =	vperm.xlane v3, v2  }
0x87: {  	[tilespmem:s13], [sflag:$0x1] =	stream.indirect_vreg.gather [hbm4b:s3+s2], $0x80, v4, vm0, $0xb8;
	[tilespmem:$0xC080] =	vst v63  }
0x88: {  	s14 =	simm.s32 $0x3880;
	v3 =	vadd.s32 v1, v3  }
0x89: {  	[tilespmem:s14], [sflag:$0x1] =	stream.indirect_vreg.gather [hbm4b:s4+s2], $0x80, v4, vm0, $0xb8;
	[tilespmem:$0xC080] =	vst v63  }
0x8a: {  	s15 =	simm.s32 $0x4080  }
0x8b: {  	[tilespmem:s15], [sflag:$0x1] =	stream.indirect_vreg.gather [hbm4b:s5+s2], $0x80, v4, vm0, $0xb8;
	[tilespmem:$0xC080] =	vst v63  }
0x8c: {  	s16 =	simm.s32 $0x4880  }
0x8d: {  	[tilespmem:s16], [sflag:$0x1] =	stream.indirect_vreg.gather [hbm4b:s3+s2], $0x80, v3, vm0, $0xb8;
	[tilespmem:$0xC080] =	vst v63  }
0x8e: {  	s17 =	simm.s32 $0x5080  }
0x8f: {  	[tilespmem:s17], [sflag:$0x1] =	stream.indirect_vreg.gather [hbm4b:s4+s2], $0x80, v3, vm0, $0xb8;
	[tilespmem:$0xC080] =	vst v63  }
0x90: {  	s18 =	simm.s32 $0x5880  }
0x91: {  	[tilespmem:s18], [sflag:$0x1] =	stream.indirect_vreg.gather [hbm4b:s5+s2], $0x80, v3, vm0, $0xb8;
	[tilespmem:$0xC080] =	vst v63  }
0x92: {  	v3 =	vld [tilespmem:$0x20];
	_ =	sdelay $0x4  }
0x93: {  	v54 =	vshrl.u32 v3, $0x3  }
0x94: {  	v4 =	vmul.u32 $0x30, v54  }
0x95: {  	v3 =	vand.u32 $0x7, v3  }
0x96: {  	v3 =	vor.u32 v3, v4  }
0x97: {  	v4 =	vperm.xlane v3, v0;
	_ =	sdelay $0x1  }
0x98: {  	v4 =	vadd.s32 v1, v4;
	_ =	sdelay $0x3  }
0x99: {  	s19 =	simm.s32 $0x6080;
	v3 =	vperm.xlane v3, v2  }
0x9a: {  	[tilespmem:s19], [sflag:$0x1] =	stream.indirect_vreg.gather [hbm4b:s3+s2], $0x80, v4, vm0, $0xb8;
	[tilespmem:$0xC080] =	vst v63  }
0x9b: {  	s20 =	simm.s32 $0x6880;
	v3 =	vadd.s32 v1, v3  }
0x9c: {  	[tilespmem:s20], [sflag:$0x1] =	stream.indirect_vreg.gather [hbm4b:s4+s2], $0x80, v4, vm0, $0xb8;
	[tilespmem:$0xC080] =	vst v63  }
0x9d: {  	s21 =	simm.s32 $0x7080  }
0x9e: {  	[tilespmem:s21], [sflag:$0x1] =	stream.indirect_vreg.gather [hbm4b:s5+s2], $0x80, v4, vm0, $0xb8;
	[tilespmem:$0xC080] =	vst v63  }
0x9f: {  	s22 =	simm.s32 $0x7880  }
0xa0: {  	[tilespmem:s22], [sflag:$0x1] =	stream.indirect_vreg.gather [hbm4b:s3+s2], $0x80, v3, vm0, $0xb8;
	[tilespmem:$0xC080] =	vst v63  }
0xa1: {  	s23 =	simm.s32 $0x8080  }
0xa2: {  	[tilespmem:s23], [sflag:$0x1] =	stream.indirect_vreg.gather [hbm4b:s4+s2], $0x80, v3, vm0, $0xb8;
	[tilespmem:$0xC080] =	vst v63  }
0xa3: {  	s24 =	simm.s32 $0x8880  }
0xa4: {  	[tilespmem:s24], [sflag:$0x1] =	stream.indirect_vreg.gather [hbm4b:s5+s2], $0x80, v3, vm0, $0xb8;
	[tilespmem:$0xC080] =	vst v63  }
0xa5: {  	v3 =	vld [tilespmem:$0x30];
	_ =	sdelay $0x4  }
0xa6: {  	v55 =	vshrl.u32 v3, $0x3  }
0xa7: {  	v4 =	vmul.u32 $0x30, v55  }
0xa8: {  	v3 =	vand.u32 $0x7, v3  }
0xa9: {  	v3 =	vor.u32 v3, v4  }
0xaa: {  	v4 =	vperm.xlane v3, v0;
	_ =	sdelay $0x1  }
0xab: {  	v4 =	vadd.s32 v1, v4;
	_ =	sdelay $0x3  }
0xac: {  	s25 =	simm.s32 $0x9080;
	v3 =	vperm.xlane v3, v2  }
0xad: {  	[tilespmem:s25], [sflag:$0x1] =	stream.indirect_vreg.gather [hbm4b:s3+s2], $0x80, v4, vm0, $0xb8;
	[tilespmem:$0xC080] =	vst v63  }
0xae: {  	s26 =	simm.s32 $0x9880;
	v3 =	vadd.s32 v1, v3  }
0xaf: {  	[tilespmem:s26], [sflag:$0x1] =	stream.indirect_vreg.gather [hbm4b:s4+s2], $0x80, v4, vm0, $0xb8;
	[tilespmem:$0xC080] =	vst v63  }
0xb0: {  	s28 =	simm.s32 $0xA080  }
0xb1: {  	[tilespmem:s28], [sflag:$0x1] =	stream.indirect_vreg.gather [hbm4b:s5+s2], $0x80, v4, vm0, $0xb8;
	[tilespmem:$0xC080] =	vst v63  }
0xb2: {  	s29 =	simm.s32 $0xA880  }
0xb3: {  	[tilespmem:s29], [sflag:$0x1] =	stream.indirect_vreg.gather [hbm4b:s3+s2], $0x80, v3, vm0, $0xb8;
	[tilespmem:$0xC080] =	vst v63  }
0xb4: {  	s9 =	simm.s32 $0xB080  }
0xb5: {  	[tilespmem:s9], [sflag:$0x1] =	stream.indirect_vreg.gather [hbm4b:s4+s2], $0x80, v3, vm0, $0xb8;
	[tilespmem:$0xC080] =	vst v63  }
0xb6: {  	s30 =	simm.s32 $0xB880  }
0xb7: {  	[tilespmem:s30], [sflag:$0x1] =	stream.indirect_vreg.gather [hbm4b:s5+s2], $0x80, v3, vm0, $0xb8;
	[tilespmem:$0xC080] =	vst v63  }
0xb8: {  	_ =	swait.ge [sflag:s1], $0xC000  }
0xb9: {  	[sflag:s1] =	ssyncset.done $0x0  }
0xba: {  	s30 =	rddreg [dreg:$0x5];
	[sflag:s1] =	ssyncadd.s32 $0xFFFF4000  }
0xbb: {  	[hbm4b:s30+s2] =	stream.linear.scatter [tilespmem:s31], [sflag:$0x2], $0xC000, $0x38;
	[tilespmem:$0xC080] =	vst v63  }
0xbc: {  	_ =	swait.ge [sflag:s7], $0xC000  }
0xbd: {  	[sflag:s7] =	ssyncset.done $0x0  }
0xbe: {  	s30 =	rddreg [dreg:$0x6];
	[sflag:s7] =	ssyncadd.s32 $0xFFFF4000  }
0xbf: {  	[tilespmem:s2], [sflag:$0x2] =	stream.linear.gather [hbm4b:s30+s2], $0x40, $0x38;
	[tilespmem:$0xC080] =	vst v63  }
0xc0: {  	_ =	swait.ge [sflag:s7], $0x40  }
0xc1: {  	[sflag:s7] =	ssyncset.done $0x0  }
0xc2: {  	[sflag:s7] =	ssyncadd.s32 $0xFFFFFFC0  }
0xc3: {  	v3 =	vld [tilespmem:$0x0];
	_ =	sdelay $0x4  }
0xc4: {  	v56 =	vshrl.u32 v3, $0x3  }
0xc5: {  	v4 =	vmul.u32 $0x30, v56  }
0xc6: {  	v3 =	vand.u32 $0x7, v3  }
0xc7: {  	v3 =	vor.u32 v3, v4  }
0xc8: {  	v4 =	vperm.xlane v3, v0;
	_ =	sdelay $0x1  }
0xc9: {  	v4 =	vadd.s32 v1, v4;
	_ =	sdelay $0x3  }
0xca: {  	v3 =	vperm.xlane v3, v2  }
0xcb: {  	[tilespmem:s31], [sflag:$0x1] =	stream.indirect_vreg.gather [hbm4b:s3+s2], $0x80, v4, vm0, $0xb8;
	[tilespmem:$0xC080] =	vst v63  }
0xcc: {  	v3 =	vadd.s32 v1, v3  }
0xcd: {  	[tilespmem:s0], [sflag:$0x1] =	stream.indirect_vreg.gather [hbm4b:s4+s2], $0x80, v4, vm0, $0xb8;
	[tilespmem:$0xC080] =	vst v63  }
0xce: {  	_ = 	snop  }
0xcf: {  	[tilespmem:s8], [sflag:$0x1] =	stream.indirect_vreg.gather [hbm4b:s5+s2], $0x80, v4, vm0, $0xb8;
	[tilespmem:$0xC080] =	vst v63  }
0xd0: {  	_ = 	snop  }
0xd1: {  	[tilespmem:s10], [sflag:$0x1] =	stream.indirect_vreg.gather [hbm4b:s3+s2], $0x80, v3, vm0, $0xb8;
	[tilespmem:$0xC080] =	vst v63  }
0xd2: {  	_ = 	snop  }
0xd3: {  	[tilespmem:s11], [sflag:$0x1] =	stream.indirect_vreg.gather [hbm4b:s4+s2], $0x80, v3, vm0, $0xb8;
	[tilespmem:$0xC080] =	vst v63  }
0xd4: {  	_ = 	snop  }
0xd5: {  	[tilespmem:s12], [sflag:$0x1] =	stream.indirect_vreg.gather [hbm4b:s5+s2], $0x80, v3, vm0, $0xb8;
	[tilespmem:$0xC080] =	vst v63  }
0xd6: {  	v3 =	vld [tilespmem:$0x10];
	_ =	sdelay $0x4  }
0xd7: {  	v57 =	vshrl.u32 v3, $0x3  }
0xd8: {  	v4 =	vmul.u32 $0x30, v57  }
0xd9: {  	v3 =	vand.u32 $0x7, v3  }
0xda: {  	v3 =	vor.u32 v3, v4  }
0xdb: {  	v4 =	vperm.xlane v3, v0;
	_ =	sdelay $0x1  }
0xdc: {  	v4 =	vadd.s32 v1, v4;
	_ =	sdelay $0x3  }
0xdd: {  	v3 =	vperm.xlane v3, v2  }
0xde: {  	[tilespmem:s13], [sflag:$0x1] =	stream.indirect_vreg.gather [hbm4b:s3+s2], $0x80, v4, vm0, $0xb8;
	[tilespmem:$0xC080] =	vst v63  }
0xdf: {  	v3 =	vadd.s32 v1, v3  }
0xe0: {  	[tilespmem:s14], [sflag:$0x1] =	stream.indirect_vreg.gather [hbm4b:s4+s2], $0x80, v4, vm0, $0xb8;
	[tilespmem:$0xC080] =	vst v63  }
0xe1: {  	_ = 	snop  }
0xe2: {  	[tilespmem:s15], [sflag:$0x1] =	stream.indirect_vreg.gather [hbm4b:s5+s2], $0x80, v4, vm0, $0xb8;
	[tilespmem:$0xC080] =	vst v63  }
0xe3: {  	_ = 	snop  }
0xe4: {  	[tilespmem:s16], [sflag:$0x1] =	stream.indirect_vreg.gather [hbm4b:s3+s2], $0x80, v3, vm0, $0xb8;
	[tilespmem:$0xC080] =	vst v63  }
0xe5: {  	_ = 	snop  }
0xe6: {  	[tilespmem:s17], [sflag:$0x1] =	stream.indirect_vreg.gather [hbm4b:s4+s2], $0x80, v3, vm0, $0xb8;
	[tilespmem:$0xC080] =	vst v63  }
0xe7: {  	_ = 	snop  }
0xe8: {  	[tilespmem:s18], [sflag:$0x1] =	stream.indirect_vreg.gather [hbm4b:s5+s2], $0x80, v3, vm0, $0xb8;
	[tilespmem:$0xC080] =	vst v63  }
0xe9: {  	v3 =	vld [tilespmem:$0x20];
	_ =	sdelay $0x4  }
0xea: {  	v58 =	vshrl.u32 v3, $0x3  }
0xeb: {  	v4 =	vmul.u32 $0x30, v58  }
0xec: {  	v3 =	vand.u32 $0x7, v3  }
0xed: {  	v3 =	vor.u32 v3, v4  }
0xee: {  	v4 =	vperm.xlane v3, v0;
	_ =	sdelay $0x1  }
0xef: {  	v4 =	vadd.s32 v1, v4;
	_ =	sdelay $0x3  }
0xf0: {  	v3 =	vperm.xlane v3, v2  }
0xf1: {  	[tilespmem:s19], [sflag:$0x1] =	stream.indirect_vreg.gather [hbm4b:s3+s2], $0x80, v4, vm0, $0xb8;
	[tilespmem:$0xC080] =	vst v63  }
0xf2: {  	v3 =	vadd.s32 v1, v3  }
0xf3: {  	[tilespmem:s20], [sflag:$0x1] =	stream.indirect_vreg.gather [hbm4b:s4+s2], $0x80, v4, vm0, $0xb8;
	[tilespmem:$0xC080] =	vst v63  }
0xf4: {  	_ = 	snop  }
0xf5: {  	[tilespmem:s21], [sflag:$0x1] =	stream.indirect_vreg.gather [hbm4b:s5+s2], $0x80, v4, vm0, $0xb8;
	[tilespmem:$0xC080] =	vst v63  }
0xf6: {  	_ = 	snop  }
0xf7: {  	[tilespmem:s22], [sflag:$0x1] =	stream.indirect_vreg.gather [hbm4b:s3+s2], $0x80, v3, vm0, $0xb8;
	[tilespmem:$0xC080] =	vst v63  }
0xf8: {  	_ = 	snop  }
0xf9: {  	[tilespmem:s23], [sflag:$0x1] =	stream.indirect_vreg.gather [hbm4b:s4+s2], $0x80, v3, vm0, $0xb8;
	[tilespmem:$0xC080] =	vst v63  }
0xfa: {  	_ = 	snop  }
0xfb: {  	[tilespmem:s24], [sflag:$0x1] =	stream.indirect_vreg.gather [hbm4b:s5+s2], $0x80, v3, vm0, $0xb8;
	[tilespmem:$0xC080] =	vst v63  }
0xfc: {  	v3 =	vld [tilespmem:$0x30];
	_ =	sdelay $0x4  }
0xfd: {  	v59 =	vshrl.u32 v3, $0x3  }
0xfe: {  	v4 =	vmul.u32 $0x30, v59  }
0xff: {  	v3 =	vand.u32 $0x7, v3  }
0x100: {  	v3 =	vor.u32 v3, v4  }
0x101: {  	v4 =	vperm.xlane v3, v0;
	_ =	sdelay $0x1  }
0x102: {  	v4 =	vadd.s32 v1, v4;
	_ =	sdelay $0x3  }
0x103: {  	v3 =	vperm.xlane v3, v2  }
0x104: {  	[tilespmem:s25], [sflag:$0x1] =	stream.indirect_vreg.gather [hbm4b:s3+s2], $0x80, v4, vm0, $0xb8;
	[tilespmem:$0xC080] =	vst v63  }
0x105: {  	v3 =	vadd.s32 v1, v3  }
0x106: {  	[tilespmem:s26], [sflag:$0x1] =	stream.indirect_vreg.gather [hbm4b:s4+s2], $0x80, v4, vm0, $0xb8;
	[tilespmem:$0xC080] =	vst v63  }
0x107: {  	_ = 	snop  }
0x108: {  	[tilespmem:s28], [sflag:$0x1] =	stream.indirect_vreg.gather [hbm4b:s5+s2], $0x80, v4, vm0, $0xb8;
	[tilespmem:$0xC080] =	vst v63  }
0x109: {  	_ = 	snop  }
0x10a: {  	[tilespmem:s29], [sflag:$0x1] =	stream.indirect_vreg.gather [hbm4b:s3+s2], $0x80, v3, vm0, $0xb8;
	[tilespmem:$0xC080] =	vst v63  }
0x10b: {  	s30 =	simm.s32 $0xB080  }
0x10c: {  	[tilespmem:s30], [sflag:$0x1] =	stream.indirect_vreg.gather [hbm4b:s4+s2], $0x80, v3, vm0, $0xb8;
	[tilespmem:$0xC080] =	vst v63  }
0x10d: {  	s9 =	simm.s32 $0xB880  }
0x10e: {  	[tilespmem:s9], [sflag:$0x1] =	stream.indirect_vreg.gather [hbm4b:s5+s2], $0x80, v3, vm0, $0xb8;
	[tilespmem:$0xC080] =	vst v63  }
0x10f: {  	_ =	swait.ge [sflag:s1], $0xC000  }
0x110: {  	[sflag:s1] =	ssyncset.done $0x0  }
0x111: {  	s9 =	rddreg [dreg:$0x7];
	[sflag:s1] =	ssyncadd.s32 $0xFFFF4000  }
0x112: {  	[hbm4b:s9+s2] =	stream.linear.scatter [tilespmem:s31], [sflag:$0x2], $0xC000, $0x38;
	[tilespmem:$0xC080] =	vst v63  }
0x113: {  	_ =	swait.ge [sflag:s7], $0xC000  }
0x114: {  	[sflag:s7] =	ssyncset.done $0x0  }
0x115: {  	s9 =	rddreg [dreg:$0x8];
	[sflag:s7] =	ssyncadd.s32 $0xFFFF4000  }
0x116: {  	[tilespmem:s2], [sflag:$0x2] =	stream.linear.gather [hbm4b:s9+s2], $0x40, $0x38;
	[tilespmem:$0xC080] =	vst v63  }
0x117: {  	_ =	swait.ge [sflag:s7], $0x40  }
0x118: {  	[sflag:s7] =	ssyncset.done $0x0  }
0x119: {  	[sflag:s7] =	ssyncadd.s32 $0xFFFFFFC0  }
0x11a: {  	v3 =	vld [tilespmem:$0x0];
	_ =	sdelay $0x4  }
0x11b: {  	v60 =	vshrl.u32 v3, $0x3  }
0x11c: {  	v4 =	vmul.u32 $0x30, v60  }
0x11d: {  	v3 =	vand.u32 $0x7, v3  }
0x11e: {  	v3 =	vor.u32 v3, v4  }
0x11f: {  	v4 =	vperm.xlane v3, v0;
	_ =	sdelay $0x1  }
0x120: {  	v4 =	vadd.s32 v1, v4;
	_ =	sdelay $0x3  }
0x121: {  	v3 =	vperm.xlane v3, v2  }
0x122: {  	[tilespmem:s31], [sflag:$0x1] =	stream.indirect_vreg.gather [hbm4b:s3+s2], $0x80, v4, vm0, $0xb8;
	[tilespmem:$0xC080] =	vst v63  }
0x123: {  	s0 =	simm.s32 $0x880;
	v3 =	vadd.s32 v1, v3  }
0x124: {  	[tilespmem:s0], [sflag:$0x1] =	stream.indirect_vreg.gather [hbm4b:s4+s2], $0x80, v4, vm0, $0xb8;
	[tilespmem:$0xC080] =	vst v63  }
0x125: {  	s8 =	simm.s32 $0x1080  }
0x126: {  	[tilespmem:s8], [sflag:$0x1] =	stream.indirect_vreg.gather [hbm4b:s5+s2], $0x80, v4, vm0, $0xb8;
	[tilespmem:$0xC080] =	vst v63  }
0x127: {  	s10 =	simm.s32 $0x1880  }
0x128: {  	[tilespmem:s10], [sflag:$0x1] =	stream.indirect_vreg.gather [hbm4b:s3+s2], $0x80, v3, vm0, $0xb8;
	[tilespmem:$0xC080] =	vst v63  }
0x129: {  	s11 =	simm.s32 $0x2080  }
0x12a: {  	[tilespmem:s11], [sflag:$0x1] =	stream.indirect_vreg.gather [hbm4b:s4+s2], $0x80, v3, vm0, $0xb8;
	[tilespmem:$0xC080] =	vst v63  }
0x12b: {  	s12 =	simm.s32 $0x2880  }
0x12c: {  	[tilespmem:s12], [sflag:$0x1] =	stream.indirect_vreg.gather [hbm4b:s5+s2], $0x80, v3, vm0, $0xb8;
	[tilespmem:$0xC080] =	vst v63  }
0x12d: {  	v3 =	vld [tilespmem:$0x10];
	_ =	sdelay $0x4  }
0x12e: {  	v61 =	vshrl.u32 v3, $0x3  }
0x12f: {  	v4 =	vmul.u32 $0x30, v61  }
0x130: {  	v3 =	vand.u32 $0x7, v3  }
0x131: {  	v3 =	vor.u32 v3, v4  }
0x132: {  	v4 =	vperm.xlane v3, v0;
	_ =	sdelay $0x1  }
0x133: {  	v4 =	vadd.s32 v1, v4;
	_ =	sdelay $0x3  }
0x134: {  	s13 =	simm.s32 $0x3080;
	v3 =	vperm.xlane v3, v2  }
0x135: {  	[tilespmem:s13], [sflag:$0x1] =	stream.indirect_vreg.gather [hbm4b:s3+s2], $0x80, v4, vm0, $0xb8;
	[tilespmem:$0xC080] =	vst v63  }
0x136: {  	s14 =	simm.s32 $0x3880;
	v3 =	vadd.s32 v1, v3  }
0x137: {  	[tilespmem:s14], [sflag:$0x1] =	stream.indirect_vreg.gather [hbm4b:s4+s2], $0x80, v4, vm0, $0xb8;
	[tilespmem:$0xC080] =	vst v63  }
0x138: {  	s15 =	simm.s32 $0x4080  }
0x139: {  	[tilespmem:s15], [sflag:$0x1] =	stream.indirect_vreg.gather [hbm4b:s5+s2], $0x80, v4, vm0, $0xb8;
	[tilespmem:$0xC080] =	vst v63  }
0x13a: {  	s16 =	simm.s32 $0x4880  }
0x13b: {  	[tilespmem:s16], [sflag:$0x1] =	stream.indirect_vreg.gather [hbm4b:s3+s2], $0x80, v3, vm0, $0xb8;
	[tilespmem:$0xC080] =	vst v63  }
0x13c: {  	s17 =	simm.s32 $0x5080  }
0x13d: {  	[tilespmem:s17], [sflag:$0x1] =	stream.indirect_vreg.gather [hbm4b:s4+s2], $0x80, v3, vm0, $0xb8;
	[tilespmem:$0xC080] =	vst v63  }
0x13e: {  	s18 =	simm.s32 $0x5880  }
0x13f: {  	[tilespmem:s18], [sflag:$0x1] =	stream.indirect_vreg.gather [hbm4b:s5+s2], $0x80, v3, vm0, $0xb8;
	[tilespmem:$0xC080] =	vst v63  }
0x140: {  	v3 =	vld [tilespmem:$0x20];
	_ =	sdelay $0x4  }
0x141: {  	v62 =	vshrl.u32 v3, $0x3  }
0x142: {  	v4 =	vmul.u32 $0x30, v62  }
0x143: {  	v3 =	vand.u32 $0x7, v3  }
0x144: {  	v3 =	vor.u32 v3, v4  }
0x145: {  	v4 =	vperm.xlane v3, v0;
	_ =	sdelay $0x1  }
0x146: {  	v4 =	vadd.s32 v1, v4;
	_ =	sdelay $0x3  }
0x147: {  	s19 =	simm.s32 $0x6080;
	v3 =	vperm.xlane v3, v2  }
0x148: {  	[tilespmem:s19], [sflag:$0x1] =	stream.indirect_vreg.gather [hbm4b:s3+s2], $0x80, v4, vm0, $0xb8;
	[tilespmem:$0xC080] =	vst v63  }
0x149: {  	s20 =	simm.s32 $0x6880;
	v3 =	vadd.s32 v1, v3  }
0x14a: {  	[tilespmem:s20], [sflag:$0x1] =	stream.indirect_vreg.gather [hbm4b:s4+s2], $0x80, v4, vm0, $0xb8;
	[tilespmem:$0xC080] =	vst v63  }
0x14b: {  	s21 =	simm.s32 $0x7080  }
0x14c: {  	[tilespmem:s21], [sflag:$0x1] =	stream.indirect_vreg.gather [hbm4b:s5+s2], $0x80, v4, vm0, $0xb8;
	[tilespmem:$0xC080] =	vst v63  }
0x14d: {  	s22 =	simm.s32 $0x7880  }
0x14e: {  	[tilespmem:s22], [sflag:$0x1] =	stream.indirect_vreg.gather [hbm4b:s3+s2], $0x80, v3, vm0, $0xb8;
	[tilespmem:$0xC080] =	vst v63  }
0x14f: {  	s23 =	simm.s32 $0x8080  }
0x150: {  	[tilespmem:s23], [sflag:$0x1] =	stream.indirect_vreg.gather [hbm4b:s4+s2], $0x80, v3, vm0, $0xb8;
	[tilespmem:$0xC080] =	vst v63  }
0x151: {  	s24 =	simm.s32 $0x8880  }
0x152: {  	[tilespmem:s24], [sflag:$0x1] =	stream.indirect_vreg.gather [hbm4b:s5+s2], $0x80, v3, vm0, $0xb8;
	[tilespmem:$0xC080] =	vst v63  }
0x153: {  	v3 =	vld [tilespmem:$0x30];
	_ =	sdelay $0x4  }
0x154: {  	v63 =	vshrl.u32 v3, $0x3  }
0x155: {  	v4 =	vmul.u32 $0x30, v63  }
0x156: {  	v3 =	vand.u32 $0x7, v3  }
0x157: {  	v3 =	vor.u32 v3, v4  }
0x158: {  	v4 =	vperm.xlane v3, v0;
	_ =	sdelay $0x1  }
0x159: {  	v4 =	vadd.s32 v1, v4;
	_ =	sdelay $0x3  }
0x15a: {  	s25 =	simm.s32 $0x9080;
	v3 =	vperm.xlane v3, v2  }
0x15b: {  	[tilespmem:s25], [sflag:$0x1] =	stream.indirect_vreg.gather [hbm4b:s3+s2], $0x80, v4, vm0, $0xb8;
	[tilespmem:$0xC080] =	vst v63  }
0x15c: {  	s26 =	simm.s32 $0x9880;
	v3 =	vadd.s32 v1, v3  }
0x15d: {  	[tilespmem:s26], [sflag:$0x1] =	stream.indirect_vreg.gather [hbm4b:s4+s2], $0x80, v4, vm0, $0xb8;
	[tilespmem:$0xC080] =	vst v63  }
0x15e: {  	s28 =	simm.s32 $0xA080  }
0x15f: {  	[tilespmem:s28], [sflag:$0x1] =	stream.indirect_vreg.gather [hbm4b:s5+s2], $0x80, v4, vm0, $0xb8;
	[tilespmem:$0xC080] =	vst v63  }
0x160: {  	s29 =	simm.s32 $0xA880  }
0x161: {  	[tilespmem:s29], [sflag:$0x1] =	stream.indirect_vreg.gather [hbm4b:s3+s2], $0x80, v3, vm0, $0xb8;
	[tilespmem:$0xC080] =	vst v63  }
0x162: {  	s30 =	simm.s32 $0xB080  }
0x163: {  	[tilespmem:s30], [sflag:$0x1] =	stream.indirect_vreg.gather [hbm4b:s4+s2], $0x80, v3, vm0, $0xb8;
	[tilespmem:$0xC080] =	vst v63  }
0x164: {  	s29 =	simm.s32 $0xB880  }
0x165: {  	[tilespmem:s29], [sflag:$0x1] =	stream.indirect_vreg.gather [hbm4b:s5+s2], $0x80, v3, vm0, $0xb8;
	[tilespmem:$0xC080] =	vst v63  }
0x166: {  	_ =	swait.ge [sflag:s1], $0xC000  }
0x167: {  	p0 =	sne.s32 s6, $0x1;
	[sflag:s1] =	ssyncset.done $0x0  }
.Ltmp0:
0x168: {  	s30 =	rddreg [dreg:$0x9];
	[sflag:s1] =	ssyncadd.s32 $0xFFFF4000;
	(pc) =	sbr.rel @p0 .LBB2_1-.Ltmp0, $4  }
0x169: {  	[hbm4b:s30+s2] =	stream.linear.scatter [tilespmem:s31], [sflag:$0x2], $0xC000, $0x38;
	[tilespmem:$0xC080] =	vst v63  }
0x16a: {  	_ =	swait.ge [sflag:s7], $0xC000  }
0x16b: {  	[sflag:s7] =	ssyncset.done $0x0  }
0x16c: {  	s6 =	sadd.s32 $0xFFFFFFFF, s6;
	[sflag:s7] =	ssyncadd.s32 $0xFFFF4000  }
0x16d: {  	_ =	sfence.sel $0x180000  }
0x16e: {  	[bflag:$0x0] =	sbarrier.arrive $0xFFFF  }
0x16f: {  	_ =	strace $0x9000004A  }
0x170: {  	s0 =	stileid.u32;
	[bflag:$0x2] =	sbarrier.arrive $0xFFFF  }
0x171: {  	p0 =	sne.s32 s0, $0x0;
	s0 =	rddreg [dreg:$0x1]  }
0x172: {  	s0 =	sadd.s32 @!p0 $0x100000, s0  }
0x173: {  	[sflag:s0] =	ssyncadd.tile.s32 @!p0 $0x1;
	_ =	shalt  }
.Lfunc_end2:
_tile_overlayer_lowered:
.L_overlay_start_2:
0x174: {  	(tag) =	ssettag $0x2  }
0x175: {  	s0 =	rddreg [dreg:$0x0];
	s2 =	stileid.u32  }
0x176: {  	s1 =	rddreg [dreg:$0x1];
	p0 =	sne.s32 s2, $0x0  }
0x177: {  	s3 =	rddreg [dreg:$0x2];
	[bflag:$0x3] =	sbarrier.arrive $0xFFFF;
	s2 =	simm.s32 @!p0 $0x1C02  }
0x178: {  	[timem:s3], [sflag:s2] =	dma.local @!p0 [hbm:s0], s1  }
0x179: {  	s0 =	simm.s32 @!p0 $0x2  }
0x17a: {  	_ =	swait.ge @!p0 [sflag:s0], s1  }
0x17b: {  	s1 =	ssub.s32 @!p0 $0x0, s1;
	[sflag:s0] =	ssyncset.done @!p0 $0x0  }
0x17c: {  	[sflag:s0] =	ssyncadd.s32 @!p0 s1  }
0x17d: {  	[bflag:$0x3] =	sbarrier.arrive $0xFFFF  }
0x17e: {  	_ =	shalt  }

</sc_bundles>
